<compile_context>
chip_gen: v7x
topology: tpu7x:2x2x1
jax: 0.10.2.dev20260603
libtpu: 0.0.44.dev20260713+nightly
codegen_flags: <defaults>
</compile_context>

<pallas_src>
import functools

import jax
import jax.numpy as jnp
from jax import lax
from jax.experimental import pallas as pl
from jax.experimental.pallas import tpu as pltpu
from jax.experimental.pallas import tpu_sc as plsc

NC = 2
NS = 16
NW = NC * NS
EB = 128
NBUF = 3
DCH = 8


def _mesh():
  return plsc.VectorSubcoreMesh(core_axis_name="c", subcore_axis_name="s")


def _make_degree_kernel(npad, bpw):
  gpw = bpw // DCH

  @functools.partial(
      pl.kernel,
      out_type=jax.ShapeDtypeStruct((NC * npad,), jnp.float32),
      mesh=_mesh(),
      scratch_types=(
          [pltpu.VMEM((DCH, EB), jnp.int32)] * 2
          + [pltpu.VMEM((EB,), jnp.float32)]
          + [pltpu.VMEM_SHARED((npad,), jnp.float32)]
          + [pltpu.SemaphoreType.DMA] * 2
      ),
  )
  def deg_kernel(edge_hbm, zeros_hbm, out_hbm, *scr):
    didx = list(scr[:2])
    ones_v = scr[2]
    acc_sh = scr[3]
    sems = list(scr[4:])

    c = lax.axis_index("c")
    s = lax.axis_index("s")
    wid = c * NS + s

    for i in range(EB // 16):
      ones_v[pl.ds(i * 16, 16)] = jnp.ones((16,), jnp.float32)

    @pl.when(s == 0)
    def _():
      pltpu.sync_copy(zeros_hbm, acc_sh)
    plsc.subcore_barrier()
    pl.delay(1024)

    def fire(p):
      for k in range(DCH):
        pltpu.async_copy(ones_v, acc_sh.at[didx[p].at[k]], sems[p], add=True)

    def drain(p):
      for k in range(DCH):
        pltpu.make_async_copy(ones_v, acc_sh.at[didx[p].at[k]], sems[p]).wait()

    for p in range(2):
      off = pl.multiple_of((p * NW + wid) * DCH, DCH)
      pltpu.sync_copy(edge_hbm.at[1, pl.ds(off, DCH)], didx[p])
      fire(p)

    def body(t2, carry):
      for p in range(2):
        g = 2 * t2 + 2 + p
        drain(p)
        off = pl.multiple_of((g * NW + wid) * DCH, DCH)
        pltpu.sync_copy(edge_hbm.at[1, pl.ds(off, DCH)], didx[p])
        fire(p)
      return carry

    lax.fori_loop(0, (gpw - 2) // 2, body, 0)
    drain(0)
    drain(1)
    plsc.subcore_barrier()
    pl.delay(1024)

    @pl.when(s == 0)
    def _():
      pltpu.sync_copy(acc_sh, out_hbm.at[pl.ds(c * npad, npad)])

  return deg_kernel


def _make_agg_kernel(npad, d, bpw):
  ngrp = bpw // NBUF
  rows_per_tile = npad // NS

  @functools.partial(
      pl.kernel,
      out_type=jax.ShapeDtypeStruct((NC * npad, d), jnp.float32),
      mesh=_mesh(),
      scratch_types=(
          [pltpu.VMEM((EB,), jnp.int32)] * NBUF
          + [pltpu.VMEM((EB,), jnp.int32)] * NBUF
          + [pltpu.VMEM((EB, d), jnp.float32)] * NBUF
          + [pltpu.VMEM_SHARED((npad, d), jnp.float32)]
          + [pltpu.SemaphoreType.DMA] * (2 * NBUF + 2)
      ),
  )
  def agg_kernel(xt_hbm, edge_hbm, zeros_hbm, out_hbm, *scr):
    sidx = list(scr[:NBUF])
    didx = list(scr[NBUF:2 * NBUF])
    rows = list(scr[2 * NBUF:3 * NBUF])
    acc_sh = scr[3 * NBUF]
    semg = list(scr[3 * NBUF + 1:4 * NBUF + 1])
    sems = list(scr[4 * NBUF + 1:5 * NBUF + 1])
    semis = scr[5 * NBUF + 1]
    semid = scr[5 * NBUF + 2]

    c = lax.axis_index("c")
    s = lax.axis_index("s")
    wid = c * NS + s

    r0 = s * rows_per_tile
    pltpu.sync_copy(zeros_hbm.at[pl.ds(r0, rows_per_tile)],
                    acc_sh.at[pl.ds(r0, rows_per_tile)])
    plsc.subcore_barrier()
    pl.delay(1024)

    def gb_of(g, j):
      return (g * NBUF + j) * NW + wid

    for j in range(NBUF):
      pltpu.sync_copy(edge_hbm.at[0, gb_of(0, j)], sidx[j])
      pltpu.async_copy(edge_hbm.at[1, gb_of(0, j)], didx[j], semid)
    for j in range(NBUF):
      pltpu.async_copy(xt_hbm.at[sidx[j]], rows[j], semg[j])

    def body(g, carry):
      for j in range(NBUF):
        pltpu.make_async_copy(edge_hbm.at[1, wid], didx[j], semid).wait()
      for j in range(NBUF):
        pltpu.make_async_copy(xt_hbm.at[sidx[j]], rows[j], semg[j]).wait()
        pltpu.async_copy(rows[j], acc_sh.at[didx[j]], sems[j], add=True)
        pltpu.async_copy(edge_hbm.at[0, gb_of(g + 1, j)], sidx[j], semis)
      for j in range(NBUF):
        pltpu.make_async_copy(edge_hbm.at[0, wid], sidx[j], semis).wait()
      for j in range(NBUF):
        pltpu.make_async_copy(rows[j], acc_sh.at[didx[j]], sems[j]).wait()
        pltpu.async_copy(xt_hbm.at[sidx[j]], rows[j], semg[j])
        pltpu.async_copy(edge_hbm.at[1, gb_of(g + 1, j)], didx[j], semid)
      return carry

    lax.fori_loop(0, ngrp - 1, body, 0)

    for j in range(NBUF):
      pltpu.make_async_copy(edge_hbm.at[1, wid], didx[j], semid).wait()
    for j in range(NBUF):
      pltpu.make_async_copy(xt_hbm.at[sidx[j]], rows[j], semg[j]).wait()
      pltpu.async_copy(rows[j], acc_sh.at[didx[j]], sems[j], add=True)
    for j in range(NBUF):
      pltpu.make_async_copy(rows[j], acc_sh.at[didx[j]], sems[j]).wait()
    plsc.subcore_barrier()
    pl.delay(1024)

    pltpu.sync_copy(acc_sh.at[pl.ds(r0, rows_per_tile)],
                    out_hbm.at[pl.ds(c * npad + r0, rows_per_tile)])

  return agg_kernel


def _make_scale_body(n):
  def _scale_body(x_ref, dd_ref, o_ref):
    dd = dd_ref[...]
    cnt = dd[0, :] + dd[1, :] + 1.0
    dis = jnp.expand_dims(lax.rsqrt(cnt), 1)[:n]
    o_ref[...] = x_ref[...] * dis
  return _scale_body


def _make_combine_body(n):
  def _combine_body(ya_ref, yb_ref, x_ref, dd_ref,
                    wc_ref, wl_ref, bc_ref, bl_ref, o_ref):
    dd = dd_ref[...]
    cnt = dd[0, :] + dd[1, :] + 1.0
    dis = jnp.expand_dims(lax.rsqrt(cnt), 1)[:n]
    y = dis * (ya_ref[0, :n] + yb_ref[0, :n]) + (dis * dis) * x_ref[...]
    dn = (((1,), (1,)), ((), ()))
    agg = lax.dot_general(y, wc_ref[...], dn,
                          preferred_element_type=jnp.float32) + bc_ref[...]
    o_ref[...] = lax.dot_general(agg, wl_ref[...], dn,
                                 preferred_element_type=jnp.float32)
    o_ref[...] += bl_ref[...]
  return _combine_body


def kernel(x, edge_index, W_conv, b_conv, W_lin, b_lin):
  n, d = x.shape
  e = edge_index.shape[1]

  npad = ((n + 127) // 128) * 128
  if npad == n:
    npad += 128
  unit = NBUF
  bpw = ((e + NW * EB - 1) // (NW * EB) + unit - 1) // unit * unit
  bpw_deg = (bpw // (2 * DCH)) * (2 * DCH)
  if bpw_deg * NW * EB < e:
    bpw_deg += 2 * DCH
    bpw = max(bpw, ((bpw_deg + unit - 1) // unit) * unit)
  e2 = bpw * NW * EB
  nbatch = e2 // EB

  pad_r = jnp.arange(e2 - e, dtype=jnp.int32)
  pads = jnp.stack([pad_r % n, n + pad_r % (npad - n)])
  edge3 = jnp.concatenate([edge_index, pads], axis=1).reshape(2, nbatch, EB)
  zeros_1d = jnp.zeros((npad,), jnp.float32)
  zeros_2d = jnp.zeros((npad, d), jnp.float32)

  degp = _make_degree_kernel(npad, bpw_deg)(edge3, zeros_1d)
  deg2 = degp.reshape(2, npad)

  dspec = pl.BlockSpec((2, npad), lambda i: (0, 0))
  fspec = pl.BlockSpec((n, d), lambda i: (0, 0))
  xt = pl.pallas_call(
      _make_scale_body(n),
      grid=(1,),
      in_specs=[fspec, dspec],
      out_specs=fspec,
      out_shape=jax.ShapeDtypeStruct((n, d), jnp.float32),
  )(x, deg2)

  y0 = _make_agg_kernel(npad, d, bpw)(xt, edge3, zeros_2d)
  y3 = y0.reshape(2, npad, d)

  h = W_conv.shape[0]
  pspec = pl.BlockSpec((1, npad, d), lambda i: (0, 0, 0))
  out = pl.pallas_call(
      _make_combine_body(n),
      grid=(1,),
      in_specs=[
          pspec,
          pl.BlockSpec((1, npad, d), lambda i: (1, 0, 0)),
          fspec,
          dspec,
          pl.BlockSpec((h, d), lambda i: (0, 0)),
          pl.BlockSpec((d, h), lambda i: (0, 0)),
          pl.BlockSpec((1, h), lambda i: (0, 0)),
          pl.BlockSpec((1, d), lambda i: (0, 0)),
      ],
      out_specs=fspec,
      out_shape=jax.ShapeDtypeStruct((n, d), jnp.float32),
  )(y3, y3, x, deg2,
    W_conv, W_lin, b_conv.reshape(1, h), b_lin.reshape(1, d))

  return out

# --- scband reference (transcript-rebuilt; emitter-appended) ---
"""Pipeline reference for scband-rect-l-13975823582298 (READ-ONLY COPY).

The authoritative reference and input builder live on the scoring server;
editing this copy changes nothing except your own understanding.
"""

import jax, jax.numpy as jnp
import numpy as np

N = 10000
E = 320000
D = 128  # in_channels
H = 128  # hidden_channels


def setup_inputs(seed: int = 0) -> dict:
    key = jax.random.key(seed)
    k1, k2, k3, k4 = jax.random.split(key, 4)
    x = jax.random.normal(k1, (N, D), dtype=jnp.float32)
    edge_index = jax.random.randint(k2, (2, E), 0, N, dtype=jnp.int32)
    # GCNConv linear weight (glorot), no bias inside lin; conv bias added after aggregation
    limit_c = np.sqrt(6.0 / (D + H))
    W_conv = jax.random.uniform(k3, (H, D), dtype=jnp.float32, minval=-limit_c, maxval=limit_c)
    b_conv = jnp.zeros((H,), dtype=jnp.float32)
    # output Linear(hidden_channels, in_channels), xavier_uniform weight
    limit_l = np.sqrt(6.0 / (H + D))
    W_lin = jax.random.uniform(k4, (D, H), dtype=jnp.float32, minval=-limit_l, maxval=limit_l)
    b_lin = jnp.zeros((D,), dtype=jnp.float32)
    return {"x": x, "edge_index": edge_index, "W_conv": W_conv, "b_conv": b_conv, "W_lin": W_lin, "b_lin": b_lin}


def reference(x, edge_index, W_conv, b_conv, W_lin, b_lin):
    n = x.shape[0]
    src = edge_index[0]
    dst = edge_index[1]
    # add self-loops (GCN normalization, normalize=True)
    loop = jnp.arange(n, dtype=src.dtype)
    src = jnp.concatenate([src, loop])
    dst = jnp.concatenate([dst, loop])
    ew = jnp.ones(src.shape[0], dtype=x.dtype)
    deg = jnp.zeros((n,), dtype=x.dtype).at[dst].add(ew)
    deg_inv_sqrt = jnp.where(deg > 0, jax.lax.rsqrt(jnp.maximum(deg, 1e-12)), 0.0)
    norm = deg_inv_sqrt[src] * deg_inv_sqrt[dst]
    # GCNConv: linear transform first, then normalized scatter-add aggregation
    h = x @ W_conv.T
    msg = h[src] * norm[:, None]
    agg = jnp.zeros((n, h.shape[1]), dtype=x.dtype).at[dst].add(msg)
    agg = agg + b_conv
    # dropout p=0.0 is identity; final linear projection back to in_channels
    out = agg @ W_lin.T + b_lin
    return out

if __name__ == "__main__":
    import jax
    _d = setup_inputs()
    print(jax.jit(kernel)(*tuple(_d.values())))

</pallas_src>

<mosaic_0001>
#map = affine_map<(d0, d1) -> (0, 0, 0)>
#map1 = affine_map<(d0, d1) -> (0)>
module attributes {stable_mosaic.version = 14 : i64} {
  func.func @deg_kernel(%arg0: i32, %arg1: i32, %arg2: memref<2x2592x128xi32, #tpu.memory_space<hbm>>, %arg3: memref<10112xf32, #tpu.memory_space<hbm>>, %arg4: memref<20224xf32, #tpu.memory_space<hbm>>, %arg5: memref<8x128xi32, #tpu.memory_space<vmem>>, %arg6: memref<8x128xi32, #tpu.memory_space<vmem>>, %arg7: memref<128xf32, #tpu.memory_space<vmem>>, %arg8: memref<10112xf32, #tpu.memory_space<vmem_shared>>, %arg9: memref<!tpu.dma_semaphore, #tpu.memory_space<semaphore_mem>>, %arg10: memref<!tpu.dma_semaphore, #tpu.memory_space<semaphore_mem>>) attributes {dimension_semantics = [#tpu.dimension_semantics<core_parallel>, #tpu.dimension_semantics<subcore_parallel>], iteration_bounds = array<i64: 2, 16>, scalar_prefetch = 0 : i64, scratch_operands = 6 : i64, tpu.core_type = #tpu.core_type<sc_vector_subcore>, window_params = [{transform_indices = #map}, {transform_indices = #map1}, {transform_indices = #map1}]} {
    %mul3A = arith.constant 16 : i32
    %mul3A_0 = arith.muli %arg0, %mul3A : i32
    %add3A = arith.addi %mul3A_0, %arg1 : i32
    %broadcast_in_dim3A = arith.constant 1.000000e+00 : f32
    %broadcast_in_dim3A_1 = vector.broadcast %broadcast_in_dim3A : f32 to vector<16xf32>
    %swap3A = arith.constant 0 : index
    %swap3A_2 = tpu.vector_load %arg7[%swap3A] {strides = array<i32>} : memref<128xf32, #tpu.memory_space<vmem>>, vector<16xf32>,
    %swap3A_3 = vector.shape_cast %swap3A_2 : vector<16xf32> to vector<16xf32>
    %swap3A_4 = vector.shape_cast %broadcast_in_dim3A_1 : vector<16xf32> to vector<16xf32>
    tpu.vector_store %arg7[%swap3A], %swap3A_4 {strides = array<i32>} : memref<128xf32, #tpu.memory_space<vmem>>, vector<16xf32>,
    %broadcast_in_dim3A_5 = arith.constant 1.000000e+00 : f32
    %broadcast_in_dim3A_6 = vector.broadcast %broadcast_in_dim3A_5 : f32 to vector<16xf32>
    %swap3A_7 = arith.constant 16 : index
    %swap3A_8 = tpu.vector_load %arg7[%swap3A_7] {strides = array<i32>} : memref<128xf32, #tpu.memory_space<vmem>>, vector<16xf32>,
    %swap3A_9 = vector.shape_cast %swap3A_8 : vector<16xf32> to vector<16xf32>
    %swap3A_10 = vector.shape_cast %broadcast_in_dim3A_6 : vector<16xf32> to vector<16xf32>
    tpu.vector_store %arg7[%swap3A_7], %swap3A_10 {strides = array<i32>} : memref<128xf32, #tpu.memory_space<vmem>>, vector<16xf32>,
    %broadcast_in_dim3A_11 = arith.constant 1.000000e+00 : f32
    %broadcast_in_dim3A_12 = vector.broadcast %broadcast_in_dim3A_11 : f32 to vector<16xf32>
    %swap3A_13 = arith.constant 32 : index
    %swap3A_14 = tpu.vector_load %arg7[%swap3A_13] {strides = array<i32>} : memref<128xf32, #tpu.memory_space<vmem>>, vector<16xf32>,
    %swap3A_15 = vector.shape_cast %swap3A_14 : vector<16xf32> to vector<16xf32>
    %swap3A_16 = vector.shape_cast %broadcast_in_dim3A_12 : vector<16xf32> to vector<16xf32>
    tpu.vector_store %arg7[%swap3A_13], %swap3A_16 {strides = array<i32>} : memref<128xf32, #tpu.memory_space<vmem>>, vector<16xf32>,
    %broadcast_in_dim3A_17 = arith.constant 1.000000e+00 : f32
    %broadcast_in_dim3A_18 = vector.broadcast %broadcast_in_dim3A_17 : f32 to vector<16xf32>
    %swap3A_19 = arith.constant 48 : index
    %swap3A_20 = tpu.vector_load %arg7[%swap3A_19] {strides = array<i32>} : memref<128xf32, #tpu.memory_space<vmem>>, vector<16xf32>,
    %swap3A_21 = vector.shape_cast %swap3A_20 : vector<16xf32> to vector<16xf32>
    %swap3A_22 = vector.shape_cast %broadcast_in_dim3A_18 : vector<16xf32> to vector<16xf32>
    tpu.vector_store %arg7[%swap3A_19], %swap3A_22 {strides = array<i32>} : memref<128xf32, #tpu.memory_space<vmem>>, vector<16xf32>,
    %broadcast_in_dim3A_23 = arith.constant 1.000000e+00 : f32
    %broadcast_in_dim3A_24 = vector.broadcast %broadcast_in_dim3A_23 : f32 to vector<16xf32>
    %swap3A_25 = arith.constant 64 : index
    %swap3A_26 = tpu.vector_load %arg7[%swap3A_25] {strides = array<i32>} : memref<128xf32, #tpu.memory_space<vmem>>, vector<16xf32>,
    %swap3A_27 = vector.shape_cast %swap3A_26 : vector<16xf32> to vector<16xf32>
    %swap3A_28 = vector.shape_cast %broadcast_in_dim3A_24 : vector<16xf32> to vector<16xf32>
    tpu.vector_store %arg7[%swap3A_25], %swap3A_28 {strides = array<i32>} : memref<128xf32, #tpu.memory_space<vmem>>, vector<16xf32>,
    %broadcast_in_dim3A_29 = arith.constant 1.000000e+00 : f32
    %broadcast_in_dim3A_30 = vector.broadcast %broadcast_in_dim3A_29 : f32 to vector<16xf32>
    %swap3A_31 = arith.constant 80 : index
    %swap3A_32 = tpu.vector_load %arg7[%swap3A_31] {strides = array<i32>} : memref<128xf32, #tpu.memory_space<vmem>>, vector<16xf32>,
    %swap3A_33 = vector.shape_cast %swap3A_32 : vector<16xf32> to vector<16xf32>
    %swap3A_34 = vector.shape_cast %broadcast_in_dim3A_30 : vector<16xf32> to vector<16xf32>
    tpu.vector_store %arg7[%swap3A_31], %swap3A_34 {strides = array<i32>} : memref<128xf32, #tpu.memory_space<vmem>>, vector<16xf32>,
    %broadcast_in_dim3A_35 = arith.constant 1.000000e+00 : f32
    %broadcast_in_dim3A_36 = vector.broadcast %broadcast_in_dim3A_35 : f32 to vector<16xf32>
    %swap3A_37 = arith.constant 96 : index
    %swap3A_38 = tpu.vector_load %arg7[%swap3A_37] {strides = array<i32>} : memref<128xf32, #tpu.memory_space<vmem>>, vector<16xf32>,
    %swap3A_39 = vector.shape_cast %swap3A_38 : vector<16xf32> to vector<16xf32>
    %swap3A_40 = vector.shape_cast %broadcast_in_dim3A_36 : vector<16xf32> to vector<16xf32>
    tpu.vector_store %arg7[%swap3A_37], %swap3A_40 {strides = array<i32>} : memref<128xf32, #tpu.memory_space<vmem>>, vector<16xf32>,
    %broadcast_in_dim3A_41 = arith.constant 1.000000e+00 : f32
    %broadcast_in_dim3A_42 = vector.broadcast %broadcast_in_dim3A_41 : f32 to vector<16xf32>
    %swap3A_43 = arith.constant 112 : index
    %swap3A_44 = tpu.vector_load %arg7[%swap3A_43] {strides = array<i32>} : memref<128xf32, #tpu.memory_space<vmem>>, vector<16xf32>,
    %swap3A_45 = vector.shape_cast %swap3A_44 : vector<16xf32> to vector<16xf32>
    %swap3A_46 = vector.shape_cast %broadcast_in_dim3A_42 : vector<16xf32> to vector<16xf32>
    tpu.vector_store %arg7[%swap3A_43], %swap3A_46 {strides = array<i32>} : memref<128xf32, #tpu.memory_space<vmem>>, vector<16xf32>,
    %eq3A = arith.constant 0 : i32
    %eq3A_47 = arith.cmpi eq, %arg1, %eq3A : i32
    %convert_element_type3A = arith.extui %eq3A_47 : i1 to i32
    %cond3A = arith.constant 0 : i32
    %cond3A_48 = arith.cmpi ne, %convert_element_type3A, %cond3A : i32
    scf.if %cond3A_48 {
      "tpu.region"() ({
        %run_scoped3A_261 = tpu.sem_alloc : memref<!tpu.dma_semaphore, #tpu.memory_space<semaphore_mem>>
        tpu.enqueue_dma source(%arg3 : memref<10112xf32, #tpu.memory_space<hbm>>) target(%arg8 : memref<10112xf32, #tpu.memory_space<vmem_shared>>) target_semaphore(%run_scoped3A_261 : memref<!tpu.dma_semaphore, #tpu.memory_space<semaphore_mem>>)
        tpu.wait_dma2 semaphore(%run_scoped3A_261 : memref<!tpu.dma_semaphore, #tpu.memory_space<semaphore_mem>>) src(%arg3 : memref<10112xf32, #tpu.memory_space<hbm>>) dst(%arg8 : memref<10112xf32, #tpu.memory_space<vmem_shared>>)
        tpu.yield
      }) : () -> ()
    } else {
    }
    %barrier3A = arith.constant 0 : index
    tpu.barrier barrier_id(%barrier3A)
    %delay3A = arith.constant 1024 : i32
    tpu.delay %delay3A
    %add3A_49 = arith.constant 0 : i32
    %add3A_50 = arith.addi %add3A_49, %add3A : i32
    %mul3A_51 = arith.constant 8 : i32
    %mul3A_52 = arith.muli %add3A_50, %mul3A_51 : i32
    %multiple_of3A = tpu.assume_multiple %mul3A_52, 8 : i32
    %run_scoped3A = arith.constant 1 : i32
    "tpu.region"() ({
      %run_scoped3A_261 = tpu.sem_alloc : memref<!tpu.dma_semaphore, #tpu.memory_space<semaphore_mem>>
      %dma_start3A_262 = arith.constant 0 : i32
      %dma_start3A_263 = tpu.memref_slice %arg2[%run_scoped3A, %multiple_of3A, %dma_start3A_262] : memref<2x2592x128xi32, #tpu.memory_space<hbm>> -> memref<1x8x128xi32, #tpu.memory_space<hbm>>
      %dma_start3A_264 = tpu.memref_squeeze %dma_start3A_263 : memref<1x8x128xi32, #tpu.memory_space<hbm>> -> memref<8x128xi32, #tpu.memory_space<hbm>>
      %dma_start3A_265 = arith.constant 0 : i32
      %dma_start3A_266 = tpu.memref_slice %arg2[%run_scoped3A, %multiple_of3A, %dma_start3A_265] : memref<2x2592x128xi32, #tpu.memory_space<hbm>> -> memref<1x8x128xi32, #tpu.memory_space<hbm>>
      %dma_start3A_267 = tpu.memref_squeeze %dma_start3A_266 : memref<1x8x128xi32, #tpu.memory_space<hbm>> -> memref<8x128xi32, #tpu.memory_space<hbm>>
      tpu.enqueue_dma source(%dma_start3A_267 : memref<8x128xi32, #tpu.memory_space<hbm>>) target(%arg5 : memref<8x128xi32, #tpu.memory_space<vmem>>) target_semaphore(%run_scoped3A_261 : memref<!tpu.dma_semaphore, #tpu.memory_space<semaphore_mem>>)
      %dma_wait3A_268 = arith.constant 0 : i32
      %dma_wait3A_269 = tpu.memref_slice %arg2[%run_scoped3A, %multiple_of3A, %dma_wait3A_268] : memref<2x2592x128xi32, #tpu.memory_space<hbm>> -> memref<1x8x128xi32, #tpu.memory_space<hbm>>
      %dma_wait3A_270 = tpu.memref_squeeze %dma_wait3A_269 : memref<1x8x128xi32, #tpu.memory_space<hbm>> -> memref<8x128xi32, #tpu.memory_space<hbm>>
      %dma_wait3A_271 = arith.constant 0 : i32
      %dma_wait3A_272 = tpu.memref_slice %arg2[%run_scoped3A, %multiple_of3A, %dma_wait3A_271] : memref<2x2592x128xi32, #tpu.memory_space<hbm>> -> memref<1x8x128xi32, #tpu.memory_space<hbm>>
      %dma_wait3A_273 = tpu.memref_squeeze %dma_wait3A_272 : memref<1x8x128xi32, #tpu.memory_space<hbm>> -> memref<8x128xi32, #tpu.memory_space<hbm>>
      tpu.wait_dma2 semaphore(%run_scoped3A_261 : memref<!tpu.dma_semaphore, #tpu.memory_space<semaphore_mem>>) src(%dma_wait3A_273 : memref<8x128xi32, #tpu.memory_space<hbm>>) dst(%arg5 : memref<8x128xi32, #tpu.memory_space<vmem>>)
      tpu.yield
    }) : () -> ()
    %dma_start3A = arith.constant 0 : i32
    %dma_start3A_53 = arith.constant 0 : i32
    %dma_start3A_54 = tpu.memref_slice %arg5[%dma_start3A, %dma_start3A_53] : memref<8x128xi32, #tpu.memory_space<vmem>> -> memref<1x128xi32, #tpu.memory_space<vmem>>
    %dma_start3A_55 = tpu.memref_squeeze %dma_start3A_54 : memref<1x128xi32, #tpu.memory_space<vmem>> -> memref<128xi32, #tpu.memory_space<vmem>>
    %dma_start3A_56 = arith.constant 0 : i32
    %dma_start3A_57 = tpu.memref_slice %arg8[%dma_start3A_56] : memref<10112xf32, #tpu.memory_space<vmem_shared>> -> memref<10112xf32, #tpu.memory_space<vmem_shared>>
    tpu.enqueue_indirect_dma source(%arg7 : memref<128xf32, #tpu.memory_space<vmem>>) target(%dma_start3A_57 : memref<10112xf32, #tpu.memory_space<vmem_shared>>) offsets(%dma_start3A_55 : memref<128xi32, #tpu.memory_space<vmem>>) semaphore(%arg9 : memref<!tpu.dma_semaphore, #tpu.memory_space<semaphore_mem>>) {add = true}
    %dma_start3A_58 = arith.constant 1 : i32
    %dma_start3A_59 = arith.constant 0 : i32
    %dma_start3A_60 = tpu.memref_slice %arg5[%dma_start3A_58, %dma_start3A_59] : memref<8x128xi32, #tpu.memory_space<vmem>> -> memref<1x128xi32, #tpu.memory_space<vmem>>
    %dma_start3A_61 = tpu.memref_squeeze %dma_start3A_60 : memref<1x128xi32, #tpu.memory_space<vmem>> -> memref<128xi32, #tpu.memory_space<vmem>>
    %dma_start3A_62 = arith.constant 0 : i32
    %dma_start3A_63 = tpu.memref_slice %arg8[%dma_start3A_62] : memref<10112xf32, #tpu.memory_space<vmem_shared>> -> memref<10112xf32, #tpu.memory_space<vmem_shared>>
    tpu.enqueue_indirect_dma source(%arg7 : memref<128xf32, #tpu.memory_space<vmem>>) target(%dma_start3A_63 : memref<10112xf32, #tpu.memory_space<vmem_shared>>) offsets(%dma_start3A_61 : memref<128xi32, #tpu.memory_space<vmem>>) semaphore(%arg9 : memref<!tpu.dma_semaphore, #tpu.memory_space<semaphore_mem>>) {add = true}
    %dma_start3A_64 = arith.constant 2 : i32
    %dma_start3A_65 = arith.constant 0 : i32
    %dma_start3A_66 = tpu.memref_slice %arg5[%dma_start3A_64, %dma_start3A_65] : memref<8x128xi32, #tpu.memory_space<vmem>> -> memref<1x128xi32, #tpu.memory_space<vmem>>
    %dma_start3A_67 = tpu.memref_squeeze %dma_start3A_66 : memref<1x128xi32, #tpu.memory_space<vmem>> -> memref<128xi32, #tpu.memory_space<vmem>>
    %dma_start3A_68 = arith.constant 0 : i32
    %dma_start3A_69 = tpu.memref_slice %arg8[%dma_start3A_68] : memref<10112xf32, #tpu.memory_space<vmem_shared>> -> memref<10112xf32, #tpu.memory_space<vmem_shared>>
    tpu.enqueue_indirect_dma source(%arg7 : memref<128xf32, #tpu.memory_space<vmem>>) target(%dma_start3A_69 : memref<10112xf32, #tpu.memory_space<vmem_shared>>) offsets(%dma_start3A_67 : memref<128xi32, #tpu.memory_space<vmem>>) semaphore(%arg9 : memref<!tpu.dma_semaphore, #tpu.memory_space<semaphore_mem>>) {add = true}
    %dma_start3A_70 = arith.constant 3 : i32
    %dma_start3A_71 = arith.constant 0 : i32
    %dma_start3A_72 = tpu.memref_slice %arg5[%dma_start3A_70, %dma_start3A_71] : memref<8x128xi32, #tpu.memory_space<vmem>> -> memref<1x128xi32, #tpu.memory_space<vmem>>
    %dma_start3A_73 = tpu.memref_squeeze %dma_start3A_72 : memref<1x128xi32, #tpu.memory_space<vmem>> -> memref<128xi32, #tpu.memory_space<vmem>>
    %dma_start3A_74 = arith.constant 0 : i32
    %dma_start3A_75 = tpu.memref_slice %arg8[%dma_start3A_74] : memref<10112xf32, #tpu.memory_space<vmem_shared>> -> memref<10112xf32, #tpu.memory_space<vmem_shared>>
    tpu.enqueue_indirect_dma source(%arg7 : memref<128xf32, #tpu.memory_space<vmem>>) target(%dma_start3A_75 : memref<10112xf32, #tpu.memory_space<vmem_shared>>) offsets(%dma_start3A_73 : memref<128xi32, #tpu.memory_space<vmem>>) semaphore(%arg9 : memref<!tpu.dma_semaphore, #tpu.memory_space<semaphore_mem>>) {add = true}
    %dma_start3A_76 = arith.constant 4 : i32
    %dma_start3A_77 = arith.constant 0 : i32
    %dma_start3A_78 = tpu.memref_slice %arg5[%dma_start3A_76, %dma_start3A_77] : memref<8x128xi32, #tpu.memory_space<vmem>> -> memref<1x128xi32, #tpu.memory_space<vmem>>
    %dma_start3A_79 = tpu.memref_squeeze %dma_start3A_78 : memref<1x128xi32, #tpu.memory_space<vmem>> -> memref<128xi32, #tpu.memory_space<vmem>>
    %dma_start3A_80 = arith.constant 0 : i32
    %dma_start3A_81 = tpu.memref_slice %arg8[%dma_start3A_80] : memref<10112xf32, #tpu.memory_space<vmem_shared>> -> memref<10112xf32, #tpu.memory_space<vmem_shared>>
    tpu.enqueue_indirect_dma source(%arg7 : memref<128xf32, #tpu.memory_space<vmem>>) target(%dma_start3A_81 : memref<10112xf32, #tpu.memory_space<vmem_shared>>) offsets(%dma_start3A_79 : memref<128xi32, #tpu.memory_space<vmem>>) semaphore(%arg9 : memref<!tpu.dma_semaphore, #tpu.memory_space<semaphore_mem>>) {add = true}
    %dma_start3A_82 = arith.constant 5 : i32
    %dma_start3A_83 = arith.constant 0 : i32
    %dma_start3A_84 = tpu.memref_slice %arg5[%dma_start3A_82, %dma_start3A_83] : memref<8x128xi32, #tpu.memory_space<vmem>> -> memref<1x128xi32, #tpu.memory_space<vmem>>
    %dma_start3A_85 = tpu.memref_squeeze %dma_start3A_84 : memref<1x128xi32, #tpu.memory_space<vmem>> -> memref<128xi32, #tpu.memory_space<vmem>>
    %dma_start3A_86 = arith.constant 0 : i32
    %dma_start3A_87 = tpu.memref_slice %arg8[%dma_start3A_86] : memref<10112xf32, #tpu.memory_space<vmem_shared>> -> memref<10112xf32, #tpu.memory_space<vmem_shared>>
    tpu.enqueue_indirect_dma source(%arg7 : memref<128xf32, #tpu.memory_space<vmem>>) target(%dma_start3A_87 : memref<10112xf32, #tpu.memory_space<vmem_shared>>) offsets(%dma_start3A_85 : memref<128xi32, #tpu.memory_space<vmem>>) semaphore(%arg9 : memref<!tpu.dma_semaphore, #tpu.memory_space<semaphore_mem>>) {add = true}
    %dma_start3A_88 = arith.constant 6 : i32
    %dma_start3A_89 = arith.constant 0 : i32
    %dma_start3A_90 = tpu.memref_slice %arg5[%dma_start3A_88, %dma_start3A_89] : memref<8x128xi32, #tpu.memory_space<vmem>> -> memref<1x128xi32, #tpu.memory_space<vmem>>
    %dma_start3A_91 = tpu.memref_squeeze %dma_start3A_90 : memref<1x128xi32, #tpu.memory_space<vmem>> -> memref<128xi32, #tpu.memory_space<vmem>>
    %dma_start3A_92 = arith.constant 0 : i32
    %dma_start3A_93 = tpu.memref_slice %arg8[%dma_start3A_92] : memref<10112xf32, #tpu.memory_space<vmem_shared>> -> memref<10112xf32, #tpu.memory_space<vmem_shared>>
    tpu.enqueue_indirect_dma source(%arg7 : memref<128xf32, #tpu.memory_space<vmem>>) target(%dma_start3A_93 : memref<10112xf32, #tpu.memory_space<vmem_shared>>) offsets(%dma_start3A_91 : memref<128xi32, #tpu.memory_space<vmem>>) semaphore(%arg9 : memref<!tpu.dma_semaphore, #tpu.memory_space<semaphore_mem>>) {add = true}
    %dma_start3A_94 = arith.constant 7 : i32
    %dma_start3A_95 = arith.constant 0 : i32
    %dma_start3A_96 = tpu.memref_slice %arg5[%dma_start3A_94, %dma_start3A_95] : memref<8x128xi32, #tpu.memory_space<vmem>> -> memref<1x128xi32, #tpu.memory_space<vmem>>
    %dma_start3A_97 = tpu.memref_squeeze %dma_start3A_96 : memref<1x128xi32, #tpu.memory_space<vmem>> -> memref<128xi32, #tpu.memory_space<vmem>>
    %dma_start3A_98 = arith.constant 0 : i32
    %dma_start3A_99 = tpu.memref_slice %arg8[%dma_start3A_98] : memref<10112xf32, #tpu.memory_space<vmem_shared>> -> memref<10112xf32, #tpu.memory_space<vmem_shared>>
    tpu.enqueue_indirect_dma source(%arg7 : memref<128xf32, #tpu.memory_space<vmem>>) target(%dma_start3A_99 : memref<10112xf32, #tpu.memory_space<vmem_shared>>) offsets(%dma_start3A_97 : memref<128xi32, #tpu.memory_space<vmem>>) semaphore(%arg9 : memref<!tpu.dma_semaphore, #tpu.memory_space<semaphore_mem>>) {add = true}
    %add3A_100 = arith.constant 32 : i32
    %add3A_101 = arith.addi %add3A_100, %add3A : i32
    %mul3A_102 = arith.constant 8 : i32
    %mul3A_103 = arith.muli %add3A_101, %mul3A_102 : i32
    %multiple_of3A_104 = tpu.assume_multiple %mul3A_103, 8 : i32
    %run_scoped3A_105 = arith.constant 1 : i32
    "tpu.region"() ({
      %run_scoped3A_261 = tpu.sem_alloc : memref<!tpu.dma_semaphore, #tpu.memory_space<semaphore_mem>>
      %dma_start3A_262 = arith.constant 0 : i32
      %dma_start3A_263 = tpu.memref_slice %arg2[%run_scoped3A_105, %multiple_of3A_104, %dma_start3A_262] : memref<2x2592x128xi32, #tpu.memory_space<hbm>> -> memref<1x8x128xi32, #tpu.memory_space<hbm>>
      %dma_start3A_264 = tpu.memref_squeeze %dma_start3A_263 : memref<1x8x128xi32, #tpu.memory_space<hbm>> -> memref<8x128xi32, #tpu.memory_space<hbm>>
      %dma_start3A_265 = arith.constant 0 : i32
      %dma_start3A_266 = tpu.memref_slice %arg2[%run_scoped3A_105, %multiple_of3A_104, %dma_start3A_265] : memref<2x2592x128xi32, #tpu.memory_space<hbm>> -> memref<1x8x128xi32, #tpu.memory_space<hbm>>
      %dma_start3A_267 = tpu.memref_squeeze %dma_start3A_266 : memref<1x8x128xi32, #tpu.memory_space<hbm>> -> memref<8x128xi32, #tpu.memory_space<hbm>>
      tpu.enqueue_dma source(%dma_start3A_267 : memref<8x128xi32, #tpu.memory_space<hbm>>) target(%arg6 : memref<8x128xi32, #tpu.memory_space<vmem>>) target_semaphore(%run_scoped3A_261 : memref<!tpu.dma_semaphore, #tpu.memory_space<semaphore_mem>>)
      %dma_wait3A_268 = arith.constant 0 : i32
      %dma_wait3A_269 = tpu.memref_slice %arg2[%run_scoped3A_105, %multiple_of3A_104, %dma_wait3A_268] : memref<2x2592x128xi32, #tpu.memory_space<hbm>> -> memref<1x8x128xi32, #tpu.memory_space<hbm>>
      %dma_wait3A_270 = tpu.memref_squeeze %dma_wait3A_269 : memref<1x8x128xi32, #tpu.memory_space<hbm>> -> memref<8x128xi32, #tpu.memory_space<hbm>>
      %dma_wait3A_271 = arith.constant 0 : i32
      %dma_wait3A_272 = tpu.memref_slice %arg2[%run_scoped3A_105, %multiple_of3A_104, %dma_wait3A_271] : memref<2x2592x128xi32, #tpu.memory_space<hbm>> -> memref<1x8x128xi32, #tpu.memory_space<hbm>>
      %dma_wait3A_273 = tpu.memref_squeeze %dma_wait3A_272 : memref<1x8x128xi32, #tpu.memory_space<hbm>> -> memref<8x128xi32, #tpu.memory_space<hbm>>
      tpu.wait_dma2 semaphore(%run_scoped3A_261 : memref<!tpu.dma_semaphore, #tpu.memory_space<semaphore_mem>>) src(%dma_wait3A_273 : memref<8x128xi32, #tpu.memory_space<hbm>>) dst(%arg6 : memref<8x128xi32, #tpu.memory_space<vmem>>)
      tpu.yield
    }) : () -> ()
    %dma_start3A_106 = arith.constant 0 : i32
    %dma_start3A_107 = arith.constant 0 : i32
    %dma_start3A_108 = tpu.memref_slice %arg6[%dma_start3A_106, %dma_start3A_107] : memref<8x128xi32, #tpu.memory_space<vmem>> -> memref<1x128xi32, #tpu.memory_space<vmem>>
    %dma_start3A_109 = tpu.memref_squeeze %dma_start3A_108 : memref<1x128xi32, #tpu.memory_space<vmem>> -> memref<128xi32, #tpu.memory_space<vmem>>
    %dma_start3A_110 = arith.constant 0 : i32
    %dma_start3A_111 = tpu.memref_slice %arg8[%dma_start3A_110] : memref<10112xf32, #tpu.memory_space<vmem_shared>> -> memref<10112xf32, #tpu.memory_space<vmem_shared>>
    tpu.enqueue_indirect_dma source(%arg7 : memref<128xf32, #tpu.memory_space<vmem>>) target(%dma_start3A_111 : memref<10112xf32, #tpu.memory_space<vmem_shared>>) offsets(%dma_start3A_109 : memref<128xi32, #tpu.memory_space<vmem>>) semaphore(%arg10 : memref<!tpu.dma_semaphore, #tpu.memory_space<semaphore_mem>>) {add = true}
    %dma_start3A_112 = arith.constant 1 : i32
    %dma_start3A_113 = arith.constant 0 : i32
    %dma_start3A_114 = tpu.memref_slice %arg6[%dma_start3A_112, %dma_start3A_113] : memref<8x128xi32, #tpu.memory_space<vmem>> -> memref<1x128xi32, #tpu.memory_space<vmem>>
    %dma_start3A_115 = tpu.memref_squeeze %dma_start3A_114 : memref<1x128xi32, #tpu.memory_space<vmem>> -> memref<128xi32, #tpu.memory_space<vmem>>
    %dma_start3A_116 = arith.constant 0 : i32
    %dma_start3A_117 = tpu.memref_slice %arg8[%dma_start3A_116] : memref<10112xf32, #tpu.memory_space<vmem_shared>> -> memref<10112xf32, #tpu.memory_space<vmem_shared>>
    tpu.enqueue_indirect_dma source(%arg7 : memref<128xf32, #tpu.memory_space<vmem>>) target(%dma_start3A_117 : memref<10112xf32, #tpu.memory_space<vmem_shared>>) offsets(%dma_start3A_115 : memref<128xi32, #tpu.memory_space<vmem>>) semaphore(%arg10 : memref<!tpu.dma_semaphore, #tpu.memory_space<semaphore_mem>>) {add = true}
    %dma_start3A_118 = arith.constant 2 : i32
    %dma_start3A_119 = arith.constant 0 : i32
    %dma_start3A_120 = tpu.memref_slice %arg6[%dma_start3A_118, %dma_start3A_119] : memref<8x128xi32, #tpu.memory_space<vmem>> -> memref<1x128xi32, #tpu.memory_space<vmem>>
    %dma_start3A_121 = tpu.memref_squeeze %dma_start3A_120 : memref<1x128xi32, #tpu.memory_space<vmem>> -> memref<128xi32, #tpu.memory_space<vmem>>
    %dma_start3A_122 = arith.constant 0 : i32
    %dma_start3A_123 = tpu.memref_slice %arg8[%dma_start3A_122] : memref<10112xf32, #tpu.memory_space<vmem_shared>> -> memref<10112xf32, #tpu.memory_space<vmem_shared>>
    tpu.enqueue_indirect_dma source(%arg7 : memref<128xf32, #tpu.memory_space<vmem>>) target(%dma_start3A_123 : memref<10112xf32, #tpu.memory_space<vmem_shared>>) offsets(%dma_start3A_121 : memref<128xi32, #tpu.memory_space<vmem>>) semaphore(%arg10 : memref<!tpu.dma_semaphore, #tpu.memory_space<semaphore_mem>>) {add = true}
    %dma_start3A_124 = arith.constant 3 : i32
    %dma_start3A_125 = arith.constant 0 : i32
    %dma_start3A_126 = tpu.memref_slice %arg6[%dma_start3A_124, %dma_start3A_125] : memref<8x128xi32, #tpu.memory_space<vmem>> -> memref<1x128xi32, #tpu.memory_space<vmem>>
    %dma_start3A_127 = tpu.memref_squeeze %dma_start3A_126 : memref<1x128xi32, #tpu.memory_space<vmem>> -> memref<128xi32, #tpu.memory_space<vmem>>
    %dma_start3A_128 = arith.constant 0 : i32
    %dma_start3A_129 = tpu.memref_slice %arg8[%dma_start3A_128] : memref<10112xf32, #tpu.memory_space<vmem_shared>> -> memref<10112xf32, #tpu.memory_space<vmem_shared>>
    tpu.enqueue_indirect_dma source(%arg7 : memref<128xf32, #tpu.memory_space<vmem>>) target(%dma_start3A_129 : memref<10112xf32, #tpu.memory_space<vmem_shared>>) offsets(%dma_start3A_127 : memref<128xi32, #tpu.memory_space<vmem>>) semaphore(%arg10 : memref<!tpu.dma_semaphore, #tpu.memory_space<semaphore_mem>>) {add = true}
    %dma_start3A_130 = arith.constant 4 : i32
    %dma_start3A_131 = arith.constant 0 : i32
    %dma_start3A_132 = tpu.memref_slice %arg6[%dma_start3A_130, %dma_start3A_131] : memref<8x128xi32, #tpu.memory_space<vmem>> -> memref<1x128xi32, #tpu.memory_space<vmem>>
    %dma_start3A_133 = tpu.memref_squeeze %dma_start3A_132 : memref<1x128xi32, #tpu.memory_space<vmem>> -> memref<128xi32, #tpu.memory_space<vmem>>
    %dma_start3A_134 = arith.constant 0 : i32
    %dma_start3A_135 = tpu.memref_slice %arg8[%dma_start3A_134] : memref<10112xf32, #tpu.memory_space<vmem_shared>> -> memref<10112xf32, #tpu.memory_space<vmem_shared>>
    tpu.enqueue_indirect_dma source(%arg7 : memref<128xf32, #tpu.memory_space<vmem>>) target(%dma_start3A_135 : memref<10112xf32, #tpu.memory_space<vmem_shared>>) offsets(%dma_start3A_133 : memref<128xi32, #tpu.memory_space<vmem>>) semaphore(%arg10 : memref<!tpu.dma_semaphore, #tpu.memory_space<semaphore_mem>>) {add = true}
    %dma_start3A_136 = arith.constant 5 : i32
    %dma_start3A_137 = arith.constant 0 : i32
    %dma_start3A_138 = tpu.memref_slice %arg6[%dma_start3A_136, %dma_start3A_137] : memref<8x128xi32, #tpu.memory_space<vmem>> -> memref<1x128xi32, #tpu.memory_space<vmem>>
    %dma_start3A_139 = tpu.memref_squeeze %dma_start3A_138 : memref<1x128xi32, #tpu.memory_space<vmem>> -> memref<128xi32, #tpu.memory_space<vmem>>
    %dma_start3A_140 = arith.constant 0 : i32
    %dma_start3A_141 = tpu.memref_slice %arg8[%dma_start3A_140] : memref<10112xf32, #tpu.memory_space<vmem_shared>> -> memref<10112xf32, #tpu.memory_space<vmem_shared>>
    tpu.enqueue_indirect_dma source(%arg7 : memref<128xf32, #tpu.memory_space<vmem>>) target(%dma_start3A_141 : memref<10112xf32, #tpu.memory_space<vmem_shared>>) offsets(%dma_start3A_139 : memref<128xi32, #tpu.memory_space<vmem>>) semaphore(%arg10 : memref<!tpu.dma_semaphore, #tpu.memory_space<semaphore_mem>>) {add = true}
    %dma_start3A_142 = arith.constant 6 : i32
    %dma_start3A_143 = arith.constant 0 : i32
    %dma_start3A_144 = tpu.memref_slice %arg6[%dma_start3A_142, %dma_start3A_143] : memref<8x128xi32, #tpu.memory_space<vmem>> -> memref<1x128xi32, #tpu.memory_space<vmem>>
    %dma_start3A_145 = tpu.memref_squeeze %dma_start3A_144 : memref<1x128xi32, #tpu.memory_space<vmem>> -> memref<128xi32, #tpu.memory_space<vmem>>
    %dma_start3A_146 = arith.constant 0 : i32
    %dma_start3A_147 = tpu.memref_slice %arg8[%dma_start3A_146] : memref<10112xf32, #tpu.memory_space<vmem_shared>> -> memref<10112xf32, #tpu.memory_space<vmem_shared>>
    tpu.enqueue_indirect_dma source(%arg7 : memref<128xf32, #tpu.memory_space<vmem>>) target(%dma_start3A_147 : memref<10112xf32, #tpu.memory_space<vmem_shared>>) offsets(%dma_start3A_145 : memref<128xi32, #tpu.memory_space<vmem>>) semaphore(%arg10 : memref<!tpu.dma_semaphore, #tpu.memory_space<semaphore_mem>>) {add = true}
    %dma_start3A_148 = arith.constant 7 : i32
    %dma_start3A_149 = arith.constant 0 : i32
    %dma_start3A_150 = tpu.memref_slice %arg6[%dma_start3A_148, %dma_start3A_149] : memref<8x128xi32, #tpu.memory_space<vmem>> -> memref<1x128xi32, #tpu.memory_space<vmem>>
    %dma_start3A_151 = tpu.memref_squeeze %dma_start3A_150 : memref<1x128xi32, #tpu.memory_space<vmem>> -> memref<128xi32, #tpu.memory_space<vmem>>
    %dma_start3A_152 = arith.constant 0 : i32
    %dma_start3A_153 = tpu.memref_slice %arg8[%dma_start3A_152] : memref<10112xf32, #tpu.memory_space<vmem_shared>> -> memref<10112xf32, #tpu.memory_space<vmem_shared>>
    tpu.enqueue_indirect_dma source(%arg7 : memref<128xf32, #tpu.memory_space<vmem>>) target(%dma_start3A_153 : memref<10112xf32, #tpu.memory_space<vmem_shared>>) offsets(%dma_start3A_151 : memref<128xi32, #tpu.memory_space<vmem>>) semaphore(%arg10 : memref<!tpu.dma_semaphore, #tpu.memory_space<semaphore_mem>>) {add = true}
    %scan3A = arith.constant 0 : i32
    %scan3A_154 = arith.constant 0 : i32
    %scan3A_155 = arith.constant 4 : i32
    %scan3A_156 = arith.addi %scan3A_154, %scan3A_155 : i32
    %scan3A_157 = arith.constant 1 : i32
    scf.for %scan3A_261 = %scan3A_154 to %scan3A_156 step %scan3A_157  : i32 {
      %mul3A_262 = arith.constant 2 : i32
      %mul3A_263 = arith.muli %mul3A_262, %scan3A_261 : i32
      %add3A_264 = arith.constant 2 : i32
      %add3A_265 = arith.addi %mul3A_263, %add3A_264 : i32
      %add3A_266 = arith.constant 0 : i32
      %add3A_267 = arith.addi %add3A_265, %add3A_266 : i32
      %dma_wait3A_268 = arith.constant 0 : i32
      %dma_wait3A_269 = arith.constant 0 : i32
      %dma_wait3A_270 = tpu.memref_slice %arg5[%dma_wait3A_268, %dma_wait3A_269] : memref<8x128xi32, #tpu.memory_space<vmem>> -> memref<1x128xi32, #tpu.memory_space<vmem>>
      %dma_wait3A_271 = tpu.memref_squeeze %dma_wait3A_270 : memref<1x128xi32, #tpu.memory_space<vmem>> -> memref<128xi32, #tpu.memory_space<vmem>>
      %dma_wait3A_272 = arith.constant 0 : i32
      %dma_wait3A_273 = tpu.memref_slice %arg8[%dma_wait3A_272] : memref<10112xf32, #tpu.memory_space<vmem_shared>> -> memref<10112xf32, #tpu.memory_space<vmem_shared>>
      tpu.wait_indirect_dma semaphore(%arg9 : memref<!tpu.dma_semaphore, #tpu.memory_space<semaphore_mem>>) src(%arg7 : memref<128xf32, #tpu.memory_space<vmem>>) dst(%dma_wait3A_273 : memref<10112xf32, #tpu.memory_space<vmem_shared>>)
      %dma_wait3A_274 = arith.constant 1 : i32
      %dma_wait3A_275 = arith.constant 0 : i32
      %dma_wait3A_276 = tpu.memref_slice %arg5[%dma_wait3A_274, %dma_wait3A_275] : memref<8x128xi32, #tpu.memory_space<vmem>> -> memref<1x128xi32, #tpu.memory_space<vmem>>
      %dma_wait3A_277 = tpu.memref_squeeze %dma_wait3A_276 : memref<1x128xi32, #tpu.memory_space<vmem>> -> memref<128xi32, #tpu.memory_space<vmem>>
      %dma_wait3A_278 = arith.constant 0 : i32
      %dma_wait3A_279 = tpu.memref_slice %arg8[%dma_wait3A_278] : memref<10112xf32, #tpu.memory_space<vmem_shared>> -> memref<10112xf32, #tpu.memory_space<vmem_shared>>
      tpu.wait_indirect_dma semaphore(%arg9 : memref<!tpu.dma_semaphore, #tpu.memory_space<semaphore_mem>>) src(%arg7 : memref<128xf32, #tpu.memory_space<vmem>>) dst(%dma_wait3A_279 : memref<10112xf32, #tpu.memory_space<vmem_shared>>)
      %dma_wait3A_280 = arith.constant 2 : i32
      %dma_wait3A_281 = arith.constant 0 : i32
      %dma_wait3A_282 = tpu.memref_slice %arg5[%dma_wait3A_280, %dma_wait3A_281] : memref<8x128xi32, #tpu.memory_space<vmem>> -> memref<1x128xi32, #tpu.memory_space<vmem>>
      %dma_wait3A_283 = tpu.memref_squeeze %dma_wait3A_282 : memref<1x128xi32, #tpu.memory_space<vmem>> -> memref<128xi32, #tpu.memory_space<vmem>>
      %dma_wait3A_284 = arith.constant 0 : i32
      %dma_wait3A_285 = tpu.memref_slice %arg8[%dma_wait3A_284] : memref<10112xf32, #tpu.memory_space<vmem_shared>> -> memref<10112xf32, #tpu.memory_space<vmem_shared>>
      tpu.wait_indirect_dma semaphore(%arg9 : memref<!tpu.dma_semaphore, #tpu.memory_space<semaphore_mem>>) src(%arg7 : memref<128xf32, #tpu.memory_space<vmem>>) dst(%dma_wait3A_285 : memref<10112xf32, #tpu.memory_space<vmem_shared>>)
      %dma_wait3A_286 = arith.constant 3 : i32
      %dma_wait3A_287 = arith.constant 0 : i32
      %dma_wait3A_288 = tpu.memref_slice %arg5[%dma_wait3A_286, %dma_wait3A_287] : memref<8x128xi32, #tpu.memory_space<vmem>> -> memref<1x128xi32, #tpu.memory_space<vmem>>
      %dma_wait3A_289 = tpu.memref_squeeze %dma_wait3A_288 : memref<1x128xi32, #tpu.memory_space<vmem>> -> memref<128xi32, #tpu.memory_space<vmem>>
      %dma_wait3A_290 = arith.constant 0 : i32
      %dma_wait3A_291 = tpu.memref_slice %arg8[%dma_wait3A_290] : memref<10112xf32, #tpu.memory_space<vmem_shared>> -> memref<10112xf32, #tpu.memory_space<vmem_shared>>
      tpu.wait_indirect_dma semaphore(%arg9 : memref<!tpu.dma_semaphore, #tpu.memory_space<semaphore_mem>>) src(%arg7 : memref<128xf32, #tpu.memory_space<vmem>>) dst(%dma_wait3A_291 : memref<10112xf32, #tpu.memory_space<vmem_shared>>)
      %dma_wait3A_292 = arith.constant 4 : i32
      %dma_wait3A_293 = arith.constant 0 : i32
      %dma_wait3A_294 = tpu.memref_slice %arg5[%dma_wait3A_292, %dma_wait3A_293] : memref<8x128xi32, #tpu.memory_space<vmem>> -> memref<1x128xi32, #tpu.memory_space<vmem>>
      %dma_wait3A_295 = tpu.memref_squeeze %dma_wait3A_294 : memref<1x128xi32, #tpu.memory_space<vmem>> -> memref<128xi32, #tpu.memory_space<vmem>>
      %dma_wait3A_296 = arith.constant 0 : i32
      %dma_wait3A_297 = tpu.memref_slice %arg8[%dma_wait3A_296] : memref<10112xf32, #tpu.memory_space<vmem_shared>> -> memref<10112xf32, #tpu.memory_space<vmem_shared>>
      tpu.wait_indirect_dma semaphore(%arg9 : memref<!tpu.dma_semaphore, #tpu.memory_space<semaphore_mem>>) src(%arg7 : memref<128xf32, #tpu.memory_space<vmem>>) dst(%dma_wait3A_297 : memref<10112xf32, #tpu.memory_space<vmem_shared>>)
      %dma_wait3A_298 = arith.constant 5 : i32
      %dma_wait3A_299 = arith.constant 0 : i32
      %dma_wait3A_300 = tpu.memref_slice %arg5[%dma_wait3A_298, %dma_wait3A_299] : memref<8x128xi32, #tpu.memory_space<vmem>> -> memref<1x128xi32, #tpu.memory_space<vmem>>
      %dma_wait3A_301 = tpu.memref_squeeze %dma_wait3A_300 : memref<1x128xi32, #tpu.memory_space<vmem>> -> memref<128xi32, #tpu.memory_space<vmem>>
      %dma_wait3A_302 = arith.constant 0 : i32
      %dma_wait3A_303 = tpu.memref_slice %arg8[%dma_wait3A_302] : memref<10112xf32, #tpu.memory_space<vmem_shared>> -> memref<10112xf32, #tpu.memory_space<vmem_shared>>
      tpu.wait_indirect_dma semaphore(%arg9 : memref<!tpu.dma_semaphore, #tpu.memory_space<semaphore_mem>>) src(%arg7 : memref<128xf32, #tpu.memory_space<vmem>>) dst(%dma_wait3A_303 : memref<10112xf32, #tpu.memory_space<vmem_shared>>)
      %dma_wait3A_304 = arith.constant 6 : i32
      %dma_wait3A_305 = arith.constant 0 : i32
      %dma_wait3A_306 = tpu.memref_slice %arg5[%dma_wait3A_304, %dma_wait3A_305] : memref<8x128xi32, #tpu.memory_space<vmem>> -> memref<1x128xi32, #tpu.memory_space<vmem>>
      %dma_wait3A_307 = tpu.memref_squeeze %dma_wait3A_306 : memref<1x128xi32, #tpu.memory_space<vmem>> -> memref<128xi32, #tpu.memory_space<vmem>>
      %dma_wait3A_308 = arith.constant 0 : i32
      %dma_wait3A_309 = tpu.memref_slice %arg8[%dma_wait3A_308] : memref<10112xf32, #tpu.memory_space<vmem_shared>> -> memref<10112xf32, #tpu.memory_space<vmem_shared>>
      tpu.wait_indirect_dma semaphore(%arg9 : memref<!tpu.dma_semaphore, #tpu.memory_space<semaphore_mem>>) src(%arg7 : memref<128xf32, #tpu.memory_space<vmem>>) dst(%dma_wait3A_309 : memref<10112xf32, #tpu.memory_space<vmem_shared>>)
      %dma_wait3A_310 = arith.constant 7 : i32
      %dma_wait3A_311 = arith.constant 0 : i32
      %dma_wait3A_312 = tpu.memref_slice %arg5[%dma_wait3A_310, %dma_wait3A_311] : memref<8x128xi32, #tpu.memory_space<vmem>> -> memref<1x128xi32, #tpu.memory_space<vmem>>
      %dma_wait3A_313 = tpu.memref_squeeze %dma_wait3A_312 : memref<1x128xi32, #tpu.memory_space<vmem>> -> memref<128xi32, #tpu.memory_space<vmem>>
      %dma_wait3A_314 = arith.constant 0 : i32
      %dma_wait3A_315 = tpu.memref_slice %arg8[%dma_wait3A_314] : memref<10112xf32, #tpu.memory_space<vmem_shared>> -> memref<10112xf32, #tpu.memory_space<vmem_shared>>
      tpu.wait_indirect_dma semaphore(%arg9 : memref<!tpu.dma_semaphore, #tpu.memory_space<semaphore_mem>>) src(%arg7 : memref<128xf32, #tpu.memory_space<vmem>>) dst(%dma_wait3A_315 : memref<10112xf32, #tpu.memory_space<vmem_shared>>)
      %mul3A_316 = arith.constant 32 : i32
      %mul3A_317 = arith.muli %add3A_267, %mul3A_316 : i32
      %add3A_318 = arith.addi %mul3A_317, %add3A : i32
      %mul3A_319 = arith.constant 8 : i32
      %mul3A_320 = arith.muli %add3A_318, %mul3A_319 : i32
      %multiple_of3A_321 = tpu.assume_multiple %mul3A_320, 8 : i32
      %run_scoped3A_322 = arith.constant 1 : i32
      "tpu.region"() ({
        %run_scoped3A_480 = tpu.sem_alloc : memref<!tpu.dma_semaphore, #tpu.memory_space<semaphore_mem>>
        %dma_start3A_481 = arith.constant 0 : i32
        %dma_start3A_482 = tpu.memref_slice %arg2[%run_scoped3A_322, %multiple_of3A_321, %dma_start3A_481] : memref<2x2592x128xi32, #tpu.memory_space<hbm>> -> memref<1x8x128xi32, #tpu.memory_space<hbm>>
        %dma_start3A_483 = tpu.memref_squeeze %dma_start3A_482 : memref<1x8x128xi32, #tpu.memory_space<hbm>> -> memref<8x128xi32, #tpu.memory_space<hbm>>
        %dma_start3A_484 = arith.constant 0 : i32
        %dma_start3A_485 = tpu.memref_slice %arg2[%run_scoped3A_322, %multiple_of3A_321, %dma_start3A_484] : memref<2x2592x128xi32, #tpu.memory_space<hbm>> -> memref<1x8x128xi32, #tpu.memory_space<hbm>>
        %dma_start3A_486 = tpu.memref_squeeze %dma_start3A_485 : memref<1x8x128xi32, #tpu.memory_space<hbm>> -> memref<8x128xi32, #tpu.memory_space<hbm>>
        tpu.enqueue_dma source(%dma_start3A_486 : memref<8x128xi32, #tpu.memory_space<hbm>>) target(%arg5 : memref<8x128xi32, #tpu.memory_space<vmem>>) target_semaphore(%run_scoped3A_480 : memref<!tpu.dma_semaphore, #tpu.memory_space<semaphore_mem>>)
        %dma_wait3A_487 = arith.constant 0 : i32
        %dma_wait3A_488 = tpu.memref_slice %arg2[%run_scoped3A_322, %multiple_of3A_321, %dma_wait3A_487] : memref<2x2592x128xi32, #tpu.memory_space<hbm>> -> memref<1x8x128xi32, #tpu.memory_space<hbm>>
        %dma_wait3A_489 = tpu.memref_squeeze %dma_wait3A_488 : memref<1x8x128xi32, #tpu.memory_space<hbm>> -> memref<8x128xi32, #tpu.memory_space<hbm>>
        %dma_wait3A_490 = arith.constant 0 : i32
        %dma_wait3A_491 = tpu.memref_slice %arg2[%run_scoped3A_322, %multiple_of3A_321, %dma_wait3A_490] : memref<2x2592x128xi32, #tpu.memory_space<hbm>> -> memref<1x8x128xi32, #tpu.memory_space<hbm>>
        %dma_wait3A_492 = tpu.memref_squeeze %dma_wait3A_491 : memref<1x8x128xi32, #tpu.memory_space<hbm>> -> memref<8x128xi32, #tpu.memory_space<hbm>>
        tpu.wait_dma2 semaphore(%run_scoped3A_480 : memref<!tpu.dma_semaphore, #tpu.memory_space<semaphore_mem>>) src(%dma_wait3A_492 : memref<8x128xi32, #tpu.memory_space<hbm>>) dst(%arg5 : memref<8x128xi32, #tpu.memory_space<vmem>>)
        tpu.yield
      }) : () -> ()
      %dma_start3A_323 = arith.constant 0 : i32
      %dma_start3A_324 = arith.constant 0 : i32
      %dma_start3A_325 = tpu.memref_slice %arg5[%dma_start3A_323, %dma_start3A_324] : memref<8x128xi32, #tpu.memory_space<vmem>> -> memref<1x128xi32, #tpu.memory_space<vmem>>
      %dma_start3A_326 = tpu.memref_squeeze %dma_start3A_325 : memref<1x128xi32, #tpu.memory_space<vmem>> -> memref<128xi32, #tpu.memory_space<vmem>>
      %dma_start3A_327 = arith.constant 0 : i32
      %dma_start3A_328 = tpu.memref_slice %arg8[%dma_start3A_327] : memref<10112xf32, #tpu.memory_space<vmem_shared>> -> memref<10112xf32, #tpu.memory_space<vmem_shared>>
      tpu.enqueue_indirect_dma source(%arg7 : memref<128xf32, #tpu.memory_space<vmem>>) target(%dma_start3A_328 : memref<10112xf32, #tpu.memory_space<vmem_shared>>) offsets(%dma_start3A_326 : memref<128xi32, #tpu.memory_space<vmem>>) semaphore(%arg9 : memref<!tpu.dma_semaphore, #tpu.memory_space<semaphore_mem>>) {add = true}
      %dma_start3A_329 = arith.constant 1 : i32
      %dma_start3A_330 = arith.constant 0 : i32
      %dma_start3A_331 = tpu.memref_slice %arg5[%dma_start3A_329, %dma_start3A_330] : memref<8x128xi32, #tpu.memory_space<vmem>> -> memref<1x128xi32, #tpu.memory_space<vmem>>
      %dma_start3A_332 = tpu.memref_squeeze %dma_start3A_331 : memref<1x128xi32, #tpu.memory_space<vmem>> -> memref<128xi32, #tpu.memory_space<vmem>>
      %dma_start3A_333 = arith.constant 0 : i32
      %dma_start3A_334 = tpu.memref_slice %arg8[%dma_start3A_333] : memref<10112xf32, #tpu.memory_space<vmem_shared>> -> memref<10112xf32, #tpu.memory_space<vmem_shared>>
      tpu.enqueue_indirect_dma source(%arg7 : memref<128xf32, #tpu.memory_space<vmem>>) target(%dma_start3A_334 : memref<10112xf32, #tpu.memory_space<vmem_shared>>) offsets(%dma_start3A_332 : memref<128xi32, #tpu.memory_space<vmem>>) semaphore(%arg9 : memref<!tpu.dma_semaphore, #tpu.memory_space<semaphore_mem>>) {add = true}
      %dma_start3A_335 = arith.constant 2 : i32
      %dma_start3A_336 = arith.constant 0 : i32
      %dma_start3A_337 = tpu.memref_slice %arg5[%dma_start3A_335, %dma_start3A_336] : memref<8x128xi32, #tpu.memory_space<vmem>> -> memref<1x128xi32, #tpu.memory_space<vmem>>
      %dma_start3A_338 = tpu.memref_squeeze %dma_start3A_337 : memref<1x128xi32, #tpu.memory_space<vmem>> -> memref<128xi32, #tpu.memory_space<vmem>>
      %dma_start3A_339 = arith.constant 0 : i32
      %dma_start3A_340 = tpu.memref_slice %arg8[%dma_start3A_339] : memref<10112xf32, #tpu.memory_space<vmem_shared>> -> memref<10112xf32, #tpu.memory_space<vmem_shared>>
      tpu.enqueue_indirect_dma source(%arg7 : memref<128xf32, #tpu.memory_space<vmem>>) target(%dma_start3A_340 : memref<10112xf32, #tpu.memory_space<vmem_shared>>) offsets(%dma_start3A_338 : memref<128xi32, #tpu.memory_space<vmem>>) semaphore(%arg9 : memref<!tpu.dma_semaphore, #tpu.memory_space<semaphore_mem>>) {add = true}
      %dma_start3A_341 = arith.constant 3 : i32
      %dma_start3A_342 = arith.constant 0 : i32
      %dma_start3A_343 = tpu.memref_slice %arg5[%dma_start3A_341, %dma_start3A_342] : memref<8x128xi32, #tpu.memory_space<vmem>> -> memref<1x128xi32, #tpu.memory_space<vmem>>
      %dma_start3A_344 = tpu.memref_squeeze %dma_start3A_343 : memref<1x128xi32, #tpu.memory_space<vmem>> -> memref<128xi32, #tpu.memory_space<vmem>>
      %dma_start3A_345 = arith.constant 0 : i32
      %dma_start3A_346 = tpu.memref_slice %arg8[%dma_start3A_345] : memref<10112xf32, #tpu.memory_space<vmem_shared>> -> memref<10112xf32, #tpu.memory_space<vmem_shared>>
      tpu.enqueue_indirect_dma source(%arg7 : memref<128xf32, #tpu.memory_space<vmem>>) target(%dma_start3A_346 : memref<10112xf32, #tpu.memory_space<vmem_shared>>) offsets(%dma_start3A_344 : memref<128xi32, #tpu.memory_space<vmem>>) semaphore(%arg9 : memref<!tpu.dma_semaphore, #tpu.memory_space<semaphore_mem>>) {add = true}
      %dma_start3A_347 = arith.constant 4 : i32
      %dma_start3A_348 = arith.constant 0 : i32
      %dma_start3A_349 = tpu.memref_slice %arg5[%dma_start3A_347, %dma_start3A_348] : memref<8x128xi32, #tpu.memory_space<vmem>> -> memref<1x128xi32, #tpu.memory_space<vmem>>
      %dma_start3A_350 = tpu.memref_squeeze %dma_start3A_349 : memref<1x128xi32, #tpu.memory_space<vmem>> -> memref<128xi32, #tpu.memory_space<vmem>>
      %dma_start3A_351 = arith.constant 0 : i32
      %dma_start3A_352 = tpu.memref_slice %arg8[%dma_start3A_351] : memref<10112xf32, #tpu.memory_space<vmem_shared>> -> memref<10112xf32, #tpu.memory_space<vmem_shared>>
      tpu.enqueue_indirect_dma source(%arg7 : memref<128xf32, #tpu.memory_space<vmem>>) target(%dma_start3A_352 : memref<10112xf32, #tpu.memory_space<vmem_shared>>) offsets(%dma_start3A_350 : memref<128xi32, #tpu.memory_space<vmem>>) semaphore(%arg9 : memref<!tpu.dma_semaphore, #tpu.memory_space<semaphore_mem>>) {add = true}
      %dma_start3A_353 = arith.constant 5 : i32
      %dma_start3A_354 = arith.constant 0 : i32
      %dma_start3A_355 = tpu.memref_slice %arg5[%dma_start3A_353, %dma_start3A_354] : memref<8x128xi32, #tpu.memory_space<vmem>> -> memref<1x128xi32, #tpu.memory_space<vmem>>
      %dma_start3A_356 = tpu.memref_squeeze %dma_start3A_355 : memref<1x128xi32, #tpu.memory_space<vmem>> -> memref<128xi32, #tpu.memory_space<vmem>>
      %dma_start3A_357 = arith.constant 0 : i32
      %dma_start3A_358 = tpu.memref_slice %arg8[%dma_start3A_357] : memref<10112xf32, #tpu.memory_space<vmem_shared>> -> memref<10112xf32, #tpu.memory_space<vmem_shared>>
      tpu.enqueue_indirect_dma source(%arg7 : memref<128xf32, #tpu.memory_space<vmem>>) target(%dma_start3A_358 : memref<10112xf32, #tpu.memory_space<vmem_shared>>) offsets(%dma_start3A_356 : memref<128xi32, #tpu.memory_space<vmem>>) semaphore(%arg9 : memref<!tpu.dma_semaphore, #tpu.memory_space<semaphore_mem>>) {add = true}
      %dma_start3A_359 = arith.constant 6 : i32
      %dma_start3A_360 = arith.constant 0 : i32
      %dma_start3A_361 = tpu.memref_slice %arg5[%dma_start3A_359, %dma_start3A_360] : memref<8x128xi32, #tpu.memory_space<vmem>> -> memref<1x128xi32, #tpu.memory_space<vmem>>
      %dma_start3A_362 = tpu.memref_squeeze %dma_start3A_361 : memref<1x128xi32, #tpu.memory_space<vmem>> -> memref<128xi32, #tpu.memory_space<vmem>>
      %dma_start3A_363 = arith.constant 0 : i32
      %dma_start3A_364 = tpu.memref_slice %arg8[%dma_start3A_363] : memref<10112xf32, #tpu.memory_space<vmem_shared>> -> memref<10112xf32, #tpu.memory_space<vmem_shared>>
      tpu.enqueue_indirect_dma source(%arg7 : memref<128xf32, #tpu.memory_space<vmem>>) target(%dma_start3A_364 : memref<10112xf32, #tpu.memory_space<vmem_shared>>) offsets(%dma_start3A_362 : memref<128xi32, #tpu.memory_space<vmem>>) semaphore(%arg9 : memref<!tpu.dma_semaphore, #tpu.memory_space<semaphore_mem>>) {add = true}
      %dma_start3A_365 = arith.constant 7 : i32
      %dma_start3A_366 = arith.constant 0 : i32
      %dma_start3A_367 = tpu.memref_slice %arg5[%dma_start3A_365, %dma_start3A_366] : memref<8x128xi32, #tpu.memory_space<vmem>> -> memref<1x128xi32, #tpu.memory_space<vmem>>
      %dma_start3A_368 = tpu.memref_squeeze %dma_start3A_367 : memref<1x128xi32, #tpu.memory_space<vmem>> -> memref<128xi32, #tpu.memory_space<vmem>>
      %dma_start3A_369 = arith.constant 0 : i32
      %dma_start3A_370 = tpu.memref_slice %arg8[%dma_start3A_369] : memref<10112xf32, #tpu.memory_space<vmem_shared>> -> memref<10112xf32, #tpu.memory_space<vmem_shared>>
      tpu.enqueue_indirect_dma source(%arg7 : memref<128xf32, #tpu.memory_space<vmem>>) target(%dma_start3A_370 : memref<10112xf32, #tpu.memory_space<vmem_shared>>) offsets(%dma_start3A_368 : memref<128xi32, #tpu.memory_space<vmem>>) semaphore(%arg9 : memref<!tpu.dma_semaphore, #tpu.memory_space<semaphore_mem>>) {add = true}
      %mul3A_371 = arith.constant 2 : i32
      %mul3A_372 = arith.muli %mul3A_371, %scan3A_261 : i32
      %add3A_373 = arith.constant 2 : i32
      %add3A_374 = arith.addi %mul3A_372, %add3A_373 : i32
      %add3A_375 = arith.constant 1 : i32
      %add3A_376 = arith.addi %add3A_374, %add3A_375 : i32
      %dma_wait3A_377 = arith.constant 0 : i32
      %dma_wait3A_378 = arith.constant 0 : i32
      %dma_wait3A_379 = tpu.memref_slice %arg6[%dma_wait3A_377, %dma_wait3A_378] : memref<8x128xi32, #tpu.memory_space<vmem>> -> memref<1x128xi32, #tpu.memory_space<vmem>>
      %dma_wait3A_380 = tpu.memref_squeeze %dma_wait3A_379 : memref<1x128xi32, #tpu.memory_space<vmem>> -> memref<128xi32, #tpu.memory_space<vmem>>
      %dma_wait3A_381 = arith.constant 0 : i32
      %dma_wait3A_382 = tpu.memref_slice %arg8[%dma_wait3A_381] : memref<10112xf32, #tpu.memory_space<vmem_shared>> -> memref<10112xf32, #tpu.memory_space<vmem_shared>>
      tpu.wait_indirect_dma semaphore(%arg10 : memref<!tpu.dma_semaphore, #tpu.memory_space<semaphore_mem>>) src(%arg7 : memref<128xf32, #tpu.memory_space<vmem>>) dst(%dma_wait3A_382 : memref<10112xf32, #tpu.memory_space<vmem_shared>>)
      %dma_wait3A_383 = arith.constant 1 : i32
      %dma_wait3A_384 = arith.constant 0 : i32
      %dma_wait3A_385 = tpu.memref_slice %arg6[%dma_wait3A_383, %dma_wait3A_384] : memref<8x128xi32, #tpu.memory_space<vmem>> -> memref<1x128xi32, #tpu.memory_space<vmem>>
      %dma_wait3A_386 = tpu.memref_squeeze %dma_wait3A_385 : memref<1x128xi32, #tpu.memory_space<vmem>> -> memref<128xi32, #tpu.memory_space<vmem>>
      %dma_wait3A_387 = arith.constant 0 : i32
      %dma_wait3A_388 = tpu.memref_slice %arg8[%dma_wait3A_387] : memref<10112xf32, #tpu.memory_space<vmem_shared>> -> memref<10112xf32, #tpu.memory_space<vmem_shared>>
      tpu.wait_indirect_dma semaphore(%arg10 : memref<!tpu.dma_semaphore, #tpu.memory_space<semaphore_mem>>) src(%arg7 : memref<128xf32, #tpu.memory_space<vmem>>) dst(%dma_wait3A_388 : memref<10112xf32, #tpu.memory_space<vmem_shared>>)
      %dma_wait3A_389 = arith.constant 2 : i32
      %dma_wait3A_390 = arith.constant 0 : i32
      %dma_wait3A_391 = tpu.memref_slice %arg6[%dma_wait3A_389, %dma_wait3A_390] : memref<8x128xi32, #tpu.memory_space<vmem>> -> memref<1x128xi32, #tpu.memory_space<vmem>>
      %dma_wait3A_392 = tpu.memref_squeeze %dma_wait3A_391 : memref<1x128xi32, #tpu.memory_space<vmem>> -> memref<128xi32, #tpu.memory_space<vmem>>
      %dma_wait3A_393 = arith.constant 0 : i32
      %dma_wait3A_394 = tpu.memref_slice %arg8[%dma_wait3A_393] : memref<10112xf32, #tpu.memory_space<vmem_shared>> -> memref<10112xf32, #tpu.memory_space<vmem_shared>>
      tpu.wait_indirect_dma semaphore(%arg10 : memref<!tpu.dma_semaphore, #tpu.memory_space<semaphore_mem>>) src(%arg7 : memref<128xf32, #tpu.memory_space<vmem>>) dst(%dma_wait3A_394 : memref<10112xf32, #tpu.memory_space<vmem_shared>>)
      %dma_wait3A_395 = arith.constant 3 : i32
      %dma_wait3A_396 = arith.constant 0 : i32
      %dma_wait3A_397 = tpu.memref_slice %arg6[%dma_wait3A_395, %dma_wait3A_396] : memref<8x128xi32, #tpu.memory_space<vmem>> -> memref<1x128xi32, #tpu.memory_space<vmem>>
      %dma_wait3A_398 = tpu.memref_squeeze %dma_wait3A_397 : memref<1x128xi32, #tpu.memory_space<vmem>> -> memref<128xi32, #tpu.memory_space<vmem>>
      %dma_wait3A_399 = arith.constant 0 : i32
      %dma_wait3A_400 = tpu.memref_slice %arg8[%dma_wait3A_399] : memref<10112xf32, #tpu.memory_space<vmem_shared>> -> memref<10112xf32, #tpu.memory_space<vmem_shared>>
      tpu.wait_indirect_dma semaphore(%arg10 : memref<!tpu.dma_semaphore, #tpu.memory_space<semaphore_mem>>) src(%arg7 : memref<128xf32, #tpu.memory_space<vmem>>) dst(%dma_wait3A_400 : memref<10112xf32, #tpu.memory_space<vmem_shared>>)
      %dma_wait3A_401 = arith.constant 4 : i32
      %dma_wait3A_402 = arith.constant 0 : i32
      %dma_wait3A_403 = tpu.memref_slice %arg6[%dma_wait3A_401, %dma_wait3A_402] : memref<8x128xi32, #tpu.memory_space<vmem>> -> memref<1x128xi32, #tpu.memory_space<vmem>>
      %dma_wait3A_404 = tpu.memref_squeeze %dma_wait3A_403 : memref<1x128xi32, #tpu.memory_space<vmem>> -> memref<128xi32, #tpu.memory_space<vmem>>
      %dma_wait3A_405 = arith.constant 0 : i32
      %dma_wait3A_406 = tpu.memref_slice %arg8[%dma_wait3A_405] : memref<10112xf32, #tpu.memory_space<vmem_shared>> -> memref<10112xf32, #tpu.memory_space<vmem_shared>>
      tpu.wait_indirect_dma semaphore(%arg10 : memref<!tpu.dma_semaphore, #tpu.memory_space<semaphore_mem>>) src(%arg7 : memref<128xf32, #tpu.memory_space<vmem>>) dst(%dma_wait3A_406 : memref<10112xf32, #tpu.memory_space<vmem_shared>>)
      %dma_wait3A_407 = arith.constant 5 : i32
      %dma_wait3A_408 = arith.constant 0 : i32
      %dma_wait3A_409 = tpu.memref_slice %arg6[%dma_wait3A_407, %dma_wait3A_408] : memref<8x128xi32, #tpu.memory_space<vmem>> -> memref<1x128xi32, #tpu.memory_space<vmem>>
      %dma_wait3A_410 = tpu.memref_squeeze %dma_wait3A_409 : memref<1x128xi32, #tpu.memory_space<vmem>> -> memref<128xi32, #tpu.memory_space<vmem>>
      %dma_wait3A_411 = arith.constant 0 : i32
      %dma_wait3A_412 = tpu.memref_slice %arg8[%dma_wait3A_411] : memref<10112xf32, #tpu.memory_space<vmem_shared>> -> memref<10112xf32, #tpu.memory_space<vmem_shared>>
      tpu.wait_indirect_dma semaphore(%arg10 : memref<!tpu.dma_semaphore, #tpu.memory_space<semaphore_mem>>) src(%arg7 : memref<128xf32, #tpu.memory_space<vmem>>) dst(%dma_wait3A_412 : memref<10112xf32, #tpu.memory_space<vmem_shared>>)
      %dma_wait3A_413 = arith.constant 6 : i32
      %dma_wait3A_414 = arith.constant 0 : i32
      %dma_wait3A_415 = tpu.memref_slice %arg6[%dma_wait3A_413, %dma_wait3A_414] : memref<8x128xi32, #tpu.memory_space<vmem>> -> memref<1x128xi32, #tpu.memory_space<vmem>>
      %dma_wait3A_416 = tpu.memref_squeeze %dma_wait3A_415 : memref<1x128xi32, #tpu.memory_space<vmem>> -> memref<128xi32, #tpu.memory_space<vmem>>
      %dma_wait3A_417 = arith.constant 0 : i32
      %dma_wait3A_418 = tpu.memref_slice %arg8[%dma_wait3A_417] : memref<10112xf32, #tpu.memory_space<vmem_shared>> -> memref<10112xf32, #tpu.memory_space<vmem_shared>>
      tpu.wait_indirect_dma semaphore(%arg10 : memref<!tpu.dma_semaphore, #tpu.memory_space<semaphore_mem>>) src(%arg7 : memref<128xf32, #tpu.memory_space<vmem>>) dst(%dma_wait3A_418 : memref<10112xf32, #tpu.memory_space<vmem_shared>>)
      %dma_wait3A_419 = arith.constant 7 : i32
      %dma_wait3A_420 = arith.constant 0 : i32
      %dma_wait3A_421 = tpu.memref_slice %arg6[%dma_wait3A_419, %dma_wait3A_420] : memref<8x128xi32, #tpu.memory_space<vmem>> -> memref<1x128xi32, #tpu.memory_space<vmem>>
      %dma_wait3A_422 = tpu.memref_squeeze %dma_wait3A_421 : memref<1x128xi32, #tpu.memory_space<vmem>> -> memref<128xi32, #tpu.memory_space<vmem>>
      %dma_wait3A_423 = arith.constant 0 : i32
      %dma_wait3A_424 = tpu.memref_slice %arg8[%dma_wait3A_423] : memref<10112xf32, #tpu.memory_space<vmem_shared>> -> memref<10112xf32, #tpu.memory_space<vmem_shared>>
      tpu.wait_indirect_dma semaphore(%arg10 : memref<!tpu.dma_semaphore, #tpu.memory_space<semaphore_mem>>) src(%arg7 : memref<128xf32, #tpu.memory_space<vmem>>) dst(%dma_wait3A_424 : memref<10112xf32, #tpu.memory_space<vmem_shared>>)
      %mul3A_425 = arith.constant 32 : i32
      %mul3A_426 = arith.muli %add3A_376, %mul3A_425 : i32
      %add3A_427 = arith.addi %mul3A_426, %add3A : i32
      %mul3A_428 = arith.constant 8 : i32
      %mul3A_429 = arith.muli %add3A_427, %mul3A_428 : i32
      %multiple_of3A_430 = tpu.assume_multiple %mul3A_429, 8 : i32
      %run_scoped3A_431 = arith.constant 1 : i32
      "tpu.region"() ({
        %run_scoped3A_480 = tpu.sem_alloc : memref<!tpu.dma_semaphore, #tpu.memory_space<semaphore_mem>>
        %dma_start3A_481 = arith.constant 0 : i32
        %dma_start3A_482 = tpu.memref_slice %arg2[%run_scoped3A_431, %multiple_of3A_430, %dma_start3A_481] : memref<2x2592x128xi32, #tpu.memory_space<hbm>> -> memref<1x8x128xi32, #tpu.memory_space<hbm>>
        %dma_start3A_483 = tpu.memref_squeeze %dma_start3A_482 : memref<1x8x128xi32, #tpu.memory_space<hbm>> -> memref<8x128xi32, #tpu.memory_space<hbm>>
        %dma_start3A_484 = arith.constant 0 : i32
        %dma_start3A_485 = tpu.memref_slice %arg2[%run_scoped3A_431, %multiple_of3A_430, %dma_start3A_484] : memref<2x2592x128xi32, #tpu.memory_space<hbm>> -> memref<1x8x128xi32, #tpu.memory_space<hbm>>
        %dma_start3A_486 = tpu.memref_squeeze %dma_start3A_485 : memref<1x8x128xi32, #tpu.memory_space<hbm>> -> memref<8x128xi32, #tpu.memory_space<hbm>>
        tpu.enqueue_dma source(%dma_start3A_486 : memref<8x128xi32, #tpu.memory_space<hbm>>) target(%arg6 : memref<8x128xi32, #tpu.memory_space<vmem>>) target_semaphore(%run_scoped3A_480 : memref<!tpu.dma_semaphore, #tpu.memory_space<semaphore_mem>>)
        %dma_wait3A_487 = arith.constant 0 : i32
        %dma_wait3A_488 = tpu.memref_slice %arg2[%run_scoped3A_431, %multiple_of3A_430, %dma_wait3A_487] : memref<2x2592x128xi32, #tpu.memory_space<hbm>> -> memref<1x8x128xi32, #tpu.memory_space<hbm>>
        %dma_wait3A_489 = tpu.memref_squeeze %dma_wait3A_488 : memref<1x8x128xi32, #tpu.memory_space<hbm>> -> memref<8x128xi32, #tpu.memory_space<hbm>>
        %dma_wait3A_490 = arith.constant 0 : i32
        %dma_wait3A_491 = tpu.memref_slice %arg2[%run_scoped3A_431, %multiple_of3A_430, %dma_wait3A_490] : memref<2x2592x128xi32, #tpu.memory_space<hbm>> -> memref<1x8x128xi32, #tpu.memory_space<hbm>>
        %dma_wait3A_492 = tpu.memref_squeeze %dma_wait3A_491 : memref<1x8x128xi32, #tpu.memory_space<hbm>> -> memref<8x128xi32, #tpu.memory_space<hbm>>
        tpu.wait_dma2 semaphore(%run_scoped3A_480 : memref<!tpu.dma_semaphore, #tpu.memory_space<semaphore_mem>>) src(%dma_wait3A_492 : memref<8x128xi32, #tpu.memory_space<hbm>>) dst(%arg6 : memref<8x128xi32, #tpu.memory_space<vmem>>)
        tpu.yield
      }) : () -> ()
      %dma_start3A_432 = arith.constant 0 : i32
      %dma_start3A_433 = arith.constant 0 : i32
      %dma_start3A_434 = tpu.memref_slice %arg6[%dma_start3A_432, %dma_start3A_433] : memref<8x128xi32, #tpu.memory_space<vmem>> -> memref<1x128xi32, #tpu.memory_space<vmem>>
      %dma_start3A_435 = tpu.memref_squeeze %dma_start3A_434 : memref<1x128xi32, #tpu.memory_space<vmem>> -> memref<128xi32, #tpu.memory_space<vmem>>
      %dma_start3A_436 = arith.constant 0 : i32
      %dma_start3A_437 = tpu.memref_slice %arg8[%dma_start3A_436] : memref<10112xf32, #tpu.memory_space<vmem_shared>> -> memref<10112xf32, #tpu.memory_space<vmem_shared>>
      tpu.enqueue_indirect_dma source(%arg7 : memref<128xf32, #tpu.memory_space<vmem>>) target(%dma_start3A_437 : memref<10112xf32, #tpu.memory_space<vmem_shared>>) offsets(%dma_start3A_435 : memref<128xi32, #tpu.memory_space<vmem>>) semaphore(%arg10 : memref<!tpu.dma_semaphore, #tpu.memory_space<semaphore_mem>>) {add = true}
      %dma_start3A_438 = arith.constant 1 : i32
      %dma_start3A_439 = arith.constant 0 : i32
      %dma_start3A_440 = tpu.memref_slice %arg6[%dma_start3A_438, %dma_start3A_439] : memref<8x128xi32, #tpu.memory_space<vmem>> -> memref<1x128xi32, #tpu.memory_space<vmem>>
      %dma_start3A_441 = tpu.memref_squeeze %dma_start3A_440 : memref<1x128xi32, #tpu.memory_space<vmem>> -> memref<128xi32, #tpu.memory_space<vmem>>
      %dma_start3A_442 = arith.constant 0 : i32
      %dma_start3A_443 = tpu.memref_slice %arg8[%dma_start3A_442] : memref<10112xf32, #tpu.memory_space<vmem_shared>> -> memref<10112xf32, #tpu.memory_space<vmem_shared>>
      tpu.enqueue_indirect_dma source(%arg7 : memref<128xf32, #tpu.memory_space<vmem>>) target(%dma_start3A_443 : memref<10112xf32, #tpu.memory_space<vmem_shared>>) offsets(%dma_start3A_441 : memref<128xi32, #tpu.memory_space<vmem>>) semaphore(%arg10 : memref<!tpu.dma_semaphore, #tpu.memory_space<semaphore_mem>>) {add = true}
      %dma_start3A_444 = arith.constant 2 : i32
      %dma_start3A_445 = arith.constant 0 : i32
      %dma_start3A_446 = tpu.memref_slice %arg6[%dma_start3A_444, %dma_start3A_445] : memref<8x128xi32, #tpu.memory_space<vmem>> -> memref<1x128xi32, #tpu.memory_space<vmem>>
      %dma_start3A_447 = tpu.memref_squeeze %dma_start3A_446 : memref<1x128xi32, #tpu.memory_space<vmem>> -> memref<128xi32, #tpu.memory_space<vmem>>
      %dma_start3A_448 = arith.constant 0 : i32
      %dma_start3A_449 = tpu.memref_slice %arg8[%dma_start3A_448] : memref<10112xf32, #tpu.memory_space<vmem_shared>> -> memref<10112xf32, #tpu.memory_space<vmem_shared>>
      tpu.enqueue_indirect_dma source(%arg7 : memref<128xf32, #tpu.memory_space<vmem>>) target(%dma_start3A_449 : memref<10112xf32, #tpu.memory_space<vmem_shared>>) offsets(%dma_start3A_447 : memref<128xi32, #tpu.memory_space<vmem>>) semaphore(%arg10 : memref<!tpu.dma_semaphore, #tpu.memory_space<semaphore_mem>>) {add = true}
      %dma_start3A_450 = arith.constant 3 : i32
      %dma_start3A_451 = arith.constant 0 : i32
      %dma_start3A_452 = tpu.memref_slice %arg6[%dma_start3A_450, %dma_start3A_451] : memref<8x128xi32, #tpu.memory_space<vmem>> -> memref<1x128xi32, #tpu.memory_space<vmem>>
      %dma_start3A_453 = tpu.memref_squeeze %dma_start3A_452 : memref<1x128xi32, #tpu.memory_space<vmem>> -> memref<128xi32, #tpu.memory_space<vmem>>
      %dma_start3A_454 = arith.constant 0 : i32
      %dma_start3A_455 = tpu.memref_slice %arg8[%dma_start3A_454] : memref<10112xf32, #tpu.memory_space<vmem_shared>> -> memref<10112xf32, #tpu.memory_space<vmem_shared>>
      tpu.enqueue_indirect_dma source(%arg7 : memref<128xf32, #tpu.memory_space<vmem>>) target(%dma_start3A_455 : memref<10112xf32, #tpu.memory_space<vmem_shared>>) offsets(%dma_start3A_453 : memref<128xi32, #tpu.memory_space<vmem>>) semaphore(%arg10 : memref<!tpu.dma_semaphore, #tpu.memory_space<semaphore_mem>>) {add = true}
      %dma_start3A_456 = arith.constant 4 : i32
      %dma_start3A_457 = arith.constant 0 : i32
      %dma_start3A_458 = tpu.memref_slice %arg6[%dma_start3A_456, %dma_start3A_457] : memref<8x128xi32, #tpu.memory_space<vmem>> -> memref<1x128xi32, #tpu.memory_space<vmem>>
      %dma_start3A_459 = tpu.memref_squeeze %dma_start3A_458 : memref<1x128xi32, #tpu.memory_space<vmem>> -> memref<128xi32, #tpu.memory_space<vmem>>
      %dma_start3A_460 = arith.constant 0 : i32
      %dma_start3A_461 = tpu.memref_slice %arg8[%dma_start3A_460] : memref<10112xf32, #tpu.memory_space<vmem_shared>> -> memref<10112xf32, #tpu.memory_space<vmem_shared>>
      tpu.enqueue_indirect_dma source(%arg7 : memref<128xf32, #tpu.memory_space<vmem>>) target(%dma_start3A_461 : memref<10112xf32, #tpu.memory_space<vmem_shared>>) offsets(%dma_start3A_459 : memref<128xi32, #tpu.memory_space<vmem>>) semaphore(%arg10 : memref<!tpu.dma_semaphore, #tpu.memory_space<semaphore_mem>>) {add = true}
      %dma_start3A_462 = arith.constant 5 : i32
      %dma_start3A_463 = arith.constant 0 : i32
      %dma_start3A_464 = tpu.memref_slice %arg6[%dma_start3A_462, %dma_start3A_463] : memref<8x128xi32, #tpu.memory_space<vmem>> -> memref<1x128xi32, #tpu.memory_space<vmem>>
      %dma_start3A_465 = tpu.memref_squeeze %dma_start3A_464 : memref<1x128xi32, #tpu.memory_space<vmem>> -> memref<128xi32, #tpu.memory_space<vmem>>
      %dma_start3A_466 = arith.constant 0 : i32
      %dma_start3A_467 = tpu.memref_slice %arg8[%dma_start3A_466] : memref<10112xf32, #tpu.memory_space<vmem_shared>> -> memref<10112xf32, #tpu.memory_space<vmem_shared>>
      tpu.enqueue_indirect_dma source(%arg7 : memref<128xf32, #tpu.memory_space<vmem>>) target(%dma_start3A_467 : memref<10112xf32, #tpu.memory_space<vmem_shared>>) offsets(%dma_start3A_465 : memref<128xi32, #tpu.memory_space<vmem>>) semaphore(%arg10 : memref<!tpu.dma_semaphore, #tpu.memory_space<semaphore_mem>>) {add = true}
      %dma_start3A_468 = arith.constant 6 : i32
      %dma_start3A_469 = arith.constant 0 : i32
      %dma_start3A_470 = tpu.memref_slice %arg6[%dma_start3A_468, %dma_start3A_469] : memref<8x128xi32, #tpu.memory_space<vmem>> -> memref<1x128xi32, #tpu.memory_space<vmem>>
      %dma_start3A_471 = tpu.memref_squeeze %dma_start3A_470 : memref<1x128xi32, #tpu.memory_space<vmem>> -> memref<128xi32, #tpu.memory_space<vmem>>
      %dma_start3A_472 = arith.constant 0 : i32
      %dma_start3A_473 = tpu.memref_slice %arg8[%dma_start3A_472] : memref<10112xf32, #tpu.memory_space<vmem_shared>> -> memref<10112xf32, #tpu.memory_space<vmem_shared>>
      tpu.enqueue_indirect_dma source(%arg7 : memref<128xf32, #tpu.memory_space<vmem>>) target(%dma_start3A_473 : memref<10112xf32, #tpu.memory_space<vmem_shared>>) offsets(%dma_start3A_471 : memref<128xi32, #tpu.memory_space<vmem>>) semaphore(%arg10 : memref<!tpu.dma_semaphore, #tpu.memory_space<semaphore_mem>>) {add = true}
      %dma_start3A_474 = arith.constant 7 : i32
      %dma_start3A_475 = arith.constant 0 : i32
      %dma_start3A_476 = tpu.memref_slice %arg6[%dma_start3A_474, %dma_start3A_475] : memref<8x128xi32, #tpu.memory_space<vmem>> -> memref<1x128xi32, #tpu.memory_space<vmem>>
      %dma_start3A_477 = tpu.memref_squeeze %dma_start3A_476 : memref<1x128xi32, #tpu.memory_space<vmem>> -> memref<128xi32, #tpu.memory_space<vmem>>
      %dma_start3A_478 = arith.constant 0 : i32
      %dma_start3A_479 = tpu.memref_slice %arg8[%dma_start3A_478] : memref<10112xf32, #tpu.memory_space<vmem_shared>> -> memref<10112xf32, #tpu.memory_space<vmem_shared>>
      tpu.enqueue_indirect_dma source(%arg7 : memref<128xf32, #tpu.memory_space<vmem>>) target(%dma_start3A_479 : memref<10112xf32, #tpu.memory_space<vmem_shared>>) offsets(%dma_start3A_477 : memref<128xi32, #tpu.memory_space<vmem>>) semaphore(%arg10 : memref<!tpu.dma_semaphore, #tpu.memory_space<semaphore_mem>>) {add = true}
    }
    %scan3A_158 = arith.constant 4 : i32
    %dma_wait3A = arith.constant 0 : i32
    %dma_wait3A_159 = arith.constant 0 : i32
    %dma_wait3A_160 = tpu.memref_slice %arg5[%dma_wait3A, %dma_wait3A_159] : memref<8x128xi32, #tpu.memory_space<vmem>> -> memref<1x128xi32, #tpu.memory_space<vmem>>
    %dma_wait3A_161 = tpu.memref_squeeze %dma_wait3A_160 : memref<1x128xi32, #tpu.memory_space<vmem>> -> memref<128xi32, #tpu.memory_space<vmem>>
    %dma_wait3A_162 = arith.constant 0 : i32
    %dma_wait3A_163 = tpu.memref_slice %arg8[%dma_wait3A_162] : memref<10112xf32, #tpu.memory_space<vmem_shared>> -> memref<10112xf32, #tpu.memory_space<vmem_shared>>
    tpu.wait_indirect_dma semaphore(%arg9 : memref<!tpu.dma_semaphore, #tpu.memory_space<semaphore_mem>>) src(%arg7 : memref<128xf32, #tpu.memory_space<vmem>>) dst(%dma_wait3A_163 : memref<10112xf32, #tpu.memory_space<vmem_shared>>)
    %dma_wait3A_164 = arith.constant 1 : i32
    %dma_wait3A_165 = arith.constant 0 : i32
    %dma_wait3A_166 = tpu.memref_slice %arg5[%dma_wait3A_164, %dma_wait3A_165] : memref<8x128xi32, #tpu.memory_space<vmem>> -> memref<1x128xi32, #tpu.memory_space<vmem>>
    %dma_wait3A_167 = tpu.memref_squeeze %dma_wait3A_166 : memref<1x128xi32, #tpu.memory_space<vmem>> -> memref<128xi32, #tpu.memory_space<vmem>>
    %dma_wait3A_168 = arith.constant 0 : i32
    %dma_wait3A_169 = tpu.memref_slice %arg8[%dma_wait3A_168] : memref<10112xf32, #tpu.memory_space<vmem_shared>> -> memref<10112xf32, #tpu.memory_space<vmem_shared>>
    tpu.wait_indirect_dma semaphore(%arg9 : memref<!tpu.dma_semaphore, #tpu.memory_space<semaphore_mem>>) src(%arg7 : memref<128xf32, #tpu.memory_space<vmem>>) dst(%dma_wait3A_169 : memref<10112xf32, #tpu.memory_space<vmem_shared>>)
    %dma_wait3A_170 = arith.constant 2 : i32
    %dma_wait3A_171 = arith.constant 0 : i32
    %dma_wait3A_172 = tpu.memref_slice %arg5[%dma_wait3A_170, %dma_wait3A_171] : memref<8x128xi32, #tpu.memory_space<vmem>> -> memref<1x128xi32, #tpu.memory_space<vmem>>
    %dma_wait3A_173 = tpu.memref_squeeze %dma_wait3A_172 : memref<1x128xi32, #tpu.memory_space<vmem>> -> memref<128xi32, #tpu.memory_space<vmem>>
    %dma_wait3A_174 = arith.constant 0 : i32
    %dma_wait3A_175 = tpu.memref_slice %arg8[%dma_wait3A_174] : memref<10112xf32, #tpu.memory_space<vmem_shared>> -> memref<10112xf32, #tpu.memory_space<vmem_shared>>
    tpu.wait_indirect_dma semaphore(%arg9 : memref<!tpu.dma_semaphore, #tpu.memory_space<semaphore_mem>>) src(%arg7 : memref<128xf32, #tpu.memory_space<vmem>>) dst(%dma_wait3A_175 : memref<10112xf32, #tpu.memory_space<vmem_shared>>)
    %dma_wait3A_176 = arith.constant 3 : i32
    %dma_wait3A_177 = arith.constant 0 : i32
    %dma_wait3A_178 = tpu.memref_slice %arg5[%dma_wait3A_176, %dma_wait3A_177] : memref<8x128xi32, #tpu.memory_space<vmem>> -> memref<1x128xi32, #tpu.memory_space<vmem>>
    %dma_wait3A_179 = tpu.memref_squeeze %dma_wait3A_178 : memref<1x128xi32, #tpu.memory_space<vmem>> -> memref<128xi32, #tpu.memory_space<vmem>>
    %dma_wait3A_180 = arith.constant 0 : i32
    %dma_wait3A_181 = tpu.memref_slice %arg8[%dma_wait3A_180] : memref<10112xf32, #tpu.memory_space<vmem_shared>> -> memref<10112xf32, #tpu.memory_space<vmem_shared>>
    tpu.wait_indirect_dma semaphore(%arg9 : memref<!tpu.dma_semaphore, #tpu.memory_space<semaphore_mem>>) src(%arg7 : memref<128xf32, #tpu.memory_space<vmem>>) dst(%dma_wait3A_181 : memref<10112xf32, #tpu.memory_space<vmem_shared>>)
    %dma_wait3A_182 = arith.constant 4 : i32
    %dma_wait3A_183 = arith.constant 0 : i32
    %dma_wait3A_184 = tpu.memref_slice %arg5[%dma_wait3A_182, %dma_wait3A_183] : memref<8x128xi32, #tpu.memory_space<vmem>> -> memref<1x128xi32, #tpu.memory_space<vmem>>
    %dma_wait3A_185 = tpu.memref_squeeze %dma_wait3A_184 : memref<1x128xi32, #tpu.memory_space<vmem>> -> memref<128xi32, #tpu.memory_space<vmem>>
    %dma_wait3A_186 = arith.constant 0 : i32
    %dma_wait3A_187 = tpu.memref_slice %arg8[%dma_wait3A_186] : memref<10112xf32, #tpu.memory_space<vmem_shared>> -> memref<10112xf32, #tpu.memory_space<vmem_shared>>
    tpu.wait_indirect_dma semaphore(%arg9 : memref<!tpu.dma_semaphore, #tpu.memory_space<semaphore_mem>>) src(%arg7 : memref<128xf32, #tpu.memory_space<vmem>>) dst(%dma_wait3A_187 : memref<10112xf32, #tpu.memory_space<vmem_shared>>)
    %dma_wait3A_188 = arith.constant 5 : i32
    %dma_wait3A_189 = arith.constant 0 : i32
    %dma_wait3A_190 = tpu.memref_slice %arg5[%dma_wait3A_188, %dma_wait3A_189] : memref<8x128xi32, #tpu.memory_space<vmem>> -> memref<1x128xi32, #tpu.memory_space<vmem>>
    %dma_wait3A_191 = tpu.memref_squeeze %dma_wait3A_190 : memref<1x128xi32, #tpu.memory_space<vmem>> -> memref<128xi32, #tpu.memory_space<vmem>>
    %dma_wait3A_192 = arith.constant 0 : i32
    %dma_wait3A_193 = tpu.memref_slice %arg8[%dma_wait3A_192] : memref<10112xf32, #tpu.memory_space<vmem_shared>> -> memref<10112xf32, #tpu.memory_space<vmem_shared>>
    tpu.wait_indirect_dma semaphore(%arg9 : memref<!tpu.dma_semaphore, #tpu.memory_space<semaphore_mem>>) src(%arg7 : memref<128xf32, #tpu.memory_space<vmem>>) dst(%dma_wait3A_193 : memref<10112xf32, #tpu.memory_space<vmem_shared>>)
    %dma_wait3A_194 = arith.constant 6 : i32
    %dma_wait3A_195 = arith.constant 0 : i32
    %dma_wait3A_196 = tpu.memref_slice %arg5[%dma_wait3A_194, %dma_wait3A_195] : memref<8x128xi32, #tpu.memory_space<vmem>> -> memref<1x128xi32, #tpu.memory_space<vmem>>
    %dma_wait3A_197 = tpu.memref_squeeze %dma_wait3A_196 : memref<1x128xi32, #tpu.memory_space<vmem>> -> memref<128xi32, #tpu.memory_space<vmem>>
    %dma_wait3A_198 = arith.constant 0 : i32
    %dma_wait3A_199 = tpu.memref_slice %arg8[%dma_wait3A_198] : memref<10112xf32, #tpu.memory_space<vmem_shared>> -> memref<10112xf32, #tpu.memory_space<vmem_shared>>
    tpu.wait_indirect_dma semaphore(%arg9 : memref<!tpu.dma_semaphore, #tpu.memory_space<semaphore_mem>>) src(%arg7 : memref<128xf32, #tpu.memory_space<vmem>>) dst(%dma_wait3A_199 : memref<10112xf32, #tpu.memory_space<vmem_shared>>)
    %dma_wait3A_200 = arith.constant 7 : i32
    %dma_wait3A_201 = arith.constant 0 : i32
    %dma_wait3A_202 = tpu.memref_slice %arg5[%dma_wait3A_200, %dma_wait3A_201] : memref<8x128xi32, #tpu.memory_space<vmem>> -> memref<1x128xi32, #tpu.memory_space<vmem>>
    %dma_wait3A_203 = tpu.memref_squeeze %dma_wait3A_202 : memref<1x128xi32, #tpu.memory_space<vmem>> -> memref<128xi32, #tpu.memory_space<vmem>>
    %dma_wait3A_204 = arith.constant 0 : i32
    %dma_wait3A_205 = tpu.memref_slice %arg8[%dma_wait3A_204] : memref<10112xf32, #tpu.memory_space<vmem_shared>> -> memref<10112xf32, #tpu.memory_space<vmem_shared>>
    tpu.wait_indirect_dma semaphore(%arg9 : memref<!tpu.dma_semaphore, #tpu.memory_space<semaphore_mem>>) src(%arg7 : memref<128xf32, #tpu.memory_space<vmem>>) dst(%dma_wait3A_205 : memref<10112xf32, #tpu.memory_space<vmem_shared>>)
    %dma_wait3A_206 = arith.constant 0 : i32
    %dma_wait3A_207 = arith.constant 0 : i32
    %dma_wait3A_208 = tpu.memref_slice %arg6[%dma_wait3A_206, %dma_wait3A_207] : memref<8x128xi32, #tpu.memory_space<vmem>> -> memref<1x128xi32, #tpu.memory_space<vmem>>
    %dma_wait3A_209 = tpu.memref_squeeze %dma_wait3A_208 : memref<1x128xi32, #tpu.memory_space<vmem>> -> memref<128xi32, #tpu.memory_space<vmem>>
    %dma_wait3A_210 = arith.constant 0 : i32
    %dma_wait3A_211 = tpu.memref_slice %arg8[%dma_wait3A_210] : memref<10112xf32, #tpu.memory_space<vmem_shared>> -> memref<10112xf32, #tpu.memory_space<vmem_shared>>
    tpu.wait_indirect_dma semaphore(%arg10 : memref<!tpu.dma_semaphore, #tpu.memory_space<semaphore_mem>>) src(%arg7 : memref<128xf32, #tpu.memory_space<vmem>>) dst(%dma_wait3A_211 : memref<10112xf32, #tpu.memory_space<vmem_shared>>)
    %dma_wait3A_212 = arith.constant 1 : i32
    %dma_wait3A_213 = arith.constant 0 : i32
    %dma_wait3A_214 = tpu.memref_slice %arg6[%dma_wait3A_212, %dma_wait3A_213] : memref<8x128xi32, #tpu.memory_space<vmem>> -> memref<1x128xi32, #tpu.memory_space<vmem>>
    %dma_wait3A_215 = tpu.memref_squeeze %dma_wait3A_214 : memref<1x128xi32, #tpu.memory_space<vmem>> -> memref<128xi32, #tpu.memory_space<vmem>>
    %dma_wait3A_216 = arith.constant 0 : i32
    %dma_wait3A_217 = tpu.memref_slice %arg8[%dma_wait3A_216] : memref<10112xf32, #tpu.memory_space<vmem_shared>> -> memref<10112xf32, #tpu.memory_space<vmem_shared>>
    tpu.wait_indirect_dma semaphore(%arg10 : memref<!tpu.dma_semaphore, #tpu.memory_space<semaphore_mem>>) src(%arg7 : memref<128xf32, #tpu.memory_space<vmem>>) dst(%dma_wait3A_217 : memref<10112xf32, #tpu.memory_space<vmem_shared>>)
    %dma_wait3A_218 = arith.constant 2 : i32
    %dma_wait3A_219 = arith.constant 0 : i32
    %dma_wait3A_220 = tpu.memref_slice %arg6[%dma_wait3A_218, %dma_wait3A_219] : memref<8x128xi32, #tpu.memory_space<vmem>> -> memref<1x128xi32, #tpu.memory_space<vmem>>
    %dma_wait3A_221 = tpu.memref_squeeze %dma_wait3A_220 : memref<1x128xi32, #tpu.memory_space<vmem>> -> memref<128xi32, #tpu.memory_space<vmem>>
    %dma_wait3A_222 = arith.constant 0 : i32
    %dma_wait3A_223 = tpu.memref_slice %arg8[%dma_wait3A_222] : memref<10112xf32, #tpu.memory_space<vmem_shared>> -> memref<10112xf32, #tpu.memory_space<vmem_shared>>
    tpu.wait_indirect_dma semaphore(%arg10 : memref<!tpu.dma_semaphore, #tpu.memory_space<semaphore_mem>>) src(%arg7 : memref<128xf32, #tpu.memory_space<vmem>>) dst(%dma_wait3A_223 : memref<10112xf32, #tpu.memory_space<vmem_shared>>)
    %dma_wait3A_224 = arith.constant 3 : i32
    %dma_wait3A_225 = arith.constant 0 : i32
    %dma_wait3A_226 = tpu.memref_slice %arg6[%dma_wait3A_224, %dma_wait3A_225] : memref<8x128xi32, #tpu.memory_space<vmem>> -> memref<1x128xi32, #tpu.memory_space<vmem>>
    %dma_wait3A_227 = tpu.memref_squeeze %dma_wait3A_226 : memref<1x128xi32, #tpu.memory_space<vmem>> -> memref<128xi32, #tpu.memory_space<vmem>>
    %dma_wait3A_228 = arith.constant 0 : i32
    %dma_wait3A_229 = tpu.memref_slice %arg8[%dma_wait3A_228] : memref<10112xf32, #tpu.memory_space<vmem_shared>> -> memref<10112xf32, #tpu.memory_space<vmem_shared>>
    tpu.wait_indirect_dma semaphore(%arg10 : memref<!tpu.dma_semaphore, #tpu.memory_space<semaphore_mem>>) src(%arg7 : memref<128xf32, #tpu.memory_space<vmem>>) dst(%dma_wait3A_229 : memref<10112xf32, #tpu.memory_space<vmem_shared>>)
    %dma_wait3A_230 = arith.constant 4 : i32
    %dma_wait3A_231 = arith.constant 0 : i32
    %dma_wait3A_232 = tpu.memref_slice %arg6[%dma_wait3A_230, %dma_wait3A_231] : memref<8x128xi32, #tpu.memory_space<vmem>> -> memref<1x128xi32, #tpu.memory_space<vmem>>
    %dma_wait3A_233 = tpu.memref_squeeze %dma_wait3A_232 : memref<1x128xi32, #tpu.memory_space<vmem>> -> memref<128xi32, #tpu.memory_space<vmem>>
    %dma_wait3A_234 = arith.constant 0 : i32
    %dma_wait3A_235 = tpu.memref_slice %arg8[%dma_wait3A_234] : memref<10112xf32, #tpu.memory_space<vmem_shared>> -> memref<10112xf32, #tpu.memory_space<vmem_shared>>
    tpu.wait_indirect_dma semaphore(%arg10 : memref<!tpu.dma_semaphore, #tpu.memory_space<semaphore_mem>>) src(%arg7 : memref<128xf32, #tpu.memory_space<vmem>>) dst(%dma_wait3A_235 : memref<10112xf32, #tpu.memory_space<vmem_shared>>)
    %dma_wait3A_236 = arith.constant 5 : i32
    %dma_wait3A_237 = arith.constant 0 : i32
    %dma_wait3A_238 = tpu.memref_slice %arg6[%dma_wait3A_236, %dma_wait3A_237] : memref<8x128xi32, #tpu.memory_space<vmem>> -> memref<1x128xi32, #tpu.memory_space<vmem>>
    %dma_wait3A_239 = tpu.memref_squeeze %dma_wait3A_238 : memref<1x128xi32, #tpu.memory_space<vmem>> -> memref<128xi32, #tpu.memory_space<vmem>>
    %dma_wait3A_240 = arith.constant 0 : i32
    %dma_wait3A_241 = tpu.memref_slice %arg8[%dma_wait3A_240] : memref<10112xf32, #tpu.memory_space<vmem_shared>> -> memref<10112xf32, #tpu.memory_space<vmem_shared>>
    tpu.wait_indirect_dma semaphore(%arg10 : memref<!tpu.dma_semaphore, #tpu.memory_space<semaphore_mem>>) src(%arg7 : memref<128xf32, #tpu.memory_space<vmem>>) dst(%dma_wait3A_241 : memref<10112xf32, #tpu.memory_space<vmem_shared>>)
    %dma_wait3A_242 = arith.constant 6 : i32
    %dma_wait3A_243 = arith.constant 0 : i32
    %dma_wait3A_244 = tpu.memref_slice %arg6[%dma_wait3A_242, %dma_wait3A_243] : memref<8x128xi32, #tpu.memory_space<vmem>> -> memref<1x128xi32, #tpu.memory_space<vmem>>
    %dma_wait3A_245 = tpu.memref_squeeze %dma_wait3A_244 : memref<1x128xi32, #tpu.memory_space<vmem>> -> memref<128xi32, #tpu.memory_space<vmem>>
    %dma_wait3A_246 = arith.constant 0 : i32
    %dma_wait3A_247 = tpu.memref_slice %arg8[%dma_wait3A_246] : memref<10112xf32, #tpu.memory_space<vmem_shared>> -> memref<10112xf32, #tpu.memory_space<vmem_shared>>
    tpu.wait_indirect_dma semaphore(%arg10 : memref<!tpu.dma_semaphore, #tpu.memory_space<semaphore_mem>>) src(%arg7 : memref<128xf32, #tpu.memory_space<vmem>>) dst(%dma_wait3A_247 : memref<10112xf32, #tpu.memory_space<vmem_shared>>)
    %dma_wait3A_248 = arith.constant 7 : i32
    %dma_wait3A_249 = arith.constant 0 : i32
    %dma_wait3A_250 = tpu.memref_slice %arg6[%dma_wait3A_248, %dma_wait3A_249] : memref<8x128xi32, #tpu.memory_space<vmem>> -> memref<1x128xi32, #tpu.memory_space<vmem>>
    %dma_wait3A_251 = tpu.memref_squeeze %dma_wait3A_250 : memref<1x128xi32, #tpu.memory_space<vmem>> -> memref<128xi32, #tpu.memory_space<vmem>>
    %dma_wait3A_252 = arith.constant 0 : i32
    %dma_wait3A_253 = tpu.memref_slice %arg8[%dma_wait3A_252] : memref<10112xf32, #tpu.memory_space<vmem_shared>> -> memref<10112xf32, #tpu.memory_space<vmem_shared>>
    tpu.wait_indirect_dma semaphore(%arg10 : memref<!tpu.dma_semaphore, #tpu.memory_space<semaphore_mem>>) src(%arg7 : memref<128xf32, #tpu.memory_space<vmem>>) dst(%dma_wait3A_253 : memref<10112xf32, #tpu.memory_space<vmem_shared>>)
    %barrier3A_254 = arith.constant 0 : index
    tpu.barrier barrier_id(%barrier3A_254)
    %delay3A_255 = arith.constant 1024 : i32
    tpu.delay %delay3A_255
    %eq3A_256 = arith.constant 0 : i32
    %eq3A_257 = arith.cmpi eq, %arg1, %eq3A_256 : i32
    %convert_element_type3A_258 = arith.extui %eq3A_257 : i1 to i32
    %cond3A_259 = arith.constant 0 : i32
    %cond3A_260 = arith.cmpi ne, %convert_element_type3A_258, %cond3A_259 : i32
    scf.if %cond3A_260 {
      %mul3A_261 = arith.constant 10112 : i32
      %mul3A_262 = arith.muli %arg0, %mul3A_261 : i32
      "tpu.region"() ({
        %run_scoped3A_263 = tpu.sem_alloc : memref<!tpu.dma_semaphore, #tpu.memory_space<semaphore_mem>>
        %dma_start3A_264 = tpu.memref_slice %arg4[%mul3A_262] : memref<20224xf32, #tpu.memory_space<hbm>> -> memref<10112xf32, #tpu.memory_space<hbm>>
        tpu.enqueue_dma source(%arg8 : memref<10112xf32, #tpu.memory_space<vmem_shared>>) target(%dma_start3A_264 : memref<10112xf32, #tpu.memory_space<hbm>>) target_semaphore(%run_scoped3A_263 : memref<!tpu.dma_semaphore, #tpu.memory_space<semaphore_mem>>)
        %dma_wait3A_265 = tpu.memref_slice %arg4[%mul3A_262] : memref<20224xf32, #tpu.memory_space<hbm>> -> memref<10112xf32, #tpu.memory_space<hbm>>
        tpu.wait_dma2 semaphore(%run_scoped3A_263 : memref<!tpu.dma_semaphore, #tpu.memory_space<semaphore_mem>>) src(%arg8 : memref<10112xf32, #tpu.memory_space<vmem_shared>>) dst(%dma_wait3A_265 : memref<10112xf32, #tpu.memory_space<hbm>>)
        tpu.yield
      }) : () -> ()
    } else {
    }
    return
  }
}

#map = affine_map<(d0, d1) -> (0, 0)>
#map1 = affine_map<(d0, d1) -> (0, 0, 0)>
module attributes {stable_mosaic.version = 14 : i64} {
  func.func @agg_kernel(%arg0: i32, %arg1: i32, %arg2: memref<10000x128xf32, #tpu.memory_space<hbm>>, %arg3: memref<2x2592x128xi32, #tpu.memory_space<hbm>>, %arg4: memref<10112x128xf32, #tpu.memory_space<hbm>>, %arg5: memref<20224x128xf32, #tpu.memory_space<hbm>>, %arg6: memref<128xi32, #tpu.memory_space<vmem>>, %arg7: memref<128xi32, #tpu.memory_space<vmem>>, %arg8: memref<128xi32, #tpu.memory_space<vmem>>, %arg9: memref<128xi32, #tpu.memory_space<vmem>>, %arg10: memref<128xi32, #tpu.memory_space<vmem>>, %arg11: memref<128xi32, #tpu.memory_space<vmem>>, %arg12: memref<128x128xf32, #tpu.memory_space<vmem>>, %arg13: memref<128x128xf32, #tpu.memory_space<vmem>>, %arg14: memref<128x128xf32, #tpu.memory_space<vmem>>, %arg15: memref<10112x128xf32, #tpu.memory_space<vmem_shared>>, %arg16: memref<!tpu.dma_semaphore, #tpu.memory_space<semaphore_mem>>, %arg17: memref<!tpu.dma_semaphore, #tpu.memory_space<semaphore_mem>>, %arg18: memref<!tpu.dma_semaphore, #tpu.memory_space<semaphore_mem>>, %arg19: memref<!tpu.dma_semaphore, #tpu.memory_space<semaphore_mem>>, %arg20: memref<!tpu.dma_semaphore, #tpu.memory_space<semaphore_mem>>, %arg21: memref<!tpu.dma_semaphore, #tpu.memory_space<semaphore_mem>>, %arg22: memref<!tpu.dma_semaphore, #tpu.memory_space<semaphore_mem>>, %arg23: memref<!tpu.dma_semaphore, #tpu.memory_space<semaphore_mem>>) attributes {dimension_semantics = [#tpu.dimension_semantics<core_parallel>, #tpu.dimension_semantics<subcore_parallel>], iteration_bounds = array<i64: 2, 16>, scalar_prefetch = 0 : i64, scratch_operands = 18 : i64, tpu.core_type = #tpu.core_type<sc_vector_subcore>, window_params = [{transform_indices = #map}, {transform_indices = #map1}, {transform_indices = #map}, {transform_indices = #map}]} {
    %mul3A = arith.constant 16 : i32
    %mul3A_0 = arith.muli %arg0, %mul3A : i32
    %add3A = arith.addi %mul3A_0, %arg1 : i32
    %mul3A_1 = arith.constant 632 : i32
    %mul3A_2 = arith.muli %arg1, %mul3A_1 : i32
    "tpu.region"() ({
      %run_scoped3A_103 = tpu.sem_alloc : memref<!tpu.dma_semaphore, #tpu.memory_space<semaphore_mem>>
      %dma_start3A_104 = arith.constant 0 : i32
      %dma_start3A_105 = tpu.memref_slice %arg15[%mul3A_2, %dma_start3A_104] : memref<10112x128xf32, #tpu.memory_space<vmem_shared>> -> memref<632x128xf32, #tpu.memory_space<vmem_shared>>
      %dma_start3A_106 = arith.constant 0 : i32
      %dma_start3A_107 = tpu.memref_slice %arg4[%mul3A_2, %dma_start3A_106] : memref<10112x128xf32, #tpu.memory_space<hbm>> -> memref<632x128xf32, #tpu.memory_space<hbm>>
      tpu.enqueue_dma source(%dma_start3A_107 : memref<632x128xf32, #tpu.memory_space<hbm>>) target(%dma_start3A_105 : memref<632x128xf32, #tpu.memory_space<vmem_shared>>) target_semaphore(%run_scoped3A_103 : memref<!tpu.dma_semaphore, #tpu.memory_space<semaphore_mem>>)
      %dma_wait3A_108 = arith.constant 0 : i32
      %dma_wait3A_109 = tpu.memref_slice %arg15[%mul3A_2, %dma_wait3A_108] : memref<10112x128xf32, #tpu.memory_space<vmem_shared>> -> memref<632x128xf32, #tpu.memory_space<vmem_shared>>
      %dma_wait3A_110 = arith.constant 0 : i32
      %dma_wait3A_111 = tpu.memref_slice %arg4[%mul3A_2, %dma_wait3A_110] : memref<10112x128xf32, #tpu.memory_space<hbm>> -> memref<632x128xf32, #tpu.memory_space<hbm>>
      tpu.wait_dma2 semaphore(%run_scoped3A_103 : memref<!tpu.dma_semaphore, #tpu.memory_space<semaphore_mem>>) src(%dma_wait3A_111 : memref<632x128xf32, #tpu.memory_space<hbm>>) dst(%dma_wait3A_109 : memref<632x128xf32, #tpu.memory_space<vmem_shared>>)
      tpu.yield
    }) : () -> ()
    %barrier3A = arith.constant 0 : index
    tpu.barrier barrier_id(%barrier3A)
    %delay3A = arith.constant 1024 : i32
    tpu.delay %delay3A
    %add3A_3 = arith.constant 0 : i32
    %add3A_4 = arith.addi %add3A_3, %add3A : i32
    %run_scoped3A = arith.constant 0 : i32
    "tpu.region"() ({
      %run_scoped3A_103 = tpu.sem_alloc : memref<!tpu.dma_semaphore, #tpu.memory_space<semaphore_mem>>
      %dma_start3A_104 = arith.constant 0 : i32
      %dma_start3A_105 = tpu.memref_slice %arg3[%run_scoped3A, %add3A_4, %dma_start3A_104] : memref<2x2592x128xi32, #tpu.memory_space<hbm>> -> memref<1x1x128xi32, #tpu.memory_space<hbm>>
      %dma_start3A_106 = tpu.memref_squeeze %dma_start3A_105 : memref<1x1x128xi32, #tpu.memory_space<hbm>> -> memref<128xi32, #tpu.memory_space<hbm>>
      %dma_start3A_107 = arith.constant 0 : i32
      %dma_start3A_108 = tpu.memref_slice %arg3[%run_scoped3A, %add3A_4, %dma_start3A_107] : memref<2x2592x128xi32, #tpu.memory_space<hbm>> -> memref<1x1x128xi32, #tpu.memory_space<hbm>>
      %dma_start3A_109 = tpu.memref_squeeze %dma_start3A_108 : memref<1x1x128xi32, #tpu.memory_space<hbm>> -> memref<128xi32, #tpu.memory_space<hbm>>
      tpu.enqueue_dma source(%dma_start3A_109 : memref<128xi32, #tpu.memory_space<hbm>>) target(%arg6 : memref<128xi32, #tpu.memory_space<vmem>>) target_semaphore(%run_scoped3A_103 : memref<!tpu.dma_semaphore, #tpu.memory_space<semaphore_mem>>)
      %dma_wait3A_110 = arith.constant 0 : i32
      %dma_wait3A_111 = tpu.memref_slice %arg3[%run_scoped3A, %add3A_4, %dma_wait3A_110] : memref<2x2592x128xi32, #tpu.memory_space<hbm>> -> memref<1x1x128xi32, #tpu.memory_space<hbm>>
      %dma_wait3A_112 = tpu.memref_squeeze %dma_wait3A_111 : memref<1x1x128xi32, #tpu.memory_space<hbm>> -> memref<128xi32, #tpu.memory_space<hbm>>
      %dma_wait3A_113 = arith.constant 0 : i32
      %dma_wait3A_114 = tpu.memref_slice %arg3[%run_scoped3A, %add3A_4, %dma_wait3A_113] : memref<2x2592x128xi32, #tpu.memory_space<hbm>> -> memref<1x1x128xi32, #tpu.memory_space<hbm>>
      %dma_wait3A_115 = tpu.memref_squeeze %dma_wait3A_114 : memref<1x1x128xi32, #tpu.memory_space<hbm>> -> memref<128xi32, #tpu.memory_space<hbm>>
      tpu.wait_dma2 semaphore(%run_scoped3A_103 : memref<!tpu.dma_semaphore, #tpu.memory_space<semaphore_mem>>) src(%dma_wait3A_115 : memref<128xi32, #tpu.memory_space<hbm>>) dst(%arg6 : memref<128xi32, #tpu.memory_space<vmem>>)
      tpu.yield
    }) : () -> ()
    %add3A_5 = arith.constant 0 : i32
    %add3A_6 = arith.addi %add3A_5, %add3A : i32
    %dma_start3A = arith.constant 1 : i32
    %dma_start3A_7 = arith.constant 0 : i32
    %dma_start3A_8 = tpu.memref_slice %arg3[%dma_start3A, %add3A_6, %dma_start3A_7] : memref<2x2592x128xi32, #tpu.memory_space<hbm>> -> memref<1x1x128xi32, #tpu.memory_space<hbm>>
    %dma_start3A_9 = tpu.memref_squeeze %dma_start3A_8 : memref<1x1x128xi32, #tpu.memory_space<hbm>> -> memref<128xi32, #tpu.memory_space<hbm>>
    %dma_start3A_10 = arith.constant 0 : i32
    %dma_start3A_11 = tpu.memref_slice %arg3[%dma_start3A, %add3A_6, %dma_start3A_10] : memref<2x2592x128xi32, #tpu.memory_space<hbm>> -> memref<1x1x128xi32, #tpu.memory_space<hbm>>
    %dma_start3A_12 = tpu.memref_squeeze %dma_start3A_11 : memref<1x1x128xi32, #tpu.memory_space<hbm>> -> memref<128xi32, #tpu.memory_space<hbm>>
    tpu.enqueue_dma source(%dma_start3A_12 : memref<128xi32, #tpu.memory_space<hbm>>) target(%arg9 : memref<128xi32, #tpu.memory_space<vmem>>) target_semaphore(%arg23 : memref<!tpu.dma_semaphore, #tpu.memory_space<semaphore_mem>>)
    %add3A_13 = arith.constant 32 : i32
    %add3A_14 = arith.addi %add3A_13, %add3A : i32
    %run_scoped3A_15 = arith.constant 0 : i32
    "tpu.region"() ({
      %run_scoped3A_103 = tpu.sem_alloc : memref<!tpu.dma_semaphore, #tpu.memory_space<semaphore_mem>>
      %dma_start3A_104 = arith.constant 0 : i32
      %dma_start3A_105 = tpu.memref_slice %arg3[%run_scoped3A_15, %add3A_14, %dma_start3A_104] : memref<2x2592x128xi32, #tpu.memory_space<hbm>> -> memref<1x1x128xi32, #tpu.memory_space<hbm>>
      %dma_start3A_106 = tpu.memref_squeeze %dma_start3A_105 : memref<1x1x128xi32, #tpu.memory_space<hbm>> -> memref<128xi32, #tpu.memory_space<hbm>>
      %dma_start3A_107 = arith.constant 0 : i32
      %dma_start3A_108 = tpu.memref_slice %arg3[%run_scoped3A_15, %add3A_14, %dma_start3A_107] : memref<2x2592x128xi32, #tpu.memory_space<hbm>> -> memref<1x1x128xi32, #tpu.memory_space<hbm>>
      %dma_start3A_109 = tpu.memref_squeeze %dma_start3A_108 : memref<1x1x128xi32, #tpu.memory_space<hbm>> -> memref<128xi32, #tpu.memory_space<hbm>>
      tpu.enqueue_dma source(%dma_start3A_109 : memref<128xi32, #tpu.memory_space<hbm>>) target(%arg7 : memref<128xi32, #tpu.memory_space<vmem>>) target_semaphore(%run_scoped3A_103 : memref<!tpu.dma_semaphore, #tpu.memory_space<semaphore_mem>>)
      %dma_wait3A_110 = arith.constant 0 : i32
      %dma_wait3A_111 = tpu.memref_slice %arg3[%run_scoped3A_15, %add3A_14, %dma_wait3A_110] : memref<2x2592x128xi32, #tpu.memory_space<hbm>> -> memref<1x1x128xi32, #tpu.memory_space<hbm>>
      %dma_wait3A_112 = tpu.memref_squeeze %dma_wait3A_111 : memref<1x1x128xi32, #tpu.memory_space<hbm>> -> memref<128xi32, #tpu.memory_space<hbm>>
      %dma_wait3A_113 = arith.constant 0 : i32
      %dma_wait3A_114 = tpu.memref_slice %arg3[%run_scoped3A_15, %add3A_14, %dma_wait3A_113] : memref<2x2592x128xi32, #tpu.memory_space<hbm>> -> memref<1x1x128xi32, #tpu.memory_space<hbm>>
      %dma_wait3A_115 = tpu.memref_squeeze %dma_wait3A_114 : memref<1x1x128xi32, #tpu.memory_space<hbm>> -> memref<128xi32, #tpu.memory_space<hbm>>
      tpu.wait_dma2 semaphore(%run_scoped3A_103 : memref<!tpu.dma_semaphore, #tpu.memory_space<semaphore_mem>>) src(%dma_wait3A_115 : memref<128xi32, #tpu.memory_space<hbm>>) dst(%arg7 : memref<128xi32, #tpu.memory_space<vmem>>)
      tpu.yield
    }) : () -> ()
    %add3A_16 = arith.constant 32 : i32
    %add3A_17 = arith.addi %add3A_16, %add3A : i32
    %dma_start3A_18 = arith.constant 1 : i32
    %dma_start3A_19 = arith.constant 0 : i32
    %dma_start3A_20 = tpu.memref_slice %arg3[%dma_start3A_18, %add3A_17, %dma_start3A_19] : memref<2x2592x128xi32, #tpu.memory_space<hbm>> -> memref<1x1x128xi32, #tpu.memory_space<hbm>>
    %dma_start3A_21 = tpu.memref_squeeze %dma_start3A_20 : memref<1x1x128xi32, #tpu.memory_space<hbm>> -> memref<128xi32, #tpu.memory_space<hbm>>
    %dma_start3A_22 = arith.constant 0 : i32
    %dma_start3A_23 = tpu.memref_slice %arg3[%dma_start3A_18, %add3A_17, %dma_start3A_22] : memref<2x2592x128xi32, #tpu.memory_space<hbm>> -> memref<1x1x128xi32, #tpu.memory_space<hbm>>
    %dma_start3A_24 = tpu.memref_squeeze %dma_start3A_23 : memref<1x1x128xi32, #tpu.memory_space<hbm>> -> memref<128xi32, #tpu.memory_space<hbm>>
    tpu.enqueue_dma source(%dma_start3A_24 : memref<128xi32, #tpu.memory_space<hbm>>) target(%arg10 : memref<128xi32, #tpu.memory_space<vmem>>) target_semaphore(%arg23 : memref<!tpu.dma_semaphore, #tpu.memory_space<semaphore_mem>>)
    %add3A_25 = arith.constant 64 : i32
    %add3A_26 = arith.addi %add3A_25, %add3A : i32
    %run_scoped3A_27 = arith.constant 0 : i32
    "tpu.region"() ({
      %run_scoped3A_103 = tpu.sem_alloc : memref<!tpu.dma_semaphore, #tpu.memory_space<semaphore_mem>>
      %dma_start3A_104 = arith.constant 0 : i32
      %dma_start3A_105 = tpu.memref_slice %arg3[%run_scoped3A_27, %add3A_26, %dma_start3A_104] : memref<2x2592x128xi32, #tpu.memory_space<hbm>> -> memref<1x1x128xi32, #tpu.memory_space<hbm>>
      %dma_start3A_106 = tpu.memref_squeeze %dma_start3A_105 : memref<1x1x128xi32, #tpu.memory_space<hbm>> -> memref<128xi32, #tpu.memory_space<hbm>>
      %dma_start3A_107 = arith.constant 0 : i32
      %dma_start3A_108 = tpu.memref_slice %arg3[%run_scoped3A_27, %add3A_26, %dma_start3A_107] : memref<2x2592x128xi32, #tpu.memory_space<hbm>> -> memref<1x1x128xi32, #tpu.memory_space<hbm>>
      %dma_start3A_109 = tpu.memref_squeeze %dma_start3A_108 : memref<1x1x128xi32, #tpu.memory_space<hbm>> -> memref<128xi32, #tpu.memory_space<hbm>>
      tpu.enqueue_dma source(%dma_start3A_109 : memref<128xi32, #tpu.memory_space<hbm>>) target(%arg8 : memref<128xi32, #tpu.memory_space<vmem>>) target_semaphore(%run_scoped3A_103 : memref<!tpu.dma_semaphore, #tpu.memory_space<semaphore_mem>>)
      %dma_wait3A_110 = arith.constant 0 : i32
      %dma_wait3A_111 = tpu.memref_slice %arg3[%run_scoped3A_27, %add3A_26, %dma_wait3A_110] : memref<2x2592x128xi32, #tpu.memory_space<hbm>> -> memref<1x1x128xi32, #tpu.memory_space<hbm>>
      %dma_wait3A_112 = tpu.memref_squeeze %dma_wait3A_111 : memref<1x1x128xi32, #tpu.memory_space<hbm>> -> memref<128xi32, #tpu.memory_space<hbm>>
      %dma_wait3A_113 = arith.constant 0 : i32
      %dma_wait3A_114 = tpu.memref_slice %arg3[%run_scoped3A_27, %add3A_26, %dma_wait3A_113] : memref<2x2592x128xi32, #tpu.memory_space<hbm>> -> memref<1x1x128xi32, #tpu.memory_space<hbm>>
      %dma_wait3A_115 = tpu.memref_squeeze %dma_wait3A_114 : memref<1x1x128xi32, #tpu.memory_space<hbm>> -> memref<128xi32, #tpu.memory_space<hbm>>
      tpu.wait_dma2 semaphore(%run_scoped3A_103 : memref<!tpu.dma_semaphore, #tpu.memory_space<semaphore_mem>>) src(%dma_wait3A_115 : memref<128xi32, #tpu.memory_space<hbm>>) dst(%arg8 : memref<128xi32, #tpu.memory_space<vmem>>)
      tpu.yield
    }) : () -> ()
    %add3A_28 = arith.constant 64 : i32
    %add3A_29 = arith.addi %add3A_28, %add3A : i32
    %dma_start3A_30 = arith.constant 1 : i32
    %dma_start3A_31 = arith.constant 0 : i32
    %dma_start3A_32 = tpu.memref_slice %arg3[%dma_start3A_30, %add3A_29, %dma_start3A_31] : memref<2x2592x128xi32, #tpu.memory_space<hbm>> -> memref<1x1x128xi32, #tpu.memory_space<hbm>>
    %dma_start3A_33 = tpu.memref_squeeze %dma_start3A_32 : memref<1x1x128xi32, #tpu.memory_space<hbm>> -> memref<128xi32, #tpu.memory_space<hbm>>
    %dma_start3A_34 = arith.constant 0 : i32
    %dma_start3A_35 = tpu.memref_slice %arg3[%dma_start3A_30, %add3A_29, %dma_start3A_34] : memref<2x2592x128xi32, #tpu.memory_space<hbm>> -> memref<1x1x128xi32, #tpu.memory_space<hbm>>
    %dma_start3A_36 = tpu.memref_squeeze %dma_start3A_35 : memref<1x1x128xi32, #tpu.memory_space<hbm>> -> memref<128xi32, #tpu.memory_space<hbm>>
    tpu.enqueue_dma source(%dma_start3A_36 : memref<128xi32, #tpu.memory_space<hbm>>) target(%arg11 : memref<128xi32, #tpu.memory_space<vmem>>) target_semaphore(%arg23 : memref<!tpu.dma_semaphore, #tpu.memory_space<semaphore_mem>>)
    %dma_start3A_37 = arith.constant 0 : i32
    %dma_start3A_38 = arith.constant 0 : i32
    %dma_start3A_39 = tpu.memref_slice %arg2[%dma_start3A_37, %dma_start3A_38] : memref<10000x128xf32, #tpu.memory_space<hbm>> -> memref<10000x128xf32, #tpu.memory_space<hbm>>
    tpu.enqueue_indirect_dma source(%dma_start3A_39 : memref<10000x128xf32, #tpu.memory_space<hbm>>) target(%arg12 : memref<128x128xf32, #tpu.memory_space<vmem>>) offsets(%arg6 : memref<128xi32, #tpu.memory_space<vmem>>) semaphore(%arg16 : memref<!tpu.dma_semaphore, #tpu.memory_space<semaphore_mem>>)
    %dma_start3A_40 = arith.constant 0 : i32
    %dma_start3A_41 = arith.constant 0 : i32
    %dma_start3A_42 = tpu.memref_slice %arg2[%dma_start3A_40, %dma_start3A_41] : memref<10000x128xf32, #tpu.memory_space<hbm>> -> memref<10000x128xf32, #tpu.memory_space<hbm>>
    tpu.enqueue_indirect_dma source(%dma_start3A_42 : memref<10000x128xf32, #tpu.memory_space<hbm>>) target(%arg13 : memref<128x128xf32, #tpu.memory_space<vmem>>) offsets(%arg7 : memref<128xi32, #tpu.memory_space<vmem>>) semaphore(%arg17 : memref<!tpu.dma_semaphore, #tpu.memory_space<semaphore_mem>>)
    %dma_start3A_43 = arith.constant 0 : i32
    %dma_start3A_44 = arith.constant 0 : i32
    %dma_start3A_45 = tpu.memref_slice %arg2[%dma_start3A_43, %dma_start3A_44] : memref<10000x128xf32, #tpu.memory_space<hbm>> -> memref<10000x128xf32, #tpu.memory_space<hbm>>
    tpu.enqueue_indirect_dma source(%dma_start3A_45 : memref<10000x128xf32, #tpu.memory_space<hbm>>) target(%arg14 : memref<128x128xf32, #tpu.memory_space<vmem>>) offsets(%arg8 : memref<128xi32, #tpu.memory_space<vmem>>) semaphore(%arg18 : memref<!tpu.dma_semaphore, #tpu.memory_space<semaphore_mem>>)
    %scan3A = arith.constant 0 : i32
    %scan3A_46 = arith.constant 0 : i32
    %scan3A_47 = arith.constant 26 : i32
    %scan3A_48 = arith.addi %scan3A_46, %scan3A_47 : i32
    %scan3A_49 = arith.constant 1 : i32
    scf.for %scan3A_103 = %scan3A_46 to %scan3A_48 step %scan3A_49  : i32 {
      %dma_wait3A_104 = arith.constant 1 : i32
      %dma_wait3A_105 = arith.constant 0 : i32
      %dma_wait3A_106 = tpu.memref_slice %arg3[%dma_wait3A_104, %add3A, %dma_wait3A_105] : memref<2x2592x128xi32, #tpu.memory_space<hbm>> -> memref<1x1x128xi32, #tpu.memory_space<hbm>>
      %dma_wait3A_107 = tpu.memref_squeeze %dma_wait3A_106 : memref<1x1x128xi32, #tpu.memory_space<hbm>> -> memref<128xi32, #tpu.memory_space<hbm>>
      %dma_wait3A_108 = arith.constant 0 : i32
      %dma_wait3A_109 = tpu.memref_slice %arg3[%dma_wait3A_104, %add3A, %dma_wait3A_108] : memref<2x2592x128xi32, #tpu.memory_space<hbm>> -> memref<1x1x128xi32, #tpu.memory_space<hbm>>
      %dma_wait3A_110 = tpu.memref_squeeze %dma_wait3A_109 : memref<1x1x128xi32, #tpu.memory_space<hbm>> -> memref<128xi32, #tpu.memory_space<hbm>>
      tpu.wait_dma2 semaphore(%arg23 : memref<!tpu.dma_semaphore, #tpu.memory_space<semaphore_mem>>) src(%dma_wait3A_110 : memref<128xi32, #tpu.memory_space<hbm>>) dst(%arg9 : memref<128xi32, #tpu.memory_space<vmem>>)
      %dma_wait3A_111 = arith.constant 1 : i32
      %dma_wait3A_112 = arith.constant 0 : i32
      %dma_wait3A_113 = tpu.memref_slice %arg3[%dma_wait3A_111, %add3A, %dma_wait3A_112] : memref<2x2592x128xi32, #tpu.memory_space<hbm>> -> memref<1x1x128xi32, #tpu.memory_space<hbm>>
      %dma_wait3A_114 = tpu.memref_squeeze %dma_wait3A_113 : memref<1x1x128xi32, #tpu.memory_space<hbm>> -> memref<128xi32, #tpu.memory_space<hbm>>
      %dma_wait3A_115 = arith.constant 0 : i32
      %dma_wait3A_116 = tpu.memref_slice %arg3[%dma_wait3A_111, %add3A, %dma_wait3A_115] : memref<2x2592x128xi32, #tpu.memory_space<hbm>> -> memref<1x1x128xi32, #tpu.memory_space<hbm>>
      %dma_wait3A_117 = tpu.memref_squeeze %dma_wait3A_116 : memref<1x1x128xi32, #tpu.memory_space<hbm>> -> memref<128xi32, #tpu.memory_space<hbm>>
      tpu.wait_dma2 semaphore(%arg23 : memref<!tpu.dma_semaphore, #tpu.memory_space<semaphore_mem>>) src(%dma_wait3A_117 : memref<128xi32, #tpu.memory_space<hbm>>) dst(%arg10 : memref<128xi32, #tpu.memory_space<vmem>>)
      %dma_wait3A_118 = arith.constant 1 : i32
      %dma_wait3A_119 = arith.constant 0 : i32
      %dma_wait3A_120 = tpu.memref_slice %arg3[%dma_wait3A_118, %add3A, %dma_wait3A_119] : memref<2x2592x128xi32, #tpu.memory_space<hbm>> -> memref<1x1x128xi32, #tpu.memory_space<hbm>>
      %dma_wait3A_121 = tpu.memref_squeeze %dma_wait3A_120 : memref<1x1x128xi32, #tpu.memory_space<hbm>> -> memref<128xi32, #tpu.memory_space<hbm>>
      %dma_wait3A_122 = arith.constant 0 : i32
      %dma_wait3A_123 = tpu.memref_slice %arg3[%dma_wait3A_118, %add3A, %dma_wait3A_122] : memref<2x2592x128xi32, #tpu.memory_space<hbm>> -> memref<1x1x128xi32, #tpu.memory_space<hbm>>
      %dma_wait3A_124 = tpu.memref_squeeze %dma_wait3A_123 : memref<1x1x128xi32, #tpu.memory_space<hbm>> -> memref<128xi32, #tpu.memory_space<hbm>>
      tpu.wait_dma2 semaphore(%arg23 : memref<!tpu.dma_semaphore, #tpu.memory_space<semaphore_mem>>) src(%dma_wait3A_124 : memref<128xi32, #tpu.memory_space<hbm>>) dst(%arg11 : memref<128xi32, #tpu.memory_space<vmem>>)
      %dma_wait3A_125 = arith.constant 0 : i32
      %dma_wait3A_126 = arith.constant 0 : i32
      %dma_wait3A_127 = tpu.memref_slice %arg2[%dma_wait3A_125, %dma_wait3A_126] : memref<10000x128xf32, #tpu.memory_space<hbm>> -> memref<10000x128xf32, #tpu.memory_space<hbm>>
      tpu.wait_indirect_dma semaphore(%arg16 : memref<!tpu.dma_semaphore, #tpu.memory_space<semaphore_mem>>) src(%dma_wait3A_127 : memref<10000x128xf32, #tpu.memory_space<hbm>>) dst(%arg12 : memref<128x128xf32, #tpu.memory_space<vmem>>)
      %dma_start3A_128 = arith.constant 0 : i32
      %dma_start3A_129 = arith.constant 0 : i32
      %dma_start3A_130 = tpu.memref_slice %arg15[%dma_start3A_128, %dma_start3A_129] : memref<10112x128xf32, #tpu.memory_space<vmem_shared>> -> memref<10112x128xf32, #tpu.memory_space<vmem_shared>>
      tpu.enqueue_indirect_dma source(%arg12 : memref<128x128xf32, #tpu.memory_space<vmem>>) target(%dma_start3A_130 : memref<10112x128xf32, #tpu.memory_space<vmem_shared>>) offsets(%arg9 : memref<128xi32, #tpu.memory_space<vmem>>) semaphore(%arg19 : memref<!tpu.dma_semaphore, #tpu.memory_space<semaphore_mem>>) {add = true}
      %add3A_131 = arith.constant 1 : i32
      %add3A_132 = arith.addi %scan3A_103, %add3A_131 : i32
      %mul3A_133 = arith.constant 3 : i32
      %mul3A_134 = arith.muli %add3A_132, %mul3A_133 : i32
      %add3A_135 = arith.constant 0 : i32
      %add3A_136 = arith.addi %mul3A_134, %add3A_135 : i32
      %mul3A_137 = arith.constant 32 : i32
      %mul3A_138 = arith.muli %add3A_136, %mul3A_137 : i32
      %add3A_139 = arith.addi %mul3A_138, %add3A : i32
      %dma_start3A_140 = arith.constant 0 : i32
      %dma_start3A_141 = arith.constant 0 : i32
      %dma_start3A_142 = tpu.memref_slice %arg3[%dma_start3A_140, %add3A_139, %dma_start3A_141] : memref<2x2592x128xi32, #tpu.memory_space<hbm>> -> memref<1x1x128xi32, #tpu.memory_space<hbm>>
      %dma_start3A_143 = tpu.memref_squeeze %dma_start3A_142 : memref<1x1x128xi32, #tpu.memory_space<hbm>> -> memref<128xi32, #tpu.memory_space<hbm>>
      %dma_start3A_144 = arith.constant 0 : i32
      %dma_start3A_145 = tpu.memref_slice %arg3[%dma_start3A_140, %add3A_139, %dma_start3A_144] : memref<2x2592x128xi32, #tpu.memory_space<hbm>> -> memref<1x1x128xi32, #tpu.memory_space<hbm>>
      %dma_start3A_146 = tpu.memref_squeeze %dma_start3A_145 : memref<1x1x128xi32, #tpu.memory_space<hbm>> -> memref<128xi32, #tpu.memory_space<hbm>>
      tpu.enqueue_dma source(%dma_start3A_146 : memref<128xi32, #tpu.memory_space<hbm>>) target(%arg6 : memref<128xi32, #tpu.memory_space<vmem>>) target_semaphore(%arg22 : memref<!tpu.dma_semaphore, #tpu.memory_space<semaphore_mem>>)
      %dma_wait3A_147 = arith.constant 0 : i32
      %dma_wait3A_148 = arith.constant 0 : i32
      %dma_wait3A_149 = tpu.memref_slice %arg2[%dma_wait3A_147, %dma_wait3A_148] : memref<10000x128xf32, #tpu.memory_space<hbm>> -> memref<10000x128xf32, #tpu.memory_space<hbm>>
      tpu.wait_indirect_dma semaphore(%arg17 : memref<!tpu.dma_semaphore, #tpu.memory_space<semaphore_mem>>) src(%dma_wait3A_149 : memref<10000x128xf32, #tpu.memory_space<hbm>>) dst(%arg13 : memref<128x128xf32, #tpu.memory_space<vmem>>)
      %dma_start3A_150 = arith.constant 0 : i32
      %dma_start3A_151 = arith.constant 0 : i32
      %dma_start3A_152 = tpu.memref_slice %arg15[%dma_start3A_150, %dma_start3A_151] : memref<10112x128xf32, #tpu.memory_space<vmem_shared>> -> memref<10112x128xf32, #tpu.memory_space<vmem_shared>>
      tpu.enqueue_indirect_dma source(%arg13 : memref<128x128xf32, #tpu.memory_space<vmem>>) target(%dma_start3A_152 : memref<10112x128xf32, #tpu.memory_space<vmem_shared>>) offsets(%arg10 : memref<128xi32, #tpu.memory_space<vmem>>) semaphore(%arg20 : memref<!tpu.dma_semaphore, #tpu.memory_space<semaphore_mem>>) {add = true}
      %add3A_153 = arith.constant 1 : i32
      %add3A_154 = arith.addi %scan3A_103, %add3A_153 : i32
      %mul3A_155 = arith.constant 3 : i32
      %mul3A_156 = arith.muli %add3A_154, %mul3A_155 : i32
      %add3A_157 = arith.constant 1 : i32
      %add3A_158 = arith.addi %mul3A_156, %add3A_157 : i32
      %mul3A_159 = arith.constant 32 : i32
      %mul3A_160 = arith.muli %add3A_158, %mul3A_159 : i32
      %add3A_161 = arith.addi %mul3A_160, %add3A : i32
      %dma_start3A_162 = arith.constant 0 : i32
      %dma_start3A_163 = arith.constant 0 : i32
      %dma_start3A_164 = tpu.memref_slice %arg3[%dma_start3A_162, %add3A_161, %dma_start3A_163] : memref<2x2592x128xi32, #tpu.memory_space<hbm>> -> memref<1x1x128xi32, #tpu.memory_space<hbm>>
      %dma_start3A_165 = tpu.memref_squeeze %dma_start3A_164 : memref<1x1x128xi32, #tpu.memory_space<hbm>> -> memref<128xi32, #tpu.memory_space<hbm>>
      %dma_start3A_166 = arith.constant 0 : i32
      %dma_start3A_167 = tpu.memref_slice %arg3[%dma_start3A_162, %add3A_161, %dma_start3A_166] : memref<2x2592x128xi32, #tpu.memory_space<hbm>> -> memref<1x1x128xi32, #tpu.memory_space<hbm>>
      %dma_start3A_168 = tpu.memref_squeeze %dma_start3A_167 : memref<1x1x128xi32, #tpu.memory_space<hbm>> -> memref<128xi32, #tpu.memory_space<hbm>>
      tpu.enqueue_dma source(%dma_start3A_168 : memref<128xi32, #tpu.memory_space<hbm>>) target(%arg7 : memref<128xi32, #tpu.memory_space<vmem>>) target_semaphore(%arg22 : memref<!tpu.dma_semaphore, #tpu.memory_space<semaphore_mem>>)
      %dma_wait3A_169 = arith.constant 0 : i32
      %dma_wait3A_170 = arith.constant 0 : i32
      %dma_wait3A_171 = tpu.memref_slice %arg2[%dma_wait3A_169, %dma_wait3A_170] : memref<10000x128xf32, #tpu.memory_space<hbm>> -> memref<10000x128xf32, #tpu.memory_space<hbm>>
      tpu.wait_indirect_dma semaphore(%arg18 : memref<!tpu.dma_semaphore, #tpu.memory_space<semaphore_mem>>) src(%dma_wait3A_171 : memref<10000x128xf32, #tpu.memory_space<hbm>>) dst(%arg14 : memref<128x128xf32, #tpu.memory_space<vmem>>)
      %dma_start3A_172 = arith.constant 0 : i32
      %dma_start3A_173 = arith.constant 0 : i32
      %dma_start3A_174 = tpu.memref_slice %arg15[%dma_start3A_172, %dma_start3A_173] : memref<10112x128xf32, #tpu.memory_space<vmem_shared>> -> memref<10112x128xf32, #tpu.memory_space<vmem_shared>>
      tpu.enqueue_indirect_dma source(%arg14 : memref<128x128xf32, #tpu.memory_space<vmem>>) target(%dma_start3A_174 : memref<10112x128xf32, #tpu.memory_space<vmem_shared>>) offsets(%arg11 : memref<128xi32, #tpu.memory_space<vmem>>) semaphore(%arg21 : memref<!tpu.dma_semaphore, #tpu.memory_space<semaphore_mem>>) {add = true}
      %add3A_175 = arith.constant 1 : i32
      %add3A_176 = arith.addi %scan3A_103, %add3A_175 : i32
      %mul3A_177 = arith.constant 3 : i32
      %mul3A_178 = arith.muli %add3A_176, %mul3A_177 : i32
      %add3A_179 = arith.constant 2 : i32
      %add3A_180 = arith.addi %mul3A_178, %add3A_179 : i32
      %mul3A_181 = arith.constant 32 : i32
      %mul3A_182 = arith.muli %add3A_180, %mul3A_181 : i32
      %add3A_183 = arith.addi %mul3A_182, %add3A : i32
      %dma_start3A_184 = arith.constant 0 : i32
      %dma_start3A_185 = arith.constant 0 : i32
      %dma_start3A_186 = tpu.memref_slice %arg3[%dma_start3A_184, %add3A_183, %dma_start3A_185] : memref<2x2592x128xi32, #tpu.memory_space<hbm>> -> memref<1x1x128xi32, #tpu.memory_space<hbm>>
      %dma_start3A_187 = tpu.memref_squeeze %dma_start3A_186 : memref<1x1x128xi32, #tpu.memory_space<hbm>> -> memref<128xi32, #tpu.memory_space<hbm>>
      %dma_start3A_188 = arith.constant 0 : i32
      %dma_start3A_189 = tpu.memref_slice %arg3[%dma_start3A_184, %add3A_183, %dma_start3A_188] : memref<2x2592x128xi32, #tpu.memory_space<hbm>> -> memref<1x1x128xi32, #tpu.memory_space<hbm>>
      %dma_start3A_190 = tpu.memref_squeeze %dma_start3A_189 : memref<1x1x128xi32, #tpu.memory_space<hbm>> -> memref<128xi32, #tpu.memory_space<hbm>>
      tpu.enqueue_dma source(%dma_start3A_190 : memref<128xi32, #tpu.memory_space<hbm>>) target(%arg8 : memref<128xi32, #tpu.memory_space<vmem>>) target_semaphore(%arg22 : memref<!tpu.dma_semaphore, #tpu.memory_space<semaphore_mem>>)
      %dma_wait3A_191 = arith.constant 0 : i32
      %dma_wait3A_192 = arith.constant 0 : i32
      %dma_wait3A_193 = tpu.memref_slice %arg3[%dma_wait3A_191, %add3A, %dma_wait3A_192] : memref<2x2592x128xi32, #tpu.memory_space<hbm>> -> memref<1x1x128xi32, #tpu.memory_space<hbm>>
      %dma_wait3A_194 = tpu.memref_squeeze %dma_wait3A_193 : memref<1x1x128xi32, #tpu.memory_space<hbm>> -> memref<128xi32, #tpu.memory_space<hbm>>
      %dma_wait3A_195 = arith.constant 0 : i32
      %dma_wait3A_196 = tpu.memref_slice %arg3[%dma_wait3A_191, %add3A, %dma_wait3A_195] : memref<2x2592x128xi32, #tpu.memory_space<hbm>> -> memref<1x1x128xi32, #tpu.memory_space<hbm>>
      %dma_wait3A_197 = tpu.memref_squeeze %dma_wait3A_196 : memref<1x1x128xi32, #tpu.memory_space<hbm>> -> memref<128xi32, #tpu.memory_space<hbm>>
      tpu.wait_dma2 semaphore(%arg22 : memref<!tpu.dma_semaphore, #tpu.memory_space<semaphore_mem>>) src(%dma_wait3A_197 : memref<128xi32, #tpu.memory_space<hbm>>) dst(%arg6 : memref<128xi32, #tpu.memory_space<vmem>>)
      %dma_wait3A_198 = arith.constant 0 : i32
      %dma_wait3A_199 = arith.constant 0 : i32
      %dma_wait3A_200 = tpu.memref_slice %arg3[%dma_wait3A_198, %add3A, %dma_wait3A_199] : memref<2x2592x128xi32, #tpu.memory_space<hbm>> -> memref<1x1x128xi32, #tpu.memory_space<hbm>>
      %dma_wait3A_201 = tpu.memref_squeeze %dma_wait3A_200 : memref<1x1x128xi32, #tpu.memory_space<hbm>> -> memref<128xi32, #tpu.memory_space<hbm>>
      %dma_wait3A_202 = arith.constant 0 : i32
      %dma_wait3A_203 = tpu.memref_slice %arg3[%dma_wait3A_198, %add3A, %dma_wait3A_202] : memref<2x2592x128xi32, #tpu.memory_space<hbm>> -> memref<1x1x128xi32, #tpu.memory_space<hbm>>
      %dma_wait3A_204 = tpu.memref_squeeze %dma_wait3A_203 : memref<1x1x128xi32, #tpu.memory_space<hbm>> -> memref<128xi32, #tpu.memory_space<hbm>>
      tpu.wait_dma2 semaphore(%arg22 : memref<!tpu.dma_semaphore, #tpu.memory_space<semaphore_mem>>) src(%dma_wait3A_204 : memref<128xi32, #tpu.memory_space<hbm>>) dst(%arg7 : memref<128xi32, #tpu.memory_space<vmem>>)
      %dma_wait3A_205 = arith.constant 0 : i32
      %dma_wait3A_206 = arith.constant 0 : i32
      %dma_wait3A_207 = tpu.memref_slice %arg3[%dma_wait3A_205, %add3A, %dma_wait3A_206] : memref<2x2592x128xi32, #tpu.memory_space<hbm>> -> memref<1x1x128xi32, #tpu.memory_space<hbm>>
      %dma_wait3A_208 = tpu.memref_squeeze %dma_wait3A_207 : memref<1x1x128xi32, #tpu.memory_space<hbm>> -> memref<128xi32, #tpu.memory_space<hbm>>
      %dma_wait3A_209 = arith.constant 0 : i32
      %dma_wait3A_210 = tpu.memref_slice %arg3[%dma_wait3A_205, %add3A, %dma_wait3A_209] : memref<2x2592x128xi32, #tpu.memory_space<hbm>> -> memref<1x1x128xi32, #tpu.memory_space<hbm>>
      %dma_wait3A_211 = tpu.memref_squeeze %dma_wait3A_210 : memref<1x1x128xi32, #tpu.memory_space<hbm>> -> memref<128xi32, #tpu.memory_space<hbm>>
      tpu.wait_dma2 semaphore(%arg22 : memref<!tpu.dma_semaphore, #tpu.memory_space<semaphore_mem>>) src(%dma_wait3A_211 : memref<128xi32, #tpu.memory_space<hbm>>) dst(%arg8 : memref<128xi32, #tpu.memory_space<vmem>>)
      %dma_wait3A_212 = arith.constant 0 : i32
      %dma_wait3A_213 = arith.constant 0 : i32
      %dma_wait3A_214 = tpu.memref_slice %arg15[%dma_wait3A_212, %dma_wait3A_213] : memref<10112x128xf32, #tpu.memory_space<vmem_shared>> -> memref<10112x128xf32, #tpu.memory_space<vmem_shared>>
      tpu.wait_indirect_dma semaphore(%arg19 : memref<!tpu.dma_semaphore, #tpu.memory_space<semaphore_mem>>) src(%arg12 : memref<128x128xf32, #tpu.memory_space<vmem>>) dst(%dma_wait3A_214 : memref<10112x128xf32, #tpu.memory_space<vmem_shared>>)
      %dma_start3A_215 = arith.constant 0 : i32
      %dma_start3A_216 = arith.constant 0 : i32
      %dma_start3A_217 = tpu.memref_slice %arg2[%dma_start3A_215, %dma_start3A_216] : memref<10000x128xf32, #tpu.memory_space<hbm>> -> memref<10000x128xf32, #tpu.memory_space<hbm>>
      tpu.enqueue_indirect_dma source(%dma_start3A_217 : memref<10000x128xf32, #tpu.memory_space<hbm>>) target(%arg12 : memref<128x128xf32, #tpu.memory_space<vmem>>) offsets(%arg6 : memref<128xi32, #tpu.memory_space<vmem>>) semaphore(%arg16 : memref<!tpu.dma_semaphore, #tpu.memory_space<semaphore_mem>>)
      %add3A_218 = arith.constant 1 : i32
      %add3A_219 = arith.addi %scan3A_103, %add3A_218 : i32
      %mul3A_220 = arith.constant 3 : i32
      %mul3A_221 = arith.muli %add3A_219, %mul3A_220 : i32
      %add3A_222 = arith.constant 0 : i32
      %add3A_223 = arith.addi %mul3A_221, %add3A_222 : i32
      %mul3A_224 = arith.constant 32 : i32
      %mul3A_225 = arith.muli %add3A_223, %mul3A_224 : i32
      %add3A_226 = arith.addi %mul3A_225, %add3A : i32
      %dma_start3A_227 = arith.constant 1 : i32
      %dma_start3A_228 = arith.constant 0 : i32
      %dma_start3A_229 = tpu.memref_slice %arg3[%dma_start3A_227, %add3A_226, %dma_start3A_228] : memref<2x2592x128xi32, #tpu.memory_space<hbm>> -> memref<1x1x128xi32, #tpu.memory_space<hbm>>
      %dma_start3A_230 = tpu.memref_squeeze %dma_start3A_229 : memref<1x1x128xi32, #tpu.memory_space<hbm>> -> memref<128xi32, #tpu.memory_space<hbm>>
      %dma_start3A_231 = arith.constant 0 : i32
      %dma_start3A_232 = tpu.memref_slice %arg3[%dma_start3A_227, %add3A_226, %dma_start3A_231] : memref<2x2592x128xi32, #tpu.memory_space<hbm>> -> memref<1x1x128xi32, #tpu.memory_space<hbm>>
      %dma_start3A_233 = tpu.memref_squeeze %dma_start3A_232 : memref<1x1x128xi32, #tpu.memory_space<hbm>> -> memref<128xi32, #tpu.memory_space<hbm>>
      tpu.enqueue_dma source(%dma_start3A_233 : memref<128xi32, #tpu.memory_space<hbm>>) target(%arg9 : memref<128xi32, #tpu.memory_space<vmem>>) target_semaphore(%arg23 : memref<!tpu.dma_semaphore, #tpu.memory_space<semaphore_mem>>)
      %dma_wait3A_234 = arith.constant 0 : i32
      %dma_wait3A_235 = arith.constant 0 : i32
      %dma_wait3A_236 = tpu.memref_slice %arg15[%dma_wait3A_234, %dma_wait3A_235] : memref<10112x128xf32, #tpu.memory_space<vmem_shared>> -> memref<10112x128xf32, #tpu.memory_space<vmem_shared>>
      tpu.wait_indirect_dma semaphore(%arg20 : memref<!tpu.dma_semaphore, #tpu.memory_space<semaphore_mem>>) src(%arg13 : memref<128x128xf32, #tpu.memory_space<vmem>>) dst(%dma_wait3A_236 : memref<10112x128xf32, #tpu.memory_space<vmem_shared>>)
      %dma_start3A_237 = arith.constant 0 : i32
      %dma_start3A_238 = arith.constant 0 : i32
      %dma_start3A_239 = tpu.memref_slice %arg2[%dma_start3A_237, %dma_start3A_238] : memref<10000x128xf32, #tpu.memory_space<hbm>> -> memref<10000x128xf32, #tpu.memory_space<hbm>>
      tpu.enqueue_indirect_dma source(%dma_start3A_239 : memref<10000x128xf32, #tpu.memory_space<hbm>>) target(%arg13 : memref<128x128xf32, #tpu.memory_space<vmem>>) offsets(%arg7 : memref<128xi32, #tpu.memory_space<vmem>>) semaphore(%arg17 : memref<!tpu.dma_semaphore, #tpu.memory_space<semaphore_mem>>)
      %add3A_240 = arith.constant 1 : i32
      %add3A_241 = arith.addi %scan3A_103, %add3A_240 : i32
      %mul3A_242 = arith.constant 3 : i32
      %mul3A_243 = arith.muli %add3A_241, %mul3A_242 : i32
      %add3A_244 = arith.constant 1 : i32
      %add3A_245 = arith.addi %mul3A_243, %add3A_244 : i32
      %mul3A_246 = arith.constant 32 : i32
      %mul3A_247 = arith.muli %add3A_245, %mul3A_246 : i32
      %add3A_248 = arith.addi %mul3A_247, %add3A : i32
      %dma_start3A_249 = arith.constant 1 : i32
      %dma_start3A_250 = arith.constant 0 : i32
      %dma_start3A_251 = tpu.memref_slice %arg3[%dma_start3A_249, %add3A_248, %dma_start3A_250] : memref<2x2592x128xi32, #tpu.memory_space<hbm>> -> memref<1x1x128xi32, #tpu.memory_space<hbm>>
      %dma_start3A_252 = tpu.memref_squeeze %dma_start3A_251 : memref<1x1x128xi32, #tpu.memory_space<hbm>> -> memref<128xi32, #tpu.memory_space<hbm>>
      %dma_start3A_253 = arith.constant 0 : i32
      %dma_start3A_254 = tpu.memref_slice %arg3[%dma_start3A_249, %add3A_248, %dma_start3A_253] : memref<2x2592x128xi32, #tpu.memory_space<hbm>> -> memref<1x1x128xi32, #tpu.memory_space<hbm>>
      %dma_start3A_255 = tpu.memref_squeeze %dma_start3A_254 : memref<1x1x128xi32, #tpu.memory_space<hbm>> -> memref<128xi32, #tpu.memory_space<hbm>>
      tpu.enqueue_dma source(%dma_start3A_255 : memref<128xi32, #tpu.memory_space<hbm>>) target(%arg10 : memref<128xi32, #tpu.memory_space<vmem>>) target_semaphore(%arg23 : memref<!tpu.dma_semaphore, #tpu.memory_space<semaphore_mem>>)
      %dma_wait3A_256 = arith.constant 0 : i32
      %dma_wait3A_257 = arith.constant 0 : i32
      %dma_wait3A_258 = tpu.memref_slice %arg15[%dma_wait3A_256, %dma_wait3A_257] : memref<10112x128xf32, #tpu.memory_space<vmem_shared>> -> memref<10112x128xf32, #tpu.memory_space<vmem_shared>>
      tpu.wait_indirect_dma semaphore(%arg21 : memref<!tpu.dma_semaphore, #tpu.memory_space<semaphore_mem>>) src(%arg14 : memref<128x128xf32, #tpu.memory_space<vmem>>) dst(%dma_wait3A_258 : memref<10112x128xf32, #tpu.memory_space<vmem_shared>>)
      %dma_start3A_259 = arith.constant 0 : i32
      %dma_start3A_260 = arith.constant 0 : i32
      %dma_start3A_261 = tpu.memref_slice %arg2[%dma_start3A_259, %dma_start3A_260] : memref<10000x128xf32, #tpu.memory_space<hbm>> -> memref<10000x128xf32, #tpu.memory_space<hbm>>
      tpu.enqueue_indirect_dma source(%dma_start3A_261 : memref<10000x128xf32, #tpu.memory_space<hbm>>) target(%arg14 : memref<128x128xf32, #tpu.memory_space<vmem>>) offsets(%arg8 : memref<128xi32, #tpu.memory_space<vmem>>) semaphore(%arg18 : memref<!tpu.dma_semaphore, #tpu.memory_space<semaphore_mem>>)
      %add3A_262 = arith.constant 1 : i32
      %add3A_263 = arith.addi %scan3A_103, %add3A_262 : i32
      %mul3A_264 = arith.constant 3 : i32
      %mul3A_265 = arith.muli %add3A_263, %mul3A_264 : i32
      %add3A_266 = arith.constant 2 : i32
      %add3A_267 = arith.addi %mul3A_265, %add3A_266 : i32
      %mul3A_268 = arith.constant 32 : i32
      %mul3A_269 = arith.muli %add3A_267, %mul3A_268 : i32
      %add3A_270 = arith.addi %mul3A_269, %add3A : i32
      %dma_start3A_271 = arith.constant 1 : i32
      %dma_start3A_272 = arith.constant 0 : i32
      %dma_start3A_273 = tpu.memref_slice %arg3[%dma_start3A_271, %add3A_270, %dma_start3A_272] : memref<2x2592x128xi32, #tpu.memory_space<hbm>> -> memref<1x1x128xi32, #tpu.memory_space<hbm>>
      %dma_start3A_274 = tpu.memref_squeeze %dma_start3A_273 : memref<1x1x128xi32, #tpu.memory_space<hbm>> -> memref<128xi32, #tpu.memory_space<hbm>>
      %dma_start3A_275 = arith.constant 0 : i32
      %dma_start3A_276 = tpu.memref_slice %arg3[%dma_start3A_271, %add3A_270, %dma_start3A_275] : memref<2x2592x128xi32, #tpu.memory_space<hbm>> -> memref<1x1x128xi32, #tpu.memory_space<hbm>>
      %dma_start3A_277 = tpu.memref_squeeze %dma_start3A_276 : memref<1x1x128xi32, #tpu.memory_space<hbm>> -> memref<128xi32, #tpu.memory_space<hbm>>
      tpu.enqueue_dma source(%dma_start3A_277 : memref<128xi32, #tpu.memory_space<hbm>>) target(%arg11 : memref<128xi32, #tpu.memory_space<vmem>>) target_semaphore(%arg23 : memref<!tpu.dma_semaphore, #tpu.memory_space<semaphore_mem>>)
    }
    %scan3A_50 = arith.constant 26 : i32
    %dma_wait3A = arith.constant 1 : i32
    %dma_wait3A_51 = arith.constant 0 : i32
    %dma_wait3A_52 = tpu.memref_slice %arg3[%dma_wait3A, %add3A, %dma_wait3A_51] : memref<2x2592x128xi32, #tpu.memory_space<hbm>> -> memref<1x1x128xi32, #tpu.memory_space<hbm>>
    %dma_wait3A_53 = tpu.memref_squeeze %dma_wait3A_52 : memref<1x1x128xi32, #tpu.memory_space<hbm>> -> memref<128xi32, #tpu.memory_space<hbm>>
    %dma_wait3A_54 = arith.constant 0 : i32
    %dma_wait3A_55 = tpu.memref_slice %arg3[%dma_wait3A, %add3A, %dma_wait3A_54] : memref<2x2592x128xi32, #tpu.memory_space<hbm>> -> memref<1x1x128xi32, #tpu.memory_space<hbm>>
    %dma_wait3A_56 = tpu.memref_squeeze %dma_wait3A_55 : memref<1x1x128xi32, #tpu.memory_space<hbm>> -> memref<128xi32, #tpu.memory_space<hbm>>
    tpu.wait_dma2 semaphore(%arg23 : memref<!tpu.dma_semaphore, #tpu.memory_space<semaphore_mem>>) src(%dma_wait3A_56 : memref<128xi32, #tpu.memory_space<hbm>>) dst(%arg9 : memref<128xi32, #tpu.memory_space<vmem>>)
    %dma_wait3A_57 = arith.constant 1 : i32
    %dma_wait3A_58 = arith.constant 0 : i32
    %dma_wait3A_59 = tpu.memref_slice %arg3[%dma_wait3A_57, %add3A, %dma_wait3A_58] : memref<2x2592x128xi32, #tpu.memory_space<hbm>> -> memref<1x1x128xi32, #tpu.memory_space<hbm>>
    %dma_wait3A_60 = tpu.memref_squeeze %dma_wait3A_59 : memref<1x1x128xi32, #tpu.memory_space<hbm>> -> memref<128xi32, #tpu.memory_space<hbm>>
    %dma_wait3A_61 = arith.constant 0 : i32
    %dma_wait3A_62 = tpu.memref_slice %arg3[%dma_wait3A_57, %add3A, %dma_wait3A_61] : memref<2x2592x128xi32, #tpu.memory_space<hbm>> -> memref<1x1x128xi32, #tpu.memory_space<hbm>>
    %dma_wait3A_63 = tpu.memref_squeeze %dma_wait3A_62 : memref<1x1x128xi32, #tpu.memory_space<hbm>> -> memref<128xi32, #tpu.memory_space<hbm>>
    tpu.wait_dma2 semaphore(%arg23 : memref<!tpu.dma_semaphore, #tpu.memory_space<semaphore_mem>>) src(%dma_wait3A_63 : memref<128xi32, #tpu.memory_space<hbm>>) dst(%arg10 : memref<128xi32, #tpu.memory_space<vmem>>)
    %dma_wait3A_64 = arith.constant 1 : i32
    %dma_wait3A_65 = arith.constant 0 : i32
    %dma_wait3A_66 = tpu.memref_slice %arg3[%dma_wait3A_64, %add3A, %dma_wait3A_65] : memref<2x2592x128xi32, #tpu.memory_space<hbm>> -> memref<1x1x128xi32, #tpu.memory_space<hbm>>
    %dma_wait3A_67 = tpu.memref_squeeze %dma_wait3A_66 : memref<1x1x128xi32, #tpu.memory_space<hbm>> -> memref<128xi32, #tpu.memory_space<hbm>>
    %dma_wait3A_68 = arith.constant 0 : i32
    %dma_wait3A_69 = tpu.memref_slice %arg3[%dma_wait3A_64, %add3A, %dma_wait3A_68] : memref<2x2592x128xi32, #tpu.memory_space<hbm>> -> memref<1x1x128xi32, #tpu.memory_space<hbm>>
    %dma_wait3A_70 = tpu.memref_squeeze %dma_wait3A_69 : memref<1x1x128xi32, #tpu.memory_space<hbm>> -> memref<128xi32, #tpu.memory_space<hbm>>
    tpu.wait_dma2 semaphore(%arg23 : memref<!tpu.dma_semaphore, #tpu.memory_space<semaphore_mem>>) src(%dma_wait3A_70 : memref<128xi32, #tpu.memory_space<hbm>>) dst(%arg11 : memref<128xi32, #tpu.memory_space<vmem>>)
    %dma_wait3A_71 = arith.constant 0 : i32
    %dma_wait3A_72 = arith.constant 0 : i32
    %dma_wait3A_73 = tpu.memref_slice %arg2[%dma_wait3A_71, %dma_wait3A_72] : memref<10000x128xf32, #tpu.memory_space<hbm>> -> memref<10000x128xf32, #tpu.memory_space<hbm>>
    tpu.wait_indirect_dma semaphore(%arg16 : memref<!tpu.dma_semaphore, #tpu.memory_space<semaphore_mem>>) src(%dma_wait3A_73 : memref<10000x128xf32, #tpu.memory_space<hbm>>) dst(%arg12 : memref<128x128xf32, #tpu.memory_space<vmem>>)
    %dma_start3A_74 = arith.constant 0 : i32
    %dma_start3A_75 = arith.constant 0 : i32
    %dma_start3A_76 = tpu.memref_slice %arg15[%dma_start3A_74, %dma_start3A_75] : memref<10112x128xf32, #tpu.memory_space<vmem_shared>> -> memref<10112x128xf32, #tpu.memory_space<vmem_shared>>
    tpu.enqueue_indirect_dma source(%arg12 : memref<128x128xf32, #tpu.memory_space<vmem>>) target(%dma_start3A_76 : memref<10112x128xf32, #tpu.memory_space<vmem_shared>>) offsets(%arg9 : memref<128xi32, #tpu.memory_space<vmem>>) semaphore(%arg19 : memref<!tpu.dma_semaphore, #tpu.memory_space<semaphore_mem>>) {add = true}
    %dma_wait3A_77 = arith.constant 0 : i32
    %dma_wait3A_78 = arith.constant 0 : i32
    %dma_wait3A_79 = tpu.memref_slice %arg2[%dma_wait3A_77, %dma_wait3A_78] : memref<10000x128xf32, #tpu.memory_space<hbm>> -> memref<10000x128xf32, #tpu.memory_space<hbm>>
    tpu.wait_indirect_dma semaphore(%arg17 : memref<!tpu.dma_semaphore, #tpu.memory_space<semaphore_mem>>) src(%dma_wait3A_79 : memref<10000x128xf32, #tpu.memory_space<hbm>>) dst(%arg13 : memref<128x128xf32, #tpu.memory_space<vmem>>)
    %dma_start3A_80 = arith.constant 0 : i32
    %dma_start3A_81 = arith.constant 0 : i32
    %dma_start3A_82 = tpu.memref_slice %arg15[%dma_start3A_80, %dma_start3A_81] : memref<10112x128xf32, #tpu.memory_space<vmem_shared>> -> memref<10112x128xf32, #tpu.memory_space<vmem_shared>>
    tpu.enqueue_indirect_dma source(%arg13 : memref<128x128xf32, #tpu.memory_space<vmem>>) target(%dma_start3A_82 : memref<10112x128xf32, #tpu.memory_space<vmem_shared>>) offsets(%arg10 : memref<128xi32, #tpu.memory_space<vmem>>) semaphore(%arg20 : memref<!tpu.dma_semaphore, #tpu.memory_space<semaphore_mem>>) {add = true}
    %dma_wait3A_83 = arith.constant 0 : i32
    %dma_wait3A_84 = arith.constant 0 : i32
    %dma_wait3A_85 = tpu.memref_slice %arg2[%dma_wait3A_83, %dma_wait3A_84] : memref<10000x128xf32, #tpu.memory_space<hbm>> -> memref<10000x128xf32, #tpu.memory_space<hbm>>
    tpu.wait_indirect_dma semaphore(%arg18 : memref<!tpu.dma_semaphore, #tpu.memory_space<semaphore_mem>>) src(%dma_wait3A_85 : memref<10000x128xf32, #tpu.memory_space<hbm>>) dst(%arg14 : memref<128x128xf32, #tpu.memory_space<vmem>>)
    %dma_start3A_86 = arith.constant 0 : i32
    %dma_start3A_87 = arith.constant 0 : i32
    %dma_start3A_88 = tpu.memref_slice %arg15[%dma_start3A_86, %dma_start3A_87] : memref<10112x128xf32, #tpu.memory_space<vmem_shared>> -> memref<10112x128xf32, #tpu.memory_space<vmem_shared>>
    tpu.enqueue_indirect_dma source(%arg14 : memref<128x128xf32, #tpu.memory_space<vmem>>) target(%dma_start3A_88 : memref<10112x128xf32, #tpu.memory_space<vmem_shared>>) offsets(%arg11 : memref<128xi32, #tpu.memory_space<vmem>>) semaphore(%arg21 : memref<!tpu.dma_semaphore, #tpu.memory_space<semaphore_mem>>) {add = true}
    %dma_wait3A_89 = arith.constant 0 : i32
    %dma_wait3A_90 = arith.constant 0 : i32
    %dma_wait3A_91 = tpu.memref_slice %arg15[%dma_wait3A_89, %dma_wait3A_90] : memref<10112x128xf32, #tpu.memory_space<vmem_shared>> -> memref<10112x128xf32, #tpu.memory_space<vmem_shared>>
    tpu.wait_indirect_dma semaphore(%arg19 : memref<!tpu.dma_semaphore, #tpu.memory_space<semaphore_mem>>) src(%arg12 : memref<128x128xf32, #tpu.memory_space<vmem>>) dst(%dma_wait3A_91 : memref<10112x128xf32, #tpu.memory_space<vmem_shared>>)
    %dma_wait3A_92 = arith.constant 0 : i32
    %dma_wait3A_93 = arith.constant 0 : i32
    %dma_wait3A_94 = tpu.memref_slice %arg15[%dma_wait3A_92, %dma_wait3A_93] : memref<10112x128xf32, #tpu.memory_space<vmem_shared>> -> memref<10112x128xf32, #tpu.memory_space<vmem_shared>>
    tpu.wait_indirect_dma semaphore(%arg20 : memref<!tpu.dma_semaphore, #tpu.memory_space<semaphore_mem>>) src(%arg13 : memref<128x128xf32, #tpu.memory_space<vmem>>) dst(%dma_wait3A_94 : memref<10112x128xf32, #tpu.memory_space<vmem_shared>>)
    %dma_wait3A_95 = arith.constant 0 : i32
    %dma_wait3A_96 = arith.constant 0 : i32
    %dma_wait3A_97 = tpu.memref_slice %arg15[%dma_wait3A_95, %dma_wait3A_96] : memref<10112x128xf32, #tpu.memory_space<vmem_shared>> -> memref<10112x128xf32, #tpu.memory_space<vmem_shared>>
    tpu.wait_indirect_dma semaphore(%arg21 : memref<!tpu.dma_semaphore, #tpu.memory_space<semaphore_mem>>) src(%arg14 : memref<128x128xf32, #tpu.memory_space<vmem>>) dst(%dma_wait3A_97 : memref<10112x128xf32, #tpu.memory_space<vmem_shared>>)
    %barrier3A_98 = arith.constant 0 : index
    tpu.barrier barrier_id(%barrier3A_98)
    %delay3A_99 = arith.constant 1024 : i32
    tpu.delay %delay3A_99
    %mul3A_100 = arith.constant 10112 : i32
    %mul3A_101 = arith.muli %arg0, %mul3A_100 : i32
    %add3A_102 = arith.addi %mul3A_101, %mul3A_2 : i32
    "tpu.region"() ({
      %run_scoped3A_103 = tpu.sem_alloc : memref<!tpu.dma_semaphore, #tpu.memory_space<semaphore_mem>>
      %dma_start3A_104 = arith.constant 0 : i32
      %dma_start3A_105 = tpu.memref_slice %arg5[%add3A_102, %dma_start3A_104] : memref<20224x128xf32, #tpu.memory_space<hbm>> -> memref<632x128xf32, #tpu.memory_space<hbm>>
      %dma_start3A_106 = arith.constant 0 : i32
      %dma_start3A_107 = tpu.memref_slice %arg15[%mul3A_2, %dma_start3A_106] : memref<10112x128xf32, #tpu.memory_space<vmem_shared>> -> memref<632x128xf32, #tpu.memory_space<vmem_shared>>
      tpu.enqueue_dma source(%dma_start3A_107 : memref<632x128xf32, #tpu.memory_space<vmem_shared>>) target(%dma_start3A_105 : memref<632x128xf32, #tpu.memory_space<hbm>>) target_semaphore(%run_scoped3A_103 : memref<!tpu.dma_semaphore, #tpu.memory_space<semaphore_mem>>)
      %dma_wait3A_108 = arith.constant 0 : i32
      %dma_wait3A_109 = tpu.memref_slice %arg5[%add3A_102, %dma_wait3A_108] : memref<20224x128xf32, #tpu.memory_space<hbm>> -> memref<632x128xf32, #tpu.memory_space<hbm>>
      %dma_wait3A_110 = arith.constant 0 : i32
      %dma_wait3A_111 = tpu.memref_slice %arg15[%mul3A_2, %dma_wait3A_110] : memref<10112x128xf32, #tpu.memory_space<vmem_shared>> -> memref<632x128xf32, #tpu.memory_space<vmem_shared>>
      tpu.wait_dma2 semaphore(%run_scoped3A_103 : memref<!tpu.dma_semaphore, #tpu.memory_space<semaphore_mem>>) src(%dma_wait3A_111 : memref<632x128xf32, #tpu.memory_space<vmem_shared>>) dst(%dma_wait3A_109 : memref<632x128xf32, #tpu.memory_space<hbm>>)
      tpu.yield
    }) : () -> ()
    return
  }
}

module attributes {stable_mosaic.version = 14 : i64} {
  func.func @_scale_body(%arg0: i32, %arg1: memref<10000x128xf32, #tpu.memory_space<vmem>>, %arg2: memref<2x10112xf32, #tpu.memory_space<vmem>>, %arg3: memref<10000x128xf32, #tpu.memory_space<vmem>>) attributes {dimension_semantics = [#tpu.dimension_semantics<arbitrary>], iteration_bounds = array<i64: 1>, scalar_prefetch = 0 : i64, scratch_operands = 0 : i64, tpu.core_type = #tpu.core_type<tc>, window_params = [{pipeline_mode = #tpu.pipeline_mode<synchronous>, transform_indices = @transform_0, window_bounds = array<i64: 10000, 128>}, {pipeline_mode = #tpu.pipeline_mode<synchronous>, transform_indices = @transform_1, window_bounds = array<i64: 2, 10112>}, {pipeline_mode = #tpu.pipeline_mode<synchronous>, transform_indices = @transform_2, window_bounds = array<i64: 10000, 128>}]} {
    %get3A = arith.constant 0 : index
    %get3A_0 = arith.constant 0 : index
    %get3A_1 = vector.load %arg2[%get3A, %get3A_0] : memref<2x10112xf32, #tpu.memory_space<vmem>>, vector<2x10112xf32>
    %slice3A = vector.extract_strided_slice %get3A_1 {offsets = [0, 0], sizes = [1, 10112], strides = [1, 1]} : vector<2x10112xf32> to vector<1x10112xf32>
    %squeeze3A = vector.shape_cast %slice3A : vector<1x10112xf32> to vector<10112xf32>
    %slice3A_2 = vector.extract_strided_slice %get3A_1 {offsets = [1, 0], sizes = [1, 10112], strides = [1, 1]} : vector<2x10112xf32> to vector<1x10112xf32>
    %squeeze3A_3 = vector.shape_cast %slice3A_2 : vector<1x10112xf32> to vector<10112xf32>
    %add3A = arith.addf %squeeze3A, %squeeze3A_3 : vector<10112xf32>
    %add3A_4 = arith.constant 1.000000e+00 : f32
    %add3A_5 = vector.broadcast %add3A_4 : f32 to vector<10112xf32>
    %add3A_6 = arith.addf %add3A, %add3A_5 : vector<10112xf32>
    %rsqrt3A = math.rsqrt %add3A_6 : vector<10112xf32>
    %broadcast_in_dim3A = vector.shape_cast %rsqrt3A : vector<10112xf32> to vector<10112x1xf32>
    %slice3A_7 = vector.extract_strided_slice %broadcast_in_dim3A {offsets = [0, 0], sizes = [10000, 1], strides = [1, 1]} : vector<10112x1xf32> to vector<10000x1xf32>
    %get3A_8 = arith.constant 0 : index
    %get3A_9 = arith.constant 0 : index
    %get3A_10 = vector.load %arg1[%get3A_8, %get3A_9] : memref<10000x128xf32, #tpu.memory_space<vmem>>, vector<10000x128xf32>
    %mul3A = vector.broadcast %slice3A_7 : vector<10000x1xf32> to vector<10000x128xf32>
    %mul3A_11 = arith.mulf %get3A_10, %mul3A : vector<10000x128xf32>
    %swap3A = arith.constant 0 : index
    %swap3A_12 = arith.constant 0 : index
    %swap3A_13 = vector.load %arg3[%swap3A, %swap3A_12] : memref<10000x128xf32, #tpu.memory_space<vmem>>, vector<10000x128xf32>
    tpu.vector_store %arg3[%swap3A, %swap3A_12], %mul3A_11 {strides = array<i32>} : memref<10000x128xf32, #tpu.memory_space<vmem>>, vector<10000x128xf32>,
    return
  }
  func.func @transform_0(%arg0: i32) -> (i32, i32) {
    %c0_i32 = arith.constant 0 : i32
    %c0_i32_0 = arith.constant 0 : i32
    %c0_i32_1 = arith.constant 0 : i32
    return %c0_i32, %c0_i32_0 : i32, i32
  }
  func.func @transform_1(%arg0: i32) -> (i32, i32) {
    %c0_i32 = arith.constant 0 : i32
    %c0_i32_0 = arith.constant 0 : i32
    %c0_i32_1 = arith.constant 0 : i32
    return %c0_i32, %c0_i32_0 : i32, i32
  }
  func.func @transform_2(%arg0: i32) -> (i32, i32) {
    %c0_i32 = arith.constant 0 : i32
    %c0_i32_0 = arith.constant 0 : i32
    %c0_i32_1 = arith.constant 0 : i32
    return %c0_i32, %c0_i32_0 : i32, i32
  }
}

module attributes {stable_mosaic.version = 14 : i64} {
  func.func @_combine_body(%arg0: i32, %arg1: memref<1x10112x128xf32, #tpu.memory_space<vmem>>, %arg2: memref<1x10112x128xf32, #tpu.memory_space<vmem>>, %arg3: memref<10000x128xf32, #tpu.memory_space<vmem>>, %arg4: memref<2x10112xf32, #tpu.memory_space<vmem>>, %arg5: memref<128x128xf32, #tpu.memory_space<vmem>>, %arg6: memref<128x128xf32, #tpu.memory_space<vmem>>, %arg7: memref<1x128xf32, #tpu.memory_space<vmem>>, %arg8: memref<1x128xf32, #tpu.memory_space<vmem>>, %arg9: memref<10000x128xf32, #tpu.memory_space<vmem>>) attributes {dimension_semantics = [#tpu.dimension_semantics<arbitrary>], iteration_bounds = array<i64: 1>, scalar_prefetch = 0 : i64, scratch_operands = 0 : i64, tpu.core_type = #tpu.core_type<tc>, window_params = [{transform_indices = @transform_0, window_bounds = array<i64: 1, 10112, 128>}, {transform_indices = @transform_1, window_bounds = array<i64: 1, 10112, 128>}, {pipeline_mode = #tpu.pipeline_mode<synchronous>, transform_indices = @transform_2, window_bounds = array<i64: 10000, 128>}, {pipeline_mode = #tpu.pipeline_mode<synchronous>, transform_indices = @transform_3, window_bounds = array<i64: 2, 10112>}, {pipeline_mode = #tpu.pipeline_mode<synchronous>, transform_indices = @transform_4, window_bounds = array<i64: 128, 128>}, {pipeline_mode = #tpu.pipeline_mode<synchronous>, transform_indices = @transform_5, window_bounds = array<i64: 128, 128>}, {pipeline_mode = #tpu.pipeline_mode<synchronous>, transform_indices = @transform_6, window_bounds = array<i64: 1, 128>}, {pipeline_mode = #tpu.pipeline_mode<synchronous>, transform_indices = @transform_7, window_bounds = array<i64: 1, 128>}, {pipeline_mode = #tpu.pipeline_mode<synchronous>, transform_indices = @transform_8, window_bounds = array<i64: 10000, 128>}]} {
    %get3A = arith.constant 0 : index
    %get3A_0 = arith.constant 0 : index
    %get3A_1 = vector.load %arg4[%get3A, %get3A_0] : memref<2x10112xf32, #tpu.memory_space<vmem>>, vector<2x10112xf32>
    %slice3A = vector.extract_strided_slice %get3A_1 {offsets = [0, 0], sizes = [1, 10112], strides = [1, 1]} : vector<2x10112xf32> to vector<1x10112xf32>
    %squeeze3A = vector.shape_cast %slice3A : vector<1x10112xf32> to vector<10112xf32>
    %slice3A_2 = vector.extract_strided_slice %get3A_1 {offsets = [1, 0], sizes = [1, 10112], strides = [1, 1]} : vector<2x10112xf32> to vector<1x10112xf32>
    %squeeze3A_3 = vector.shape_cast %slice3A_2 : vector<1x10112xf32> to vector<10112xf32>
    %add3A = arith.addf %squeeze3A, %squeeze3A_3 : vector<10112xf32>
    %add3A_4 = arith.constant 1.000000e+00 : f32
    %add3A_5 = vector.broadcast %add3A_4 : f32 to vector<10112xf32>
    %add3A_6 = arith.addf %add3A, %add3A_5 : vector<10112xf32>
    %rsqrt3A = math.rsqrt %add3A_6 : vector<10112xf32>
    %broadcast_in_dim3A = vector.shape_cast %rsqrt3A : vector<10112xf32> to vector<10112x1xf32>
    %slice3A_7 = vector.extract_strided_slice %broadcast_in_dim3A {offsets = [0, 0], sizes = [10000, 1], strides = [1, 1]} : vector<10112x1xf32> to vector<10000x1xf32>
    %get3A_8 = arith.constant 0 : index
    %get3A_9 = arith.constant 0 : index
    %get3A_10 = arith.constant 0 : index
    %get3A_11 = vector.load %arg1[%get3A_8, %get3A_9, %get3A_10] : memref<1x10112x128xf32, #tpu.memory_space<vmem>>, vector<1x10000x128xf32>
    %get3A_12 = vector.shape_cast %get3A_11 : vector<1x10000x128xf32> to vector<10000x128xf32>
    %get3A_13 = arith.constant 0 : index
    %get3A_14 = arith.constant 0 : index
    %get3A_15 = arith.constant 0 : index
    %get3A_16 = vector.load %arg2[%get3A_13, %get3A_14, %get3A_15] : memref<1x10112x128xf32, #tpu.memory_space<vmem>>, vector<1x10000x128xf32>
    %get3A_17 = vector.shape_cast %get3A_16 : vector<1x10000x128xf32> to vector<10000x128xf32>
    %add3A_18 = arith.addf %get3A_12, %get3A_17 : vector<10000x128xf32>
    %mul3A = vector.broadcast %slice3A_7 : vector<10000x1xf32> to vector<10000x128xf32>
    %mul3A_19 = arith.mulf %mul3A, %add3A_18 : vector<10000x128xf32>
    %mul3A_20 = arith.mulf %slice3A_7, %slice3A_7 : vector<10000x1xf32>
    %get3A_21 = arith.constant 0 : index
    %get3A_22 = arith.constant 0 : index
    %get3A_23 = vector.load %arg3[%get3A_21, %get3A_22] : memref<10000x128xf32, #tpu.memory_space<vmem>>, vector<10000x128xf32>
    %mul3A_24 = vector.broadcast %mul3A_20 : vector<10000x1xf32> to vector<10000x128xf32>
    %mul3A_25 = arith.mulf %mul3A_24, %get3A_23 : vector<10000x128xf32>
    %add3A_26 = arith.addf %mul3A_19, %mul3A_25 : vector<10000x128xf32>
    %get3A_27 = arith.constant 0 : index
    %get3A_28 = arith.constant 0 : index
    %get3A_29 = vector.load %arg5[%get3A_27, %get3A_28] : memref<128x128xf32, #tpu.memory_space<vmem>>, vector<128x128xf32>
    %dot_general3A = arith.constant dense<0.000000e+00> : vector<10000x128xf32>
    %dot_general3A_30 = tpu.matmul %add3A_26, %get3A_29, %dot_general3A {dimension_numbers = #tpu.dot_dimension_numbers<[1], [1], [0], [0], [0, 0, 1, 0], [], []>, transpose_lhs_hint = false} : vector<10000x128xf32>, vector<128x128xf32>, vector<10000x128xf32> -> vector<10000x128xf32>
    %get3A_31 = arith.constant 0 : index
    %get3A_32 = arith.constant 0 : index
    %get3A_33 = vector.load %arg7[%get3A_31, %get3A_32] : memref<1x128xf32, #tpu.memory_space<vmem>>, vector<1x128xf32>
    %add3A_34 = vector.broadcast %get3A_33 : vector<1x128xf32> to vector<10000x128xf32>
    %add3A_35 = arith.addf %dot_general3A_30, %add3A_34 : vector<10000x128xf32>
    %get3A_36 = arith.constant 0 : index
    %get3A_37 = arith.constant 0 : index
    %get3A_38 = vector.load %arg6[%get3A_36, %get3A_37] : memref<128x128xf32, #tpu.memory_space<vmem>>, vector<128x128xf32>
    %dot_general3A_39 = arith.constant dense<0.000000e+00> : vector<10000x128xf32>
    %dot_general3A_40 = tpu.matmul %add3A_35, %get3A_38, %dot_general3A_39 {dimension_numbers = #tpu.dot_dimension_numbers<[1], [1], [0], [0], [0, 0, 1, 0], [], []>, transpose_lhs_hint = false} : vector<10000x128xf32>, vector<128x128xf32>, vector<10000x128xf32> -> vector<10000x128xf32>
    %swap3A = arith.constant 0 : index
    %swap3A_41 = arith.constant 0 : index
    %swap3A_42 = vector.load %arg9[%swap3A, %swap3A_41] : memref<10000x128xf32, #tpu.memory_space<vmem>>, vector<10000x128xf32>
    tpu.vector_store %arg9[%swap3A, %swap3A_41], %dot_general3A_40 {strides = array<i32>} : memref<10000x128xf32, #tpu.memory_space<vmem>>, vector<10000x128xf32>,
    %get3A_43 = arith.constant 0 : index
    %get3A_44 = arith.constant 0 : index
    %get3A_45 = vector.load %arg9[%get3A_43, %get3A_44] : memref<10000x128xf32, #tpu.memory_space<vmem>>, vector<10000x128xf32>
    %get3A_46 = arith.constant 0 : index
    %get3A_47 = arith.constant 0 : index
    %get3A_48 = vector.load %arg8[%get3A_46, %get3A_47] : memref<1x128xf32, #tpu.memory_space<vmem>>, vector<1x128xf32>
    %add3A_49 = vector.broadcast %get3A_48 : vector<1x128xf32> to vector<10000x128xf32>
    %add3A_50 = arith.addf %get3A_45, %add3A_49 : vector<10000x128xf32>
    %swap3A_51 = arith.constant 0 : index
    %swap3A_52 = arith.constant 0 : index
    %swap3A_53 = vector.load %arg9[%swap3A_51, %swap3A_52] : memref<10000x128xf32, #tpu.memory_space<vmem>>, vector<10000x128xf32>
    tpu.vector_store %arg9[%swap3A_51, %swap3A_52], %add3A_50 {strides = array<i32>} : memref<10000x128xf32, #tpu.memory_space<vmem>>, vector<10000x128xf32>,
    return
  }
  func.func @transform_0(%arg0: i32) -> (i32, i32, i32) {
    %c0_i32 = arith.constant 0 : i32
    %c0_i32_0 = arith.constant 0 : i32
    %c0_i32_1 = arith.constant 0 : i32
    %c0_i32_2 = arith.constant 0 : i32
    return %c0_i32, %c0_i32_0, %c0_i32_1 : i32, i32, i32
  }
  func.func @transform_1(%arg0: i32) -> (i32, i32, i32) {
    %c1_i32 = arith.constant 1 : i32
    %c0_i32 = arith.constant 0 : i32
    %c0_i32_0 = arith.constant 0 : i32
    %c0_i32_1 = arith.constant 0 : i32
    return %c1_i32, %c0_i32, %c0_i32_0 : i32, i32, i32
  }
  func.func @transform_2(%arg0: i32) -> (i32, i32) {
    %c0_i32 = arith.constant 0 : i32
    %c0_i32_0 = arith.constant 0 : i32
    %c0_i32_1 = arith.constant 0 : i32
    return %c0_i32, %c0_i32_0 : i32, i32
  }
  func.func @transform_3(%arg0: i32) -> (i32, i32) {
    %c0_i32 = arith.constant 0 : i32
    %c0_i32_0 = arith.constant 0 : i32
    %c0_i32_1 = arith.constant 0 : i32
    return %c0_i32, %c0_i32_0 : i32, i32
  }
  func.func @transform_4(%arg0: i32) -> (i32, i32) {
    %c0_i32 = arith.constant 0 : i32
    %c0_i32_0 = arith.constant 0 : i32
    %c0_i32_1 = arith.constant 0 : i32
    return %c0_i32, %c0_i32_0 : i32, i32
  }
  func.func @transform_5(%arg0: i32) -> (i32, i32) {
    %c0_i32 = arith.constant 0 : i32
    %c0_i32_0 = arith.constant 0 : i32
    %c0_i32_1 = arith.constant 0 : i32
    return %c0_i32, %c0_i32_0 : i32, i32
  }
  func.func @transform_6(%arg0: i32) -> (i32, i32) {
    %c0_i32 = arith.constant 0 : i32
    %c0_i32_0 = arith.constant 0 : i32
    %c0_i32_1 = arith.constant 0 : i32
    return %c0_i32, %c0_i32_0 : i32, i32
  }
  func.func @transform_7(%arg0: i32) -> (i32, i32) {
    %c0_i32 = arith.constant 0 : i32
    %c0_i32_0 = arith.constant 0 : i32
    %c0_i32_1 = arith.constant 0 : i32
    return %c0_i32, %c0_i32_0 : i32, i32
  }
  func.func @transform_8(%arg0: i32) -> (i32, i32) {
    %c0_i32 = arith.constant 0 : i32
    %c0_i32_0 = arith.constant 0 : i32
    %c0_i32_1 = arith.constant 0 : i32
    return %c0_i32, %c0_i32_0 : i32, i32
  }
}

</mosaic_0001>

<sc_bundles>
// kernel: kernel.6.cloned.1.call-start
scs
__scs_entry_jumppad:
0x0: {  	(pc) =	sbr.rel $0x88, $3  }
0x1: {  	(tag) =	ssettag $0x0;
	lr =	simm.s32 $0x1  }
0x2: {  	[smem:$0x3F9B] =	sst lr;
	_ =	strace $0xD0000000  }
0x3: {  	_ = 	snop  }
0x4: {  	_ = 	snop  }
0x5: {  	_ = 	snop  }
0x6: {  	_ = 	snop  }
0x7: {  	_ = 	snop  }
__scs_overlays_trampoline_lowered:
0x8: {  	[smem:$0x3FAA] =	sst s0  }
0x9: {  	[smem:$0x3FAB] =	sst s1  }
0xa: {  	[smem:$0x3FAC] =	sst s2  }
0xb: {  	[smem:$0x3FAD] =	sst s3  }
0xc: {  	[smem:$0x3FAE] =	sst s4  }
0xd: {  	[smem:$0x3FAF] =	sst s5  }
0xe: {  	[smem:$0x3FB0] =	sst s6  }
0xf: {  	[smem:$0x3FB1] =	sst s7  }
0x10: {  	[smem:$0x3FB2] =	sst s8  }
0x11: {  	[smem:$0x3FB3] =	sst s9;
	s0 =	simm.s32 @!p0 $0x0  }
0x12: {  	s1 =	sld [smem:$0x3F99];
	s0 =	simm.s32 @p0 $0x1  }
0x13: {  	[smem:$0x3FB4] =	sst s0;
	s0 =	simm.s32 @!p1 $0x0  }
0x14: {  	s2 =	sld [smem:$0x3F98];
	s0 =	simm.s32 @p1 $0x1  }
0x15: {  	[smem:$0x3FB5] =	sst s0;
	s0 =	simm.s32 @!p2 $0x0  }
0x16: {  	s3 =	sld [smem:$0x3FDB];
	s0 =	simm.s32 @p2 $0x1  }
0x17: {  	s4 =	simm.s32 $0x1BF5;
	[smem:$0x3FB7] =	sst s0  }
0x18: {  	s0 =	sld [smem:$0x3F9A];
	_ =	swait.ge [sflag:s4], $0x0  }
0x19: {  	s7 =	sld [smem:$0x3F9B]  }
0x1a: {  	s8 =	sadd.s32 $0xFFFFE003, lr  }
0x1b: {  	s9 =	sadd.s32 $0xFFFFFEF7, lr;
	s5 =	simm.s32 $0xFFFFFFFF;
	p2 =	slt.u32 s8, $0xFFFFF086  }
0x1c: {  	p1 =	slt.u32 s9, $0xF7A;
	s5 =	simm.s32 @!p2 $0x0  }
0x1d: {  	s5 =	simm.s32 @p1 $0x1;
	p0 =	seq.s32 s7, s2  }
0x1e: {  	s7 =	smul.u32 @!p0 $0xF7A, s2;
	p2 =	seq.s32 @!p0 s5, $0x0  }
0x1f: {  	s9 =	smul.u32 $0xF7A, s1;
	s8 =	simm.s32 @!p0 $0x1BF5;
	p2 =	por !p2, p0  }
0x20: {  	[sflag:s8] =	ssyncset.s32 @!p0 $0xFFFFF086;
	s6 =	sadd.s32 @!p0 s3, s7;
	s7 =	simm.s32 @!p0 $0x108  }
0x21: {  	s3 =	sadd.s32 s3, s9;
	s6 =	sadd.s32 @!p0 $0x88, s6;
	s7 =	simm.s32 @p2 $0x1082  }
0x22: {  	[simem:s7], [sflag:s8] =	dma.local @!p0 [hbm:s6], $0xF7A  }
0x23: {  	s9 =	sor.u32 $0xD0000000, s2;
	s6 =	simm.s32 $0x108;
	_ =	swait.ge @!p0 [sflag:s8], $0x0  }
0x24: {  	s3 =	sadd.s32 $0x88, s3;
	s6 =	simm.s32 @!p1 $0x1082;
	[sflag:s4] =	ssyncset.s32 $0xFFFFF086  }
0x25: {  	[simem:s6], [sflag:s4] =	dma.local [hbm:s3], $0xF7A  }
0x26: {  	[smem:$0x3F9B] =	sst s1;
	(tag) =	ssettag s2;
	_ =	strace s9  }
0x27: {  	s1 =	sld [smem:$0x3FAB]  }
0x28: {  	s2 =	sld [smem:$0x3FAC]  }
0x29: {  	s4 =	sld [smem:$0x3FAE]  }
0x2a: {  	p0 =	seq.s32 s5, $0x0;
	s5 =	sld [smem:$0x3FAF]  }
0x2b: {  	s6 =	sld [smem:$0x3FB0]  }
0x2c: {  	s7 =	sld [smem:$0x3FB1]  }
0x2d: {  	s3 =	simm.s32 $0x108;
	s8 =	sld [smem:$0x3FB2]  }
0x2e: {  	s3 =	simm.s32 @!p0 $0x1082;
	s9 =	sld [smem:$0x3FB3]  }
0x2f: {  	lr =	sadd.s32 s0, s3;
	s0 =	sld [smem:$0x3FAA]  }
0x30: {  	s3 =	sld [smem:$0x3FAD]  }
0x31: {  	[smem:$0x3FB6] =	sst s10  }
0x32: {  	s10 =	sld [smem:$0x3FB4];
	_ =	sdelay $0x3  }
0x33: {  	p0 =	seq.s32 s10, $0x1;
	s10 =	sld [smem:$0x3FB6];
	_ =	sdelay $0x3  }
0x34: {  	[smem:$0x3FB6] =	sst s10  }
0x35: {  	s10 =	sld [smem:$0x3FB5];
	_ =	sdelay $0x3  }
0x36: {  	p1 =	seq.s32 s10, $0x1;
	s10 =	sld [smem:$0x3FB6];
	_ =	sdelay $0x3  }
0x37: {  	[smem:$0x3FB6] =	sst s10  }
0x38: {  	s10 =	sld [smem:$0x3FB7]  }
0x39: {  	_ = 	snop;
	(pc) =	sbr.ind lr, $3  }
0x3a: {  	_ = 	snop  }
0x3b: {  	_ = 	snop  }
0x3c: {  	p2 =	seq.s32 s10, $0x1;
	s10 =	sld [smem:$0x3FB6]  }
0x3d: {  	_ =	shalt  }
0x3e: {  	_ =	shalt  }
0x3f: {  	_ =	shalt  }
0x40: {  	_ =	shalt  }
0x41: {  	_ =	shalt  }
0x42: {  	_ =	shalt  }
0x43: {  	_ =	shalt  }
0x44: {  	_ =	shalt  }
0x45: {  	_ =	shalt  }
0x46: {  	_ =	shalt  }
0x47: {  	_ =	shalt  }
0x48: {  	_ =	shalt  }
0x49: {  	_ =	shalt  }
0x4a: {  	_ =	shalt  }
0x4b: {  	_ =	shalt  }
0x4c: {  	_ =	shalt  }
0x4d: {  	_ =	shalt  }
0x4e: {  	_ =	shalt  }
0x4f: {  	_ =	shalt  }
0x50: {  	_ =	shalt  }
0x51: {  	_ =	shalt  }
0x52: {  	_ =	shalt  }
0x53: {  	_ =	shalt  }
0x54: {  	_ =	shalt  }
0x55: {  	_ =	shalt  }
0x56: {  	_ =	shalt  }
0x57: {  	_ =	shalt  }
0x58: {  	_ =	shalt  }
0x59: {  	_ =	shalt  }
0x5a: {  	_ =	shalt  }
0x5b: {  	_ =	shalt  }
0x5c: {  	_ =	shalt  }
0x5d: {  	_ =	shalt  }
0x5e: {  	_ =	shalt  }
0x5f: {  	_ =	shalt  }
0x60: {  	_ =	shalt  }
0x61: {  	_ =	shalt  }
0x62: {  	_ =	shalt  }
0x63: {  	_ =	shalt  }
0x64: {  	_ =	shalt  }
0x65: {  	_ =	shalt  }
0x66: {  	_ =	shalt  }
0x67: {  	_ =	shalt  }
0x68: {  	_ =	shalt  }
0x69: {  	_ =	shalt  }
0x6a: {  	_ =	shalt  }
0x6b: {  	_ =	shalt  }
0x6c: {  	_ =	shalt  }
0x6d: {  	_ =	shalt  }
0x6e: {  	_ =	shalt  }
0x6f: {  	_ =	shalt  }
0x70: {  	_ =	shalt  }
0x71: {  	_ =	shalt  }
0x72: {  	_ =	shalt  }
0x73: {  	_ =	shalt  }
0x74: {  	_ =	shalt  }
0x75: {  	_ =	shalt  }
0x76: {  	_ =	shalt  }
0x77: {  	_ =	shalt  }
0x78: {  	_ =	shalt  }
0x79: {  	_ =	shalt  }
0x7a: {  	_ =	shalt  }
0x7b: {  	_ =	shalt  }
0x7c: {  	_ =	shalt  }
0x7d: {  	_ =	shalt  }
0x7e: {  	_ =	shalt  }
0x7f: {  	_ =	shalt  }
0x80: {  	_ =	shalt  }
0x81: {  	_ =	shalt  }
0x82: {  	_ =	shalt  }
0x83: {  	_ =	shalt  }
0x84: {  	_ =	shalt  }
0x85: {  	_ =	shalt  }
0x86: {  	_ =	shalt  }
0x87: {  	_ =	shalt  }
.Lfunc_end0:
.L_simem_size_0:
called_computation_lowered:
.L_overlay_start_0:
0x88: {  	s2 =	sld [smem:$0x3FD9]  }
0x89: {  	s3 =	sld [smem:$0x3FFE];
	_ =	sdelay $0x1  }
0x8a: {  	s1 =	srdreg.scid  }
0x8b: {  	s0 =	sand.u32 $0x1, s1  }
0x8c: {  	s17 =	sshll.u32 s0, $0xA;
	s2 =	sadd.s32 s3, s2  }
0x8d: {  	s2 =	sadd.s32 s2, s17  }
0x8e: {  	[smem:$0x3FC2] =	sst s2  }
0x8f: {  	_ = 	snop  }
0x90: {  	s2 =	sld [smem:$0x3FD0];
	(tm) =	ssettm $0x1  }
0x91: {  	s18 =	sld [smem:$0x3FFB];
	_ =	sdelay $0x3  }
0x92: {  	_ =	strace s18  }
0x93: {  	s3 =	sld [smem:$0x3FFC];
	_ =	sdelay $0x3  }
0x94: {  	_ =	strace s3  }
0x95: {  	s3 =	sld [smem:$0x3FFD];
	_ =	sdelay $0x3  }
0x96: {  	_ =	strace s3  }
0x97: {  	_ =	strace $0x8FFFFFFF  }
0x98: {  	s19 =	sld [smem:$0x3FDB];
	_ =	sdelay $0x1  }
0x99: {  	s4 =	simm.s32 $_scs_section_size  }
0x9a: {  	s5 =	simm.s32 $_size__tile_overlayer_lowered;
	s6 =	simm.s32 $_tile_overlayer_lowered  }
0x9b: {  	s22 =	simm.s32 $0x1BFF;
	s21 =	sshll.u32 s6, $0x1;
	s3 =	sadd.s32 s4, s19  }
0x9c: {  	s7 =	simm.s32 $0x0;
	s20 =	sshll.u32 s5, $0x1;
	s5 =	sadd.s32 s21, s3  }
0x9d: {  	[timem:s7], [sflag:s22] =	dma.local [hbm:s5], s20  }
0x9e: {  	_ =	swait.ge [sflag:s22], s20  }
0x9f: {  	s4 =	ssub.s32 $0x0, s20;
	[sflag:s22] =	ssyncset.done $0x0  }
0xa0: {  	[sflag:s22] =	ssyncadd.s32 s4;
	_ =	sdelay $0x1  }
0xa1: {  	s23 =	simm.s32 $0x1B8B  }
0xa2: {  	_ =	swait.ge [sflag:s23], $0x1  }
0xa3: {  	[sflag:s23] =	ssyncset.done $0x0  }
0xa4: {  	s25 =	simm.s32 $0x1B8E;
	s24 =	sld [smem:$0x3FFE];
	[sflag:s23] =	ssyncadd.s32 $0xFFFFFFFF  }
0xa5: {  	s26 =	simm.s32 $execute0_lowered;
	[smem:$0x3FD2] =	sst s25  }
0xa6: {  	s5 =	sshll.u32 s26, $0x1;
	_ =	strace $0x80000046;
	[dreg:$0x1] =	wrdreg $0xFFFFFFFF  }
0xa7: {  	s28 =	simm.s32 $_size_execute0_lowered;
	s3 =	sadd.s32 s3, s5;
	[dreg:$0x0] =	wrdreg $0x0  }
0xa8: {  	s5 =	sshll.u32 s28, $0x1;
	[dreg:$0x2] =	wrdreg s3  }
0xa9: {  	[dreg:$0x3] =	wrdreg s5  }
0xaa: {  	[dreg:$0x4] =	wrdreg $0xC0  }
0xab: {  	_ =	task [dreg:s7], $0x5FFFF  }
0xac: {  	[dreg:$0x1] =	wrdreg $0xFFFFFFFF  }
0xad: {  	[dreg:$0x0] =	wrdreg $0x60  }
0xae: {  	[dreg:$0x2] =	wrdreg s24  }
0xaf: {  	[dreg:$0x3] =	wrdreg s2  }
0xb0: {  	[dreg:$0x4] =	wrdreg $0x8800  }
0xb1: {  	[dreg:$0x5] =	wrdreg $0x9  }
0xb2: {  	_ =	task.clear_ibuf [dreg:s7], $0x6FFFF;
	_ =	strace $0x90000046  }
0xb3: {  	s29 =	simm.s32 $0x9;
	_ =	strace $0x80000048  }
0xb4: {  	_ =	swait.ge [sflag:s29], $0x1  }
0xb5: {  	[sflag:s29] =	ssyncadd.s32 $0xFFFFFFFF  }
0xb6: {  	_ =	strace $0x90000048  }
0xb7: {  	_ =	sfence  }
0xb8: {  	s30 =	sld [smem:$0x0];
	_ =	sdelay $0x2  }
0xb9: {  	s31 =	sshll.u32 s1, $0xD;
	s1 =	sshrl.u32 s1, $0x2  }
0xba: {  	s3 =	sand.u32 $0x4000, s31;
	s1 =	sadd.s32 s1, s30  }
0xbb: {  	s0 =	sor.u32 s3, s0;
	s1 =	sshll.u32 s1, $0x11  }
0xbc: {  	s0 =	sor.u32 s1, s0  }
0xbd: {  	s0 =	sadd.s32 $0x8F2B, s0  }
0xbe: {  	[sflag:s0] =	ssyncadd.remote.s32 $0x1  }
0xbf: {  	_ =	sfence.sel $0xFFFF  }
0xc0: {  	[dreg:$0x0] =	wrdreg $0xFFFFFFFF;
	(pc) =	sbr.abs _section_cstart, $3  }
0xc1: {  	[dreg:$0x1] =	wrdreg $0xFFFFFFFF  }
0xc2: {  	_ =	task.clear_ibuf [dreg:s7], $0x2FFFF;
	_ =	strace $0x9FFFFFFF  }
0xc3: {  	(tm) =	ssettm $0x7FFFFFFF  }
tec
execute0_lowered:
.L_overlay_start_1:
0x0: {  	(tag) =	ssettag $0x1  }
0x1: {  	s0 =	rddreg [dreg:$0x0]  }
0x2: {  	s6 =	rddreg [dreg:$0x1]  }
0x3: {  	s1 =	rddreg [dreg:$0x2]  }
0x4: {  	s2 =	simm.s32 $0x0;
	s3 =	srdreg.scid;
	s9 =	stileid.u32  }
0x5: {  	s13 =	simm.s32 $0x100;
	s14 =	simm.s32 $0x180;
	s15 =	simm.s32 $0x200  }
0x6: {  	s16 =	simm.s32 $0x280;
	s17 =	simm.s32 $0x300;
	s18 =	simm.s32 $0x380  }
0x7: {  	s19 =	simm.s32 $0x400;
	s20 =	simm.s32 $0x480;
	s21 =	simm.s32 $0x500  }
0x8: {  	s22 =	simm.s32 $0x580;
	s23 =	simm.s32 $0x600;
	s24 =	simm.s32 $0x680  }
0x9: {  	s25 =	simm.s32 $0x700;
	s26 =	simm.s32 $0x780;
	s28 =	simm.s32 $0x1  }
0xa: {  	s29 =	simm.s32 $0x2;
	s30 =	simm.s32 $0x0;
	[smem:$0x7FF] =	sst s2  }
0xb: {  	s3 =	sand.u32 $0x1, s3;
	s8 =	sshll.u32 s9, $0x7;
	s10 =	sadd.s32 $0x1E00, s0  }
0xc: {  	s0 =	sadd.s32 $0x16200, s0;
	p0 =	sne.s32 s9, $0x0;
	_ =	strace $0x80000047  }
0xd: {  	s7 =	sshll.u32 s3, $0xB;
	s4 =	ssub.s32 $0x2, s3;
	s12 =	smul.u32 $0x4F0, s3  }
0xe: {  	[dreg:$0x4] =	wrdreg s0;
	s5 =	sor.u32 s8, s7;
	s11 =	sshrl.u32 s4, $0x1  }
0xf: {  	s9 =	sshrl.u32 @!p0 s1, $0x3;
	s5 =	sadd.s32 s10, s5;
	s31 =	ssub.s32 s4, s11  }
0x10: {  	s6 =	sadd.s32 s6, s12;
	s10 =	sadd.s32 s7, s10;
	s11 =	simm.s32 $0x80  }
0x11: {  	s12 =	simm.s32 $0x800;
	s4 =	sadd.s32 $0xA200, s5;
	s5 =	sadd.s32 $0xB200, s5  }
0x12: {  	v0 =	vimm.f32 $1.000000000e+00;
	s7 =	smax.u32 s31, $0x1;
	s8 =	sadd.s32 s8, s10;
	s10 =	simm.s32 $0x3  }
.LBB2_1:
0x13: {  	[tilespmem:$0x800] =	vst v0  }
0x14: {  	[tilespmem:$0x810] =	vst v0  }
0x15: {  	[tilespmem:$0x820] =	vst v0  }
0x16: {  	[tilespmem:$0x830] =	vst v0  }
0x17: {  	[tilespmem:$0x840] =	vst v0  }
0x18: {  	[tilespmem:$0x850] =	vst v0  }
0x19: {  	[tilespmem:$0x860] =	vst v0  }
0x1a: {  	[tilespmem:$0x870] =	vst v0;
	s0 =	simm.s32 @!p0 $0x1C03;
	s3 =	rddreg [dreg:$0x4]  }
0x1b: {  	[spmem:s9], [sflag:s0] =	dma.local @!p0 [hbm:s3], $0x4F0  }
0x1c: {  	s0 =	simm.s32 @!p0 $0x3  }
0x1d: {  	_ =	swait.ge @!p0 [sflag:s0], $0x4F0  }
0x1e: {  	[sflag:s0] =	ssyncset.done @!p0 $0x0  }
0x1f: {  	[sflag:s0] =	ssyncadd.s32 @!p0 $0xFFFFFB10  }
0x20: {  	[bflag:$0x0] =	sbarrier.arrive $0xFFFF  }
0x21: {  	_ =	sdelay $0x7ff  }
0x22: {  	_ =	sdelay $0x700  }
0x23: {  	[tilespmem:s2], [sflag:$0x3] =	stream.linear.gather [hbm4b:s4+s2], $0x400, $0x38;
	[tilespmem:$0xAF8] =	vst v63  }
0x24: {  	_ =	swait.ge [sflag:s10], $0x400  }
0x25: {  	[sflag:s10] =	ssyncset.done $0x0  }
0x26: {  	[sflag:s10] =	ssyncadd.s32 $0xFFFFFC00  }
0x27: {  	[spmem:s1] =	stream.indirect.scatter.add.f32 [tilespmem:s12], [sflag:$0x1], $0x1, s2, s11, $0xb8;
	[tilespmem:$0xAF8] =	vst v63  }
0x28: {  	_ = 	snop  }
0x29: {  	[spmem:s1] =	stream.indirect.scatter.add.f32 [tilespmem:s12], [sflag:$0x1], $0x1, s11, s11, $0xb8;
	[tilespmem:$0xAF8] =	vst v63  }
0x2a: {  	_ = 	snop  }
0x2b: {  	[spmem:s1] =	stream.indirect.scatter.add.f32 [tilespmem:s12], [sflag:$0x1], $0x1, s13, s11, $0xb8;
	[tilespmem:$0xAF8] =	vst v63  }
0x2c: {  	_ = 	snop  }
0x2d: {  	[spmem:s1] =	stream.indirect.scatter.add.f32 [tilespmem:s12], [sflag:$0x1], $0x1, s14, s11, $0xb8;
	[tilespmem:$0xAF8] =	vst v63  }
0x2e: {  	_ = 	snop  }
0x2f: {  	[spmem:s1] =	stream.indirect.scatter.add.f32 [tilespmem:s12], [sflag:$0x1], $0x1, s15, s11, $0xb8;
	[tilespmem:$0xAF8] =	vst v63  }
0x30: {  	_ = 	snop  }
0x31: {  	[spmem:s1] =	stream.indirect.scatter.add.f32 [tilespmem:s12], [sflag:$0x1], $0x1, s16, s11, $0xb8;
	[tilespmem:$0xAF8] =	vst v63  }
0x32: {  	_ = 	snop  }
0x33: {  	[spmem:s1] =	stream.indirect.scatter.add.f32 [tilespmem:s12], [sflag:$0x1], $0x1, s17, s11, $0xb8;
	[tilespmem:$0xAF8] =	vst v63  }
0x34: {  	_ = 	snop  }
0x35: {  	[spmem:s1] =	stream.indirect.scatter.add.f32 [tilespmem:s12], [sflag:$0x1], $0x1, s18, s11, $0xb8;
	[tilespmem:$0xAF8] =	vst v63  }
0x36: {  	_ = 	snop  }
0x37: {  	[tilespmem:s19], [sflag:$0x3] =	stream.linear.gather [hbm4b:s5+s2], $0x400, $0x38;
	[tilespmem:$0xAF8] =	vst v63  }
0x38: {  	_ =	swait.ge [sflag:s10], $0x400  }
0x39: {  	[sflag:s10] =	ssyncset.done $0x0  }
0x3a: {  	[sflag:s10] =	ssyncadd.s32 $0xFFFFFC00  }
0x3b: {  	[spmem:s1] =	stream.indirect.scatter.add.f32 [tilespmem:s12], [sflag:$0x2], $0x1, s19, s11, $0xb8;
	[tilespmem:$0xAF8] =	vst v63  }
0x3c: {  	_ = 	snop  }
0x3d: {  	[spmem:s1] =	stream.indirect.scatter.add.f32 [tilespmem:s12], [sflag:$0x2], $0x1, s20, s11, $0xb8;
	[tilespmem:$0xAF8] =	vst v63  }
0x3e: {  	_ = 	snop  }
0x3f: {  	[spmem:s1] =	stream.indirect.scatter.add.f32 [tilespmem:s12], [sflag:$0x2], $0x1, s21, s11, $0xb8;
	[tilespmem:$0xAF8] =	vst v63  }
0x40: {  	_ = 	snop  }
0x41: {  	[spmem:s1] =	stream.indirect.scatter.add.f32 [tilespmem:s12], [sflag:$0x2], $0x1, s22, s11, $0xb8;
	[tilespmem:$0xAF8] =	vst v63  }
0x42: {  	_ = 	snop  }
0x43: {  	[spmem:s1] =	stream.indirect.scatter.add.f32 [tilespmem:s12], [sflag:$0x2], $0x1, s23, s11, $0xb8;
	[tilespmem:$0xAF8] =	vst v63  }
0x44: {  	_ = 	snop  }
0x45: {  	[spmem:s1] =	stream.indirect.scatter.add.f32 [tilespmem:s12], [sflag:$0x2], $0x1, s24, s11, $0xb8;
	[tilespmem:$0xAF8] =	vst v63  }
0x46: {  	_ = 	snop  }
0x47: {  	[spmem:s1] =	stream.indirect.scatter.add.f32 [tilespmem:s12], [sflag:$0x2], $0x1, s25, s11, $0xb8;
	[tilespmem:$0xAF8] =	vst v63  }
0x48: {  	_ = 	snop  }
0x49: {  	[spmem:s1] =	stream.indirect.scatter.add.f32 [tilespmem:s12], [sflag:$0x2], $0x1, s26, s11, $0xb8;
	[tilespmem:$0xAF8] =	vst v63  }
0x4a: {  	_ =	swait.ge [sflag:s28], $0x80  }
0x4b: {  	[sflag:s28] =	ssyncset.done $0x0  }
0x4c: {  	[sflag:s28] =	ssyncadd.s32 $0xFFFFFF80  }
0x4d: {  	_ =	swait.ge [sflag:s28], $0x80  }
0x4e: {  	[sflag:s28] =	ssyncset.done $0x0  }
0x4f: {  	[sflag:s28] =	ssyncadd.s32 $0xFFFFFF80  }
0x50: {  	_ =	swait.ge [sflag:s28], $0x80  }
0x51: {  	[sflag:s28] =	ssyncset.done $0x0  }
0x52: {  	[sflag:s28] =	ssyncadd.s32 $0xFFFFFF80  }
0x53: {  	_ =	swait.ge [sflag:s28], $0x80  }
0x54: {  	[sflag:s28] =	ssyncset.done $0x0  }
0x55: {  	[sflag:s28] =	ssyncadd.s32 $0xFFFFFF80  }
0x56: {  	_ =	swait.ge [sflag:s28], $0x80  }
0x57: {  	[sflag:s28] =	ssyncset.done $0x0  }
0x58: {  	[sflag:s28] =	ssyncadd.s32 $0xFFFFFF80  }
0x59: {  	_ =	swait.ge [sflag:s28], $0x80  }
0x5a: {  	[sflag:s28] =	ssyncset.done $0x0  }
0x5b: {  	[sflag:s28] =	ssyncadd.s32 $0xFFFFFF80  }
0x5c: {  	_ =	swait.ge [sflag:s28], $0x80  }
0x5d: {  	[sflag:s28] =	ssyncset.done $0x0  }
0x5e: {  	[sflag:s28] =	ssyncadd.s32 $0xFFFFFF80  }
0x5f: {  	_ =	swait.ge [sflag:s28], $0x80  }
0x60: {  	s3 =	sadd.s32 $0xFFFF8000, s8;
	[sflag:s28] =	ssyncset.done $0x0  }
0x61: {  	s31 =	sadd.s32 $0x14200, s3;
	[sflag:s28] =	ssyncadd.s32 $0xFFFFFF80  }
0x62: {  	[tilespmem:s2], [sflag:$0x3] =	stream.linear.gather [hbm4b:s31+s2], $0x400, $0x38;
	[tilespmem:$0xAF8] =	vst v63  }
0x63: {  	_ =	swait.ge [sflag:s10], $0x400  }
0x64: {  	[sflag:s10] =	ssyncset.done $0x0  }
0x65: {  	[sflag:s10] =	ssyncadd.s32 $0xFFFFFC00  }
0x66: {  	[spmem:s1] =	stream.indirect.scatter.add.f32 [tilespmem:s12], [sflag:$0x1], $0x1, s2, s11, $0xb8;
	[tilespmem:$0xAF8] =	vst v63  }
0x67: {  	_ = 	snop  }
0x68: {  	[spmem:s1] =	stream.indirect.scatter.add.f32 [tilespmem:s12], [sflag:$0x1], $0x1, s11, s11, $0xb8;
	[tilespmem:$0xAF8] =	vst v63  }
0x69: {  	_ = 	snop  }
0x6a: {  	[spmem:s1] =	stream.indirect.scatter.add.f32 [tilespmem:s12], [sflag:$0x1], $0x1, s13, s11, $0xb8;
	[tilespmem:$0xAF8] =	vst v63  }
0x6b: {  	_ = 	snop  }
0x6c: {  	[spmem:s1] =	stream.indirect.scatter.add.f32 [tilespmem:s12], [sflag:$0x1], $0x1, s14, s11, $0xb8;
	[tilespmem:$0xAF8] =	vst v63  }
0x6d: {  	_ = 	snop  }
0x6e: {  	[spmem:s1] =	stream.indirect.scatter.add.f32 [tilespmem:s12], [sflag:$0x1], $0x1, s15, s11, $0xb8;
	[tilespmem:$0xAF8] =	vst v63  }
0x6f: {  	_ = 	snop  }
0x70: {  	[spmem:s1] =	stream.indirect.scatter.add.f32 [tilespmem:s12], [sflag:$0x1], $0x1, s16, s11, $0xb8;
	[tilespmem:$0xAF8] =	vst v63  }
0x71: {  	_ = 	snop  }
0x72: {  	[spmem:s1] =	stream.indirect.scatter.add.f32 [tilespmem:s12], [sflag:$0x1], $0x1, s17, s11, $0xb8;
	[tilespmem:$0xAF8] =	vst v63  }
0x73: {  	_ = 	snop  }
0x74: {  	[spmem:s1] =	stream.indirect.scatter.add.f32 [tilespmem:s12], [sflag:$0x1], $0x1, s18, s11, $0xb8;
	[tilespmem:$0xAF8] =	vst v63  }
0x75: {  	_ =	swait.ge [sflag:s29], $0x80  }
0x76: {  	[sflag:s29] =	ssyncset.done $0x0  }
0x77: {  	[sflag:s29] =	ssyncadd.s32 $0xFFFFFF80  }
0x78: {  	_ =	swait.ge [sflag:s29], $0x80  }
0x79: {  	[sflag:s29] =	ssyncset.done $0x0  }
0x7a: {  	[sflag:s29] =	ssyncadd.s32 $0xFFFFFF80  }
0x7b: {  	_ =	swait.ge [sflag:s29], $0x80  }
0x7c: {  	[sflag:s29] =	ssyncset.done $0x0  }
0x7d: {  	[sflag:s29] =	ssyncadd.s32 $0xFFFFFF80  }
0x7e: {  	_ =	swait.ge [sflag:s29], $0x80  }
0x7f: {  	[sflag:s29] =	ssyncset.done $0x0  }
0x80: {  	[sflag:s29] =	ssyncadd.s32 $0xFFFFFF80  }
0x81: {  	_ =	swait.ge [sflag:s29], $0x80  }
0x82: {  	[sflag:s29] =	ssyncset.done $0x0  }
0x83: {  	[sflag:s29] =	ssyncadd.s32 $0xFFFFFF80  }
0x84: {  	_ =	swait.ge [sflag:s29], $0x80  }
0x85: {  	[sflag:s29] =	ssyncset.done $0x0  }
0x86: {  	[sflag:s29] =	ssyncadd.s32 $0xFFFFFF80  }
0x87: {  	_ =	swait.ge [sflag:s29], $0x80  }
0x88: {  	[sflag:s29] =	ssyncset.done $0x0  }
0x89: {  	[sflag:s29] =	ssyncadd.s32 $0xFFFFFF80  }
0x8a: {  	_ =	swait.ge [sflag:s29], $0x80  }
0x8b: {  	[sflag:s29] =	ssyncset.done $0x0  }
0x8c: {  	s0 =	sadd.s32 $0x15200, s3;
	[sflag:s29] =	ssyncadd.s32 $0xFFFFFF80  }
0x8d: {  	[tilespmem:s19], [sflag:$0x3] =	stream.linear.gather [hbm4b:s0+s2], $0x400, $0x38;
	[tilespmem:$0xAF8] =	vst v63  }
0x8e: {  	_ =	swait.ge [sflag:s10], $0x400  }
0x8f: {  	[sflag:s10] =	ssyncset.done $0x0  }
0x90: {  	[sflag:s10] =	ssyncadd.s32 $0xFFFFFC00  }
0x91: {  	[spmem:s1] =	stream.indirect.scatter.add.f32 [tilespmem:s12], [sflag:$0x2], $0x1, s19, s11, $0xb8;
	[tilespmem:$0xAF8] =	vst v63  }
0x92: {  	_ = 	snop  }
0x93: {  	[spmem:s1] =	stream.indirect.scatter.add.f32 [tilespmem:s12], [sflag:$0x2], $0x1, s20, s11, $0xb8;
	[tilespmem:$0xAF8] =	vst v63  }
0x94: {  	_ = 	snop  }
0x95: {  	[spmem:s1] =	stream.indirect.scatter.add.f32 [tilespmem:s12], [sflag:$0x2], $0x1, s21, s11, $0xb8;
	[tilespmem:$0xAF8] =	vst v63  }
0x96: {  	_ = 	snop  }
0x97: {  	[spmem:s1] =	stream.indirect.scatter.add.f32 [tilespmem:s12], [sflag:$0x2], $0x1, s22, s11, $0xb8;
	[tilespmem:$0xAF8] =	vst v63  }
0x98: {  	_ = 	snop  }
0x99: {  	[spmem:s1] =	stream.indirect.scatter.add.f32 [tilespmem:s12], [sflag:$0x2], $0x1, s23, s11, $0xb8;
	[tilespmem:$0xAF8] =	vst v63  }
0x9a: {  	_ = 	snop  }
0x9b: {  	[spmem:s1] =	stream.indirect.scatter.add.f32 [tilespmem:s12], [sflag:$0x2], $0x1, s24, s11, $0xb8;
	[tilespmem:$0xAF8] =	vst v63  }
0x9c: {  	s31 =	simm.s32 $0xFFFFA000  }
0x9d: {  	[spmem:s1] =	stream.indirect.scatter.add.f32 [tilespmem:s12], [sflag:$0x2], $0x1, s25, s11, $0xb8;
	[tilespmem:$0xAF8] =	vst v63  }
.LBB2_2:
0x9e: {  	[spmem:s1] =	stream.indirect.scatter.add.f32 [tilespmem:s12], [sflag:$0x2], $0x1, s26, s11, $0xb8;
	[tilespmem:$0xAF8] =	vst v63  }
0x9f: {  	s0 =	smov.u32 s31  }
0xa0: {  	p1 =	sne.s32 s31, $0xFFFFE000;
	s31 =	sadd.s32 $0x2000, s31;
	_ =	swait.ge [sflag:s28], $0x80  }
0xa1: {  	[sflag:s28] =	ssyncset.done $0x0  }
0xa2: {  	[sflag:s28] =	ssyncadd.s32 $0xFFFFFF80  }
0xa3: {  	_ =	swait.ge [sflag:s28], $0x80  }
0xa4: {  	[sflag:s28] =	ssyncset.done $0x0  }
0xa5: {  	[sflag:s28] =	ssyncadd.s32 $0xFFFFFF80  }
0xa6: {  	_ =	swait.ge [sflag:s28], $0x80  }
0xa7: {  	[sflag:s28] =	ssyncset.done $0x0  }
0xa8: {  	[sflag:s28] =	ssyncadd.s32 $0xFFFFFF80  }
0xa9: {  	_ =	swait.ge [sflag:s28], $0x80  }
0xaa: {  	[sflag:s28] =	ssyncset.done $0x0  }
0xab: {  	[sflag:s28] =	ssyncadd.s32 $0xFFFFFF80  }
0xac: {  	_ =	swait.ge [sflag:s28], $0x80  }
0xad: {  	[sflag:s28] =	ssyncset.done $0x0  }
0xae: {  	[sflag:s28] =	ssyncadd.s32 $0xFFFFFF80  }
0xaf: {  	_ =	swait.ge [sflag:s28], $0x80  }
0xb0: {  	[sflag:s28] =	ssyncset.done $0x0  }
0xb1: {  	[sflag:s28] =	ssyncadd.s32 $0xFFFFFF80  }
0xb2: {  	_ =	swait.ge [sflag:s28], $0x80  }
0xb3: {  	[sflag:s28] =	ssyncset.done $0x0  }
0xb4: {  	[sflag:s28] =	ssyncadd.s32 $0xFFFFFF80  }
0xb5: {  	_ =	swait.ge [sflag:s28], $0x80  }
0xb6: {  	s0 =	sadd.s32 s0, s8;
	[sflag:s28] =	ssyncset.done $0x0  }
0xb7: {  	s3 =	sadd.s32 $0x14200, s0;
	[sflag:s28] =	ssyncadd.s32 $0xFFFFFF80  }
0xb8: {  	[tilespmem:s2], [sflag:$0x3] =	stream.linear.gather [hbm4b:s3+s2], $0x400, $0x38;
	[tilespmem:$0xAF8] =	vst v63  }
0xb9: {  	_ =	swait.ge [sflag:s10], $0x400  }
0xba: {  	[sflag:s10] =	ssyncset.done $0x0  }
0xbb: {  	[sflag:s10] =	ssyncadd.s32 $0xFFFFFC00  }
0xbc: {  	[spmem:s1] =	stream.indirect.scatter.add.f32 [tilespmem:s12], [sflag:$0x1], $0x1, s2, s11, $0xb8;
	[tilespmem:$0xAF8] =	vst v63  }
0xbd: {  	_ = 	snop  }
0xbe: {  	[spmem:s1] =	stream.indirect.scatter.add.f32 [tilespmem:s12], [sflag:$0x1], $0x1, s11, s11, $0xb8;
	[tilespmem:$0xAF8] =	vst v63  }
0xbf: {  	_ = 	snop  }
0xc0: {  	[spmem:s1] =	stream.indirect.scatter.add.f32 [tilespmem:s12], [sflag:$0x1], $0x1, s13, s11, $0xb8;
	[tilespmem:$0xAF8] =	vst v63  }
0xc1: {  	_ = 	snop  }
0xc2: {  	[spmem:s1] =	stream.indirect.scatter.add.f32 [tilespmem:s12], [sflag:$0x1], $0x1, s14, s11, $0xb8;
	[tilespmem:$0xAF8] =	vst v63  }
0xc3: {  	_ = 	snop  }
0xc4: {  	[spmem:s1] =	stream.indirect.scatter.add.f32 [tilespmem:s12], [sflag:$0x1], $0x1, s15, s11, $0xb8;
	[tilespmem:$0xAF8] =	vst v63  }
0xc5: {  	_ = 	snop  }
0xc6: {  	[spmem:s1] =	stream.indirect.scatter.add.f32 [tilespmem:s12], [sflag:$0x1], $0x1, s16, s11, $0xb8;
	[tilespmem:$0xAF8] =	vst v63  }
0xc7: {  	_ = 	snop  }
0xc8: {  	[spmem:s1] =	stream.indirect.scatter.add.f32 [tilespmem:s12], [sflag:$0x1], $0x1, s17, s11, $0xb8;
	[tilespmem:$0xAF8] =	vst v63  }
0xc9: {  	_ = 	snop  }
0xca: {  	[spmem:s1] =	stream.indirect.scatter.add.f32 [tilespmem:s12], [sflag:$0x1], $0x1, s18, s11, $0xb8;
	[tilespmem:$0xAF8] =	vst v63  }
0xcb: {  	_ =	swait.ge [sflag:s29], $0x80  }
0xcc: {  	[sflag:s29] =	ssyncset.done $0x0  }
0xcd: {  	[sflag:s29] =	ssyncadd.s32 $0xFFFFFF80  }
0xce: {  	_ =	swait.ge [sflag:s29], $0x80  }
0xcf: {  	[sflag:s29] =	ssyncset.done $0x0  }
0xd0: {  	[sflag:s29] =	ssyncadd.s32 $0xFFFFFF80  }
0xd1: {  	_ =	swait.ge [sflag:s29], $0x80  }
0xd2: {  	[sflag:s29] =	ssyncset.done $0x0  }
0xd3: {  	[sflag:s29] =	ssyncadd.s32 $0xFFFFFF80  }
0xd4: {  	_ =	swait.ge [sflag:s29], $0x80  }
0xd5: {  	[sflag:s29] =	ssyncset.done $0x0  }
0xd6: {  	[sflag:s29] =	ssyncadd.s32 $0xFFFFFF80  }
0xd7: {  	_ =	swait.ge [sflag:s29], $0x80  }
0xd8: {  	[sflag:s29] =	ssyncset.done $0x0  }
0xd9: {  	[sflag:s29] =	ssyncadd.s32 $0xFFFFFF80  }
0xda: {  	_ =	swait.ge [sflag:s29], $0x80  }
0xdb: {  	[sflag:s29] =	ssyncset.done $0x0  }
0xdc: {  	[sflag:s29] =	ssyncadd.s32 $0xFFFFFF80  }
0xdd: {  	_ =	swait.ge [sflag:s29], $0x80  }
0xde: {  	[sflag:s29] =	ssyncset.done $0x0  }
0xdf: {  	[sflag:s29] =	ssyncadd.s32 $0xFFFFFF80  }
0xe0: {  	_ =	swait.ge [sflag:s29], $0x80  }
0xe1: {  	[sflag:s29] =	ssyncset.done $0x0  }
0xe2: {  	s0 =	sadd.s32 $0x15200, s0;
	[sflag:s29] =	ssyncadd.s32 $0xFFFFFF80  }
0xe3: {  	[tilespmem:s19], [sflag:$0x3] =	stream.linear.gather [hbm4b:s0+s2], $0x400, $0x38;
	[tilespmem:$0xAF8] =	vst v63  }
0xe4: {  	_ =	swait.ge [sflag:s10], $0x400  }
0xe5: {  	[sflag:s10] =	ssyncset.done $0x0  }
0xe6: {  	[sflag:s10] =	ssyncadd.s32 $0xFFFFFC00  }
0xe7: {  	[spmem:s1] =	stream.indirect.scatter.add.f32 [tilespmem:s12], [sflag:$0x2], $0x1, s19, s11, $0xb8;
	[tilespmem:$0xAF8] =	vst v63  }
0xe8: {  	_ = 	snop  }
0xe9: {  	[spmem:s1] =	stream.indirect.scatter.add.f32 [tilespmem:s12], [sflag:$0x2], $0x1, s20, s11, $0xb8;
	[tilespmem:$0xAF8] =	vst v63  }
0xea: {  	_ = 	snop  }
0xeb: {  	[spmem:s1] =	stream.indirect.scatter.add.f32 [tilespmem:s12], [sflag:$0x2], $0x1, s21, s11, $0xb8;
	[tilespmem:$0xAF8] =	vst v63  }
0xec: {  	_ = 	snop  }
0xed: {  	[spmem:s1] =	stream.indirect.scatter.add.f32 [tilespmem:s12], [sflag:$0x2], $0x1, s22, s11, $0xb8;
	[tilespmem:$0xAF8] =	vst v63  }
0xee: {  	_ = 	snop  }
0xef: {  	[spmem:s1] =	stream.indirect.scatter.add.f32 [tilespmem:s12], [sflag:$0x2], $0x1, s23, s11, $0xb8;
	[tilespmem:$0xAF8] =	vst v63  }
.Ltmp0:
0xf0: {  	_ = 	snop;
	(pc) =	sbr.rel @p1 .LBB2_2-.Ltmp0, $4  }
0xf1: {  	_ = 	snop  }
0xf2: {  	[spmem:s1] =	stream.indirect.scatter.add.f32 [tilespmem:s12], [sflag:$0x2], $0x1, s24, s11, $0xb8;
	[tilespmem:$0xAF8] =	vst v63  }
0xf3: {  	_ = 	snop  }
0xf4: {  	[spmem:s1] =	stream.indirect.scatter.add.f32 [tilespmem:s12], [sflag:$0x2], $0x1, s25, s11, $0xb8;
	[tilespmem:$0xAF8] =	vst v63  }
0xf5: {  	[spmem:s1] =	stream.indirect.scatter.add.f32 [tilespmem:s12], [sflag:$0x2], $0x1, s26, s11, $0xb8;
	[tilespmem:$0xAF8] =	vst v63  }
0xf6: {  	_ =	swait.ge [sflag:s28], $0x80  }
0xf7: {  	[sflag:s28] =	ssyncset.done $0x0  }
0xf8: {  	[sflag:s28] =	ssyncadd.s32 $0xFFFFFF80  }
0xf9: {  	_ =	swait.ge [sflag:s28], $0x80  }
0xfa: {  	[sflag:s28] =	ssyncset.done $0x0  }
0xfb: {  	[sflag:s28] =	ssyncadd.s32 $0xFFFFFF80  }
0xfc: {  	_ =	swait.ge [sflag:s28], $0x80  }
0xfd: {  	[sflag:s28] =	ssyncset.done $0x0  }
0xfe: {  	[sflag:s28] =	ssyncadd.s32 $0xFFFFFF80  }
0xff: {  	_ =	swait.ge [sflag:s28], $0x80  }
0x100: {  	[sflag:s28] =	ssyncset.done $0x0  }
0x101: {  	[sflag:s28] =	ssyncadd.s32 $0xFFFFFF80  }
0x102: {  	_ =	swait.ge [sflag:s28], $0x80  }
0x103: {  	[sflag:s28] =	ssyncset.done $0x0  }
0x104: {  	[sflag:s28] =	ssyncadd.s32 $0xFFFFFF80  }
0x105: {  	_ =	swait.ge [sflag:s28], $0x80  }
0x106: {  	[sflag:s28] =	ssyncset.done $0x0  }
0x107: {  	[sflag:s28] =	ssyncadd.s32 $0xFFFFFF80  }
0x108: {  	_ =	swait.ge [sflag:s28], $0x80  }
0x109: {  	[sflag:s28] =	ssyncset.done $0x0  }
0x10a: {  	[sflag:s28] =	ssyncadd.s32 $0xFFFFFF80  }
0x10b: {  	_ =	swait.ge [sflag:s28], $0x80  }
0x10c: {  	[sflag:s28] =	ssyncset.done $0x0  }
0x10d: {  	[sflag:s28] =	ssyncadd.s32 $0xFFFFFF80  }
0x10e: {  	_ =	swait.ge [sflag:s29], $0x80  }
0x10f: {  	[sflag:s29] =	ssyncset.done $0x0  }
0x110: {  	[sflag:s29] =	ssyncadd.s32 $0xFFFFFF80  }
0x111: {  	_ =	swait.ge [sflag:s29], $0x80  }
0x112: {  	[sflag:s29] =	ssyncset.done $0x0  }
0x113: {  	[sflag:s29] =	ssyncadd.s32 $0xFFFFFF80  }
0x114: {  	_ =	swait.ge [sflag:s29], $0x80  }
0x115: {  	[sflag:s29] =	ssyncset.done $0x0  }
0x116: {  	[sflag:s29] =	ssyncadd.s32 $0xFFFFFF80  }
0x117: {  	_ =	swait.ge [sflag:s29], $0x80  }
0x118: {  	[sflag:s29] =	ssyncset.done $0x0  }
0x119: {  	[sflag:s29] =	ssyncadd.s32 $0xFFFFFF80  }
0x11a: {  	_ =	swait.ge [sflag:s29], $0x80  }
0x11b: {  	[sflag:s29] =	ssyncset.done $0x0  }
0x11c: {  	[sflag:s29] =	ssyncadd.s32 $0xFFFFFF80  }
0x11d: {  	_ =	swait.ge [sflag:s29], $0x80  }
0x11e: {  	[sflag:s29] =	ssyncset.done $0x0  }
0x11f: {  	[sflag:s29] =	ssyncadd.s32 $0xFFFFFF80  }
0x120: {  	_ =	swait.ge [sflag:s29], $0x80  }
0x121: {  	[sflag:s29] =	ssyncset.done $0x0  }
0x122: {  	[sflag:s29] =	ssyncadd.s32 $0xFFFFFF80  }
0x123: {  	_ =	swait.ge [sflag:s29], $0x80  }
0x124: {  	[sflag:s29] =	ssyncset.done $0x0  }
0x125: {  	[sflag:s29] =	ssyncadd.s32 $0xFFFFFF80  }
0x126: {  	[bflag:$0x0] =	sbarrier.arrive $0xFFFF  }
0x127: {  	s30 =	sadd.s32 $0x1, s30;
	_ =	sdelay $0x7ff  }
0x128: {  	s0 =	simm.s32 @!p0 $0x1C03;
	p1 =	sne.s32 s30, s7;
	_ =	sdelay $0x700  }
0x129: {  	[hbm:s6], [sflag:s0] =	dma.local @!p0 [spmem:s9], $0x4F0  }
.Ltmp1:
0x12a: {  	_ = 	snop;
	(pc) =	sbr.rel @p1 .LBB2_1-.Ltmp1, $4  }
0x12b: {  	s0 =	simm.s32 @!p0 $0x3  }
0x12c: {  	_ =	swait.ge @!p0 [sflag:s0], $0x4F0  }
0x12d: {  	[sflag:s0] =	ssyncset.done @!p0 $0x0  }
0x12e: {  	[sflag:s0] =	ssyncadd.s32 @!p0 $0xFFFFFB10  }
0x12f: {  	_ =	sfence.sel $0x180000  }
0x130: {  	[bflag:$0x0] =	sbarrier.arrive $0xFFFF  }
0x131: {  	_ =	strace $0x90000047  }
0x132: {  	[bflag:$0x2] =	sbarrier.arrive $0xFFFF  }
0x133: {  	s0 =	rddreg [dreg:$0x3]  }
0x134: {  	s0 =	sadd.s32 @!p0 $0x100000, s0  }
0x135: {  	[sflag:s0] =	ssyncadd.tile.s32 @!p0 $0x1;
	_ =	shalt  }
.Lfunc_end2:
_tile_overlayer_lowered:
.L_overlay_start_2:
0x136: {  	(tag) =	ssettag $0x2  }
0x137: {  	s0 =	rddreg [dreg:$0x0];
	s2 =	stileid.u32  }
0x138: {  	s1 =	rddreg [dreg:$0x1];
	p0 =	sne.s32 s2, $0x0  }
0x139: {  	s3 =	rddreg [dreg:$0x2];
	[bflag:$0x3] =	sbarrier.arrive $0xFFFF;
	s2 =	simm.s32 @!p0 $0x1C03  }
0x13a: {  	[timem:s3], [sflag:s2] =	dma.local @!p0 [hbm:s0], s1  }
0x13b: {  	s0 =	simm.s32 @!p0 $0x3  }
0x13c: {  	_ =	swait.ge @!p0 [sflag:s0], s1  }
0x13d: {  	s1 =	ssub.s32 @!p0 $0x0, s1;
	[sflag:s0] =	ssyncset.done @!p0 $0x0  }
0x13e: {  	[sflag:s0] =	ssyncadd.s32 @!p0 s1  }
0x13f: {  	[bflag:$0x3] =	sbarrier.arrive $0xFFFF  }
0x140: {  	_ =	shalt  }

// kernel: kernel.9.cloned.1.call-start
scs
__scs_entry_jumppad:
0x0: {  	(pc) =	sbr.rel $0x88, $3  }
0x1: {  	(tag) =	ssettag $0x0;
	lr =	simm.s32 $0x1  }
0x2: {  	[smem:$0x3F9B] =	sst lr;
	_ =	strace $0xD0000000  }
0x3: {  	_ = 	snop  }
0x4: {  	_ = 	snop  }
0x5: {  	_ = 	snop  }
0x6: {  	_ = 	snop  }
0x7: {  	_ = 	snop  }
__scs_overlays_trampoline_lowered:
0x8: {  	[smem:$0x3FAA] =	sst s0  }
0x9: {  	[smem:$0x3FAB] =	sst s1  }
0xa: {  	[smem:$0x3FAC] =	sst s2  }
0xb: {  	[smem:$0x3FAD] =	sst s3  }
0xc: {  	[smem:$0x3FAE] =	sst s4  }
0xd: {  	[smem:$0x3FAF] =	sst s5  }
0xe: {  	[smem:$0x3FB0] =	sst s6  }
0xf: {  	[smem:$0x3FB1] =	sst s7  }
0x10: {  	[smem:$0x3FB2] =	sst s8  }
0x11: {  	[smem:$0x3FB3] =	sst s9;
	s0 =	simm.s32 @!p0 $0x0  }
0x12: {  	s1 =	sld [smem:$0x3F99];
	s0 =	simm.s32 @p0 $0x1  }
0x13: {  	[smem:$0x3FB4] =	sst s0;
	s0 =	simm.s32 @!p1 $0x0  }
0x14: {  	s2 =	sld [smem:$0x3F98];
	s0 =	simm.s32 @p1 $0x1  }
0x15: {  	[smem:$0x3FB5] =	sst s0;
	s0 =	simm.s32 @!p2 $0x0  }
0x16: {  	s3 =	sld [smem:$0x3FDB];
	s0 =	simm.s32 @p2 $0x1  }
0x17: {  	s4 =	simm.s32 $0x1BF5;
	[smem:$0x3FB7] =	sst s0  }
0x18: {  	s0 =	sld [smem:$0x3F9A];
	_ =	swait.ge [sflag:s4], $0x0  }
0x19: {  	s7 =	sld [smem:$0x3F9B]  }
0x1a: {  	s8 =	sadd.s32 $0xFFFFE003, lr  }
0x1b: {  	s9 =	sadd.s32 $0xFFFFFEF7, lr;
	s5 =	simm.s32 $0xFFFFFFFF;
	p2 =	slt.u32 s8, $0xFFFFF086  }
0x1c: {  	p1 =	slt.u32 s9, $0xF7A;
	s5 =	simm.s32 @!p2 $0x0  }
0x1d: {  	s5 =	simm.s32 @p1 $0x1;
	p0 =	seq.s32 s7, s2  }
0x1e: {  	s7 =	smul.u32 @!p0 $0xF7A, s2;
	p2 =	seq.s32 @!p0 s5, $0x0  }
0x1f: {  	s9 =	smul.u32 $0xF7A, s1;
	s8 =	simm.s32 @!p0 $0x1BF5;
	p2 =	por !p2, p0  }
0x20: {  	[sflag:s8] =	ssyncset.s32 @!p0 $0xFFFFF086;
	s6 =	sadd.s32 @!p0 s3, s7;
	s7 =	simm.s32 @!p0 $0x108  }
0x21: {  	s3 =	sadd.s32 s3, s9;
	s6 =	sadd.s32 @!p0 $0x88, s6;
	s7 =	simm.s32 @p2 $0x1082  }
0x22: {  	[simem:s7], [sflag:s8] =	dma.local @!p0 [hbm:s6], $0xF7A  }
0x23: {  	s9 =	sor.u32 $0xD0000000, s2;
	s6 =	simm.s32 $0x108;
	_ =	swait.ge @!p0 [sflag:s8], $0x0  }
0x24: {  	s3 =	sadd.s32 $0x88, s3;
	s6 =	simm.s32 @!p1 $0x1082;
	[sflag:s4] =	ssyncset.s32 $0xFFFFF086  }
0x25: {  	[simem:s6], [sflag:s4] =	dma.local [hbm:s3], $0xF7A  }
0x26: {  	[smem:$0x3F9B] =	sst s1;
	(tag) =	ssettag s2;
	_ =	strace s9  }
0x27: {  	s1 =	sld [smem:$0x3FAB]  }
0x28: {  	s2 =	sld [smem:$0x3FAC]  }
0x29: {  	s4 =	sld [smem:$0x3FAE]  }
0x2a: {  	p0 =	seq.s32 s5, $0x0;
	s5 =	sld [smem:$0x3FAF]  }
0x2b: {  	s6 =	sld [smem:$0x3FB0]  }
0x2c: {  	s7 =	sld [smem:$0x3FB1]  }
0x2d: {  	s3 =	simm.s32 $0x108;
	s8 =	sld [smem:$0x3FB2]  }
0x2e: {  	s3 =	simm.s32 @!p0 $0x1082;
	s9 =	sld [smem:$0x3FB3]  }
0x2f: {  	lr =	sadd.s32 s0, s3;
	s0 =	sld [smem:$0x3FAA]  }
0x30: {  	s3 =	sld [smem:$0x3FAD]  }
0x31: {  	[smem:$0x3FB6] =	sst s10  }
0x32: {  	s10 =	sld [smem:$0x3FB4];
	_ =	sdelay $0x3  }
0x33: {  	p0 =	seq.s32 s10, $0x1;
	s10 =	sld [smem:$0x3FB6];
	_ =	sdelay $0x3  }
0x34: {  	[smem:$0x3FB6] =	sst s10  }
0x35: {  	s10 =	sld [smem:$0x3FB5];
	_ =	sdelay $0x3  }
0x36: {  	p1 =	seq.s32 s10, $0x1;
	s10 =	sld [smem:$0x3FB6];
	_ =	sdelay $0x3  }
0x37: {  	[smem:$0x3FB6] =	sst s10  }
0x38: {  	s10 =	sld [smem:$0x3FB7]  }
0x39: {  	_ = 	snop;
	(pc) =	sbr.ind lr, $3  }
0x3a: {  	_ = 	snop  }
0x3b: {  	_ = 	snop  }
0x3c: {  	p2 =	seq.s32 s10, $0x1;
	s10 =	sld [smem:$0x3FB6]  }
0x3d: {  	_ =	shalt  }
0x3e: {  	_ =	shalt  }
0x3f: {  	_ =	shalt  }
0x40: {  	_ =	shalt  }
0x41: {  	_ =	shalt  }
0x42: {  	_ =	shalt  }
0x43: {  	_ =	shalt  }
0x44: {  	_ =	shalt  }
0x45: {  	_ =	shalt  }
0x46: {  	_ =	shalt  }
0x47: {  	_ =	shalt  }
0x48: {  	_ =	shalt  }
0x49: {  	_ =	shalt  }
0x4a: {  	_ =	shalt  }
0x4b: {  	_ =	shalt  }
0x4c: {  	_ =	shalt  }
0x4d: {  	_ =	shalt  }
0x4e: {  	_ =	shalt  }
0x4f: {  	_ =	shalt  }
0x50: {  	_ =	shalt  }
0x51: {  	_ =	shalt  }
0x52: {  	_ =	shalt  }
0x53: {  	_ =	shalt  }
0x54: {  	_ =	shalt  }
0x55: {  	_ =	shalt  }
0x56: {  	_ =	shalt  }
0x57: {  	_ =	shalt  }
0x58: {  	_ =	shalt  }
0x59: {  	_ =	shalt  }
0x5a: {  	_ =	shalt  }
0x5b: {  	_ =	shalt  }
0x5c: {  	_ =	shalt  }
0x5d: {  	_ =	shalt  }
0x5e: {  	_ =	shalt  }
0x5f: {  	_ =	shalt  }
0x60: {  	_ =	shalt  }
0x61: {  	_ =	shalt  }
0x62: {  	_ =	shalt  }
0x63: {  	_ =	shalt  }
0x64: {  	_ =	shalt  }
0x65: {  	_ =	shalt  }
0x66: {  	_ =	shalt  }
0x67: {  	_ =	shalt  }
0x68: {  	_ =	shalt  }
0x69: {  	_ =	shalt  }
0x6a: {  	_ =	shalt  }
0x6b: {  	_ =	shalt  }
0x6c: {  	_ =	shalt  }
0x6d: {  	_ =	shalt  }
0x6e: {  	_ =	shalt  }
0x6f: {  	_ =	shalt  }
0x70: {  	_ =	shalt  }
0x71: {  	_ =	shalt  }
0x72: {  	_ =	shalt  }
0x73: {  	_ =	shalt  }
0x74: {  	_ =	shalt  }
0x75: {  	_ =	shalt  }
0x76: {  	_ =	shalt  }
0x77: {  	_ =	shalt  }
0x78: {  	_ =	shalt  }
0x79: {  	_ =	shalt  }
0x7a: {  	_ =	shalt  }
0x7b: {  	_ =	shalt  }
0x7c: {  	_ =	shalt  }
0x7d: {  	_ =	shalt  }
0x7e: {  	_ =	shalt  }
0x7f: {  	_ =	shalt  }
0x80: {  	_ =	shalt  }
0x81: {  	_ =	shalt  }
0x82: {  	_ =	shalt  }
0x83: {  	_ =	shalt  }
0x84: {  	_ =	shalt  }
0x85: {  	_ =	shalt  }
0x86: {  	_ =	shalt  }
0x87: {  	_ =	shalt  }
.Lfunc_end0:
.L_simem_size_0:
called_computation.1_lowered:
.L_overlay_start_0:
0x88: {  	s2 =	sld [smem:$0x3FD9]  }
0x89: {  	s3 =	sld [smem:$0x3FFE];
	_ =	sdelay $0x1  }
0x8a: {  	s1 =	srdreg.scid  }
0x8b: {  	s0 =	sand.u32 $0x1, s1  }
0x8c: {  	s17 =	sshll.u32 s0, $0xA;
	s2 =	sadd.s32 s3, s2  }
0x8d: {  	s2 =	sadd.s32 s2, s17  }
0x8e: {  	[smem:$0x3FC2] =	sst s2  }
0x8f: {  	_ = 	snop  }
0x90: {  	s2 =	sld [smem:$0x3FD0];
	(tm) =	ssettm $0x1  }
0x91: {  	s18 =	sld [smem:$0x3FFB];
	_ =	sdelay $0x3  }
0x92: {  	_ =	strace s18  }
0x93: {  	s3 =	sld [smem:$0x3FFC];
	_ =	sdelay $0x3  }
0x94: {  	_ =	strace s3  }
0x95: {  	s3 =	sld [smem:$0x3FFD];
	_ =	sdelay $0x3  }
0x96: {  	_ =	strace s3  }
0x97: {  	_ =	strace $0x8FFFFFFF  }
0x98: {  	s19 =	sld [smem:$0x3FDB];
	_ =	sdelay $0x1  }
0x99: {  	s4 =	simm.s32 $_scs_section_size  }
0x9a: {  	s5 =	simm.s32 $_size__tile_overlayer_lowered;
	s6 =	simm.s32 $_tile_overlayer_lowered  }
0x9b: {  	s22 =	simm.s32 $0x1BFF;
	s21 =	sshll.u32 s6, $0x1;
	s3 =	sadd.s32 s4, s19  }
0x9c: {  	s7 =	simm.s32 $0x0;
	s20 =	sshll.u32 s5, $0x1;
	s5 =	sadd.s32 s21, s3  }
0x9d: {  	[timem:s7], [sflag:s22] =	dma.local [hbm:s5], s20  }
0x9e: {  	_ =	swait.ge [sflag:s22], s20  }
0x9f: {  	s4 =	ssub.s32 $0x0, s20;
	[sflag:s22] =	ssyncset.done $0x0  }
0xa0: {  	[sflag:s22] =	ssyncadd.s32 s4;
	_ =	sdelay $0x1  }
0xa1: {  	s23 =	simm.s32 $0x1B8B  }
0xa2: {  	_ =	swait.ge [sflag:s23], $0x1  }
0xa3: {  	[sflag:s23] =	ssyncset.done $0x0  }
0xa4: {  	s25 =	simm.s32 $0x1B8E;
	s24 =	sld [smem:$0x3FFE];
	[sflag:s23] =	ssyncadd.s32 $0xFFFFFFFF  }
0xa5: {  	s26 =	simm.s32 $execute0_lowered;
	[smem:$0x3FD2] =	sst s25  }
0xa6: {  	s5 =	sshll.u32 s26, $0x1;
	_ =	strace $0x80000049;
	[dreg:$0x1] =	wrdreg $0xFFFFFFFF  }
0xa7: {  	s28 =	simm.s32 $_size_execute0_lowered;
	s3 =	sadd.s32 s3, s5;
	[dreg:$0x0] =	wrdreg $0x0  }
0xa8: {  	s5 =	sshll.u32 s28, $0x1;
	[dreg:$0x2] =	wrdreg s3  }
0xa9: {  	[dreg:$0x3] =	wrdreg s5  }
0xaa: {  	[dreg:$0x4] =	wrdreg $0xC0  }
0xab: {  	_ =	task [dreg:s7], $0x5FFFF  }
0xac: {  	[dreg:$0x1] =	wrdreg $0xFFFFFFFF  }
0xad: {  	[dreg:$0x0] =	wrdreg $0x60  }
0xae: {  	[dreg:$0x2] =	wrdreg s2  }
0xaf: {  	[dreg:$0x3] =	wrdreg s24  }
0xb0: {  	[dreg:$0x4] =	wrdreg $0xC3000  }
0xb1: {  	[dreg:$0x5] =	wrdreg $0x9  }
0xb2: {  	_ =	task.clear_ibuf [dreg:s7], $0x6FFFF;
	_ =	strace $0x90000049  }
0xb3: {  	s29 =	simm.s32 $0x9;
	_ =	strace $0x8000004B  }
0xb4: {  	_ =	swait.ge [sflag:s29], $0x1  }
0xb5: {  	[sflag:s29] =	ssyncadd.s32 $0xFFFFFFFF  }
0xb6: {  	_ =	strace $0x9000004B  }
0xb7: {  	_ =	sfence  }
0xb8: {  	s30 =	sld [smem:$0x0];
	_ =	sdelay $0x2  }
0xb9: {  	s31 =	sshll.u32 s1, $0xD;
	s1 =	sshrl.u32 s1, $0x2  }
0xba: {  	s3 =	sand.u32 $0x4000, s31;
	s1 =	sadd.s32 s1, s30  }
0xbb: {  	s0 =	sor.u32 s3, s0;
	s1 =	sshll.u32 s1, $0x11  }
0xbc: {  	s0 =	sor.u32 s1, s0  }
0xbd: {  	s0 =	sadd.s32 $0x8F2B, s0  }
0xbe: {  	[sflag:s0] =	ssyncadd.remote.s32 $0x1  }
0xbf: {  	_ =	sfence.sel $0xFFFF  }
0xc0: {  	[dreg:$0x0] =	wrdreg $0xFFFFFFFF;
	(pc) =	sbr.abs _section_cstart, $3  }
0xc1: {  	[dreg:$0x1] =	wrdreg $0xFFFFFFFF  }
0xc2: {  	_ =	task.clear_ibuf [dreg:s7], $0x2FFFF;
	_ =	strace $0x9FFFFFFF  }
0xc3: {  	(tm) =	ssettm $0x7FFFFFFF  }
tec
execute0_lowered:
.L_overlay_start_1:
0x0: {  	(tag) =	ssettag $0x1  }
0x1: {  	s2 =	rddreg [dreg:$0x0]  }
0x2: {  	s0 =	rddreg [dreg:$0x1]  }
0x3: {  	s3 =	rddreg [dreg:$0x2]  }
0x4: {  	s12 =	stileid.u32;
	s1 =	srdreg.scid  }
0x5: {  	s4 =	simm.s32 $0x0;
	s28 =	simm.s32 $0x300;
	s29 =	simm.s32 $0x4300  }
0x6: {  	s30 =	simm.s32 $0x8300;
	s31 =	simm.s32 $0x8;
	s5 =	smul.u32 $0x2780, s12  }
0x7: {  	s1 =	sand.u32 $0x1, s1;
	[smem:$0x7FF] =	sst s4;
	s9 =	sadd.s32 $0x1E00, s0  }
0x8: {  	s8 =	sshll.u32 s12, $0x7;
	s26 =	smul.u32 $0x4F000, s12;
	s15 =	sshll.u32 s12, $0x6  }
0x9: {  	s12 =	simm.s32 $0x0;
	s6 =	smul.u32 $0x27800, s1;
	_ =	strace $0x8000004A  }
0xa: {  	s25 =	sshll.u32 s1, $0xB;
	s1 =	ssub.s32 $0x2, s1;
	s11 =	sand.u32 $0x380, s8  }
0xb: {  	s7 =	sadd.s32 s5, s0;
	s13 =	sshrl.u32 s1, $0x1;
	s5 =	sadd.s32 s5, s6  }
0xc: {  	s6 =	sor.u32 s8, s25;
	s1 =	ssub.s32 s1, s13;
	s7 =	sadd.s32 $0x16200, s7  }
0xd: {  	s8 =	sor.u32 $0x1C09, s15;
	s0 =	sadd.s32 s5, s0;
	s10 =	sand.u32 $0xC00, s6  }
0xe: {  	s5 =	sshrl.u32 s26, $0x2;
	[dreg:$0x6] =	wrdreg s7;
	s17 =	sor.u32 $0x3000, s6  }
0xf: {  	s22 =	sor.u32 $0x5000, s6;
	s1 =	smax.u32 s1, $0x1;
	s6 =	sor.u32 $0x4000, s6  }
0x10: {  	s10 =	sor.u32 s11, s10;
	s5 =	sadd.s32 s5, s3;
	s0 =	sadd.s32 $0x3DA00, s0  }
0x11: {  	[dreg:$0xe] =	wrdreg s1;
	s23 =	sand.u32 $0x5C00, s22;
	s6 =	sand.u32 $0x4C00, s6  }
0x12: {  	s22 =	simm.s32 $0x180;
	[dreg:$0x5] =	wrdreg s5;
	s14 =	sshrl.u32 s10, $0x3  }
0x13: {  	[dreg:$0xd] =	wrdreg s0;
	s1 =	sor.u32 s11, s23;
	s6 =	sor.u32 s11, s6  }
0x14: {  	s23 =	simm.s32 $0x80;
	s10 =	simm.s32 $0x5;
	s16 =	sadd.s32 s9, s14  }
0x15: {  	s24 =	sadd.s32 $0x51000, s1;
	s5 =	sadd.s32 $0xA200, s16;
	[dreg:$0x7] =	wrdreg s16  }
0x16: {  	s25 =	sor.u32 $0x51000, s6;
	s18 =	sadd.s32 $0x200, s16;
	[dreg:$0x8] =	wrdreg s5  }
0x17: {  	s1 =	sshrl.u32 s1, $0x3;
	s19 =	sadd.s32 $0xA400, s16;
	[dreg:$0x9] =	wrdreg s18  }
0x18: {  	s26 =	sshrl.u32 s6, $0x3;
	s20 =	sadd.s32 $0x400, s16;
	[dreg:$0xa] =	wrdreg s19  }
0x19: {  	s6 =	simm.s32 $0x7;
	s7 =	sadd.s32 $0xA600, s16;
	[dreg:$0xb] =	wrdreg s20  }
0x1a: {  	s5 =	sand.u32 $0x3C00, s17;
	[dreg:$0xc] =	wrdreg s7;
	s18 =	sadd.s32 s1, s9  }
0x1b: {  	s20 =	sadd.s32 s26, s9;
	s26 =	simm.s32 $0x280;
	s5 =	sor.u32 s11, s5  }
0x1c: {  	s1 =	simm.s32 $0x2;
	s21 =	sadd.s32 $0x51000, s5;
	s5 =	sshrl.u32 s5, $0x3  }
0x1d: {  	s11 =	simm.s32 $0x6;
	s0 =	sshrl.u32 s21, $0x3;
	s16 =	sadd.s32 s5, s9  }
0x1e: {  	s21 =	simm.s32 $0x9;
	s5 =	simm.s32 $0x3;
	s0 =	sadd.s32 s0, s9  }
0x1f: {  	[dreg:$0x4] =	wrdreg s0;
	s0 =	sshrl.u32 s24, $0x3;
	s24 =	simm.s32 $0x200  }
0x20: {  	s17 =	sadd.s32 s0, s9;
	s0 =	sshrl.u32 s25, $0x3;
	s25 =	simm.s32 $0x100  }
0x21: {  	s19 =	sadd.s32 s0, s9;
	s0 =	simm.s32 $0x1;
	s9 =	simm.s32 $0x4  }
.LBB2_1:
0x22: {  	s7 =	rddreg [dreg:$0x5]  }
0x23: {  	s15 =	rddreg [dreg:$0x6];
	s13 =	sshrl.u32 s7, $0x3  }
0x24: {  	[spmem:s13], [sflag:s8] =	dma.local [hbm:s15], $0x2780  }
0x25: {  	_ =	swait.ge [sflag:s21], $0x2780  }
0x26: {  	[sflag:s21] =	ssyncset.done $0x0  }
0x27: {  	[sflag:s21] =	ssyncadd.s32 $0xFFFFD880  }
0x28: {  	[bflag:$0x0] =	sbarrier.arrive $0xFFFF  }
0x29: {  	_ =	sdelay $0x7ff  }
0x2a: {  	_ =	sdelay $0x700  }
0x2b: {  	s14 =	rddreg [dreg:$0x7]  }
0x2c: {  	[tilespmem:s4], [sflag:$0x9] =	stream.linear.gather [hbm4b:s14+s4], $0x80, $0x38;
	[tilespmem:$0x1FF00] =	vst v63  }
0x2d: {  	_ =	swait.ge [sflag:s21], $0x80  }
0x2e: {  	[sflag:s21] =	ssyncset.done $0x0  }
0x2f: {  	s15 =	rddreg [dreg:$0x8];
	[sflag:s21] =	ssyncadd.s32 $0xFFFFFF80  }
0x30: {  	[tilespmem:s22], [sflag:$0x8] =	stream.linear.gather [hbm4b:s15+s4], $0x80, $0x38;
	[tilespmem:$0x1FF00] =	vst v63  }
0x31: {  	s14 =	rddreg [dreg:$0x9]  }
0x32: {  	[tilespmem:s23], [sflag:$0x9] =	stream.linear.gather [hbm4b:s14+s4], $0x80, $0x38;
	[tilespmem:$0x1FF00] =	vst v63  }
0x33: {  	_ =	swait.ge [sflag:s21], $0x80  }
0x34: {  	[sflag:s21] =	ssyncset.done $0x0  }
0x35: {  	s15 =	rddreg [dreg:$0xa];
	[sflag:s21] =	ssyncadd.s32 $0xFFFFFF80  }
0x36: {  	[tilespmem:s24], [sflag:$0x8] =	stream.linear.gather [hbm4b:s15+s4], $0x80, $0x38;
	[tilespmem:$0x1FF00] =	vst v63  }
0x37: {  	s14 =	rddreg [dreg:$0xb]  }
0x38: {  	[tilespmem:s25], [sflag:$0x9] =	stream.linear.gather [hbm4b:s14+s4], $0x80, $0x38;
	[tilespmem:$0x1FF00] =	vst v63  }
0x39: {  	_ =	swait.ge [sflag:s21], $0x80  }
0x3a: {  	[sflag:s21] =	ssyncset.done $0x0  }
0x3b: {  	s15 =	rddreg [dreg:$0xc];
	[sflag:s21] =	ssyncadd.s32 $0xFFFFFF80  }
0x3c: {  	[tilespmem:s26], [sflag:$0x8] =	stream.linear.gather [hbm4b:s15+s4], $0x80, $0x38;
	[tilespmem:$0x1FF00] =	vst v63  }
0x3d: {  	_ = 	snop  }
0x3e: {  	[tilespmem:s28], [sflag:$0x1] =	stream.indirect.gather [hbm4b:s2+s23], $0x80, s4, s23, $0xb8;
	[tilespmem:$0x1FF00] =	vst v63  }
0x3f: {  	_ = 	snop  }
0x40: {  	[tilespmem:s29], [sflag:$0x2] =	stream.indirect.gather [hbm4b:s2+s23], $0x80, s23, s23, $0xb8;
	[tilespmem:$0x1FF00] =	vst v63  }
0x41: {  	_ = 	snop  }
0x42: {  	[tilespmem:s30], [sflag:$0x3] =	stream.indirect.gather [hbm4b:s2+s23], $0x80, s25, s23, $0xb8;
	[tilespmem:$0x1FF00] =	vst v63  }
0x43: {  	_ =	swait.ge [sflag:s31], $0x80  }
0x44: {  	[sflag:s31] =	ssyncset.done $0x0  }
0x45: {  	[sflag:s31] =	ssyncadd.s32 $0xFFFFFF80  }
0x46: {  	_ =	swait.ge [sflag:s31], $0x80  }
0x47: {  	[sflag:s31] =	ssyncset.done $0x0  }
0x48: {  	[sflag:s31] =	ssyncadd.s32 $0xFFFFFF80  }
0x49: {  	_ =	swait.ge [sflag:s31], $0x80  }
0x4a: {  	[sflag:s31] =	ssyncset.done $0x0  }
0x4b: {  	[sflag:s31] =	ssyncadd.s32 $0xFFFFFF80  }
0x4c: {  	_ =	swait.ge [sflag:s0], $0x4000  }
0x4d: {  	[sflag:s0] =	ssyncset.done $0x0  }
0x4e: {  	[sflag:s0] =	ssyncadd.s32 $0xFFFFC000  }
0x4f: {  	[spmem:s3] =	stream.indirect.scatter.add.f32 [tilespmem:s28], [sflag:$0x4], $0x80, s22, s23, $0xb8;
	[tilespmem:$0x1FF00] =	vst v63  }
0x50: {  	s14 =	sadd.s32 $0x0, s16  }
0x51: {  	[tilespmem:s4], [sflag:$0x7] =	stream.linear.gather [hbm4b:s14+s4], $0x80, $0x38;
	[tilespmem:$0x1FF00] =	vst v63  }
0x52: {  	_ =	swait.ge [sflag:s1], $0x4000  }
0x53: {  	[sflag:s1] =	ssyncset.done $0x0  }
0x54: {  	[sflag:s1] =	ssyncadd.s32 $0xFFFFC000  }
0x55: {  	[spmem:s3] =	stream.indirect.scatter.add.f32 [tilespmem:s29], [sflag:$0x5], $0x80, s24, s23, $0xb8;
	[tilespmem:$0x1FF00] =	vst v63  }
0x56: {  	s7 =	sadd.s32 $0x0, s20  }
0x57: {  	[tilespmem:s23], [sflag:$0x7] =	stream.linear.gather [hbm4b:s7+s4], $0x80, $0x38;
	[tilespmem:$0x1FF00] =	vst v63  }
0x58: {  	_ =	swait.ge [sflag:s5], $0x4000  }
0x59: {  	[sflag:s5] =	ssyncset.done $0x0  }
0x5a: {  	[sflag:s5] =	ssyncadd.s32 $0xFFFFC000  }
0x5b: {  	[spmem:s3] =	stream.indirect.scatter.add.f32 [tilespmem:s30], [sflag:$0x6], $0x80, s26, s23, $0xb8;
	[tilespmem:$0x1FF00] =	vst v63  }
0x5c: {  	s15 =	sadd.s32 $0x0, s18  }
0x5d: {  	[tilespmem:s25], [sflag:$0x7] =	stream.linear.gather [hbm4b:s15+s4], $0x80, $0x38;
	[tilespmem:$0x1FF00] =	vst v63  }
0x5e: {  	_ =	swait.ge [sflag:s6], $0x80  }
0x5f: {  	[sflag:s6] =	ssyncset.done $0x0  }
0x60: {  	[sflag:s6] =	ssyncadd.s32 $0xFFFFFF80  }
0x61: {  	_ =	swait.ge [sflag:s6], $0x80  }
0x62: {  	[sflag:s6] =	ssyncset.done $0x0  }
0x63: {  	[sflag:s6] =	ssyncadd.s32 $0xFFFFFF80  }
0x64: {  	_ =	swait.ge [sflag:s6], $0x80  }
0x65: {  	[sflag:s6] =	ssyncset.done $0x0  }
0x66: {  	[sflag:s6] =	ssyncadd.s32 $0xFFFFFF80  }
0x67: {  	_ =	swait.ge [sflag:s9], $0x4000  }
0x68: {  	[sflag:s9] =	ssyncset.done $0x0  }
0x69: {  	s7 =	rddreg [dreg:$0x4];
	[sflag:s9] =	ssyncadd.s32 $0xFFFFC000  }
0x6a: {  	[tilespmem:s28], [sflag:$0x1] =	stream.indirect.gather [hbm4b:s2+s23], $0x80, s4, s23, $0xb8;
	[tilespmem:$0x1FF00] =	vst v63  }
0x6b: {  	s14 =	sadd.s32 $0x0, s7  }
0x6c: {  	[tilespmem:s22], [sflag:$0x8] =	stream.linear.gather [hbm4b:s14+s4], $0x80, $0x38;
	[tilespmem:$0x1FF00] =	vst v63  }
0x6d: {  	_ =	swait.ge [sflag:s10], $0x4000  }
0x6e: {  	[sflag:s10] =	ssyncset.done $0x0  }
0x6f: {  	[sflag:s10] =	ssyncadd.s32 $0xFFFFC000  }
0x70: {  	[tilespmem:s29], [sflag:$0x2] =	stream.indirect.gather [hbm4b:s2+s23], $0x80, s23, s23, $0xb8;
	[tilespmem:$0x1FF00] =	vst v63  }
0x71: {  	s15 =	sadd.s32 $0x0, s19  }
0x72: {  	[tilespmem:s24], [sflag:$0x8] =	stream.linear.gather [hbm4b:s15+s4], $0x80, $0x38;
	[tilespmem:$0x1FF00] =	vst v63  }
0x73: {  	_ =	swait.ge [sflag:s11], $0x4000  }
0x74: {  	[sflag:s11] =	ssyncset.done $0x0  }
0x75: {  	s14 =	simm.s32 $0x600;
	s15 =	sadd.s32 $0x0, s17;
	[sflag:s11] =	ssyncadd.s32 $0xFFFFC000  }
0x76: {  	[tilespmem:s30], [sflag:$0x3] =	stream.indirect.gather [hbm4b:s2+s23], $0x80, s25, s23, $0xb8;
	[tilespmem:$0x1FF00] =	vst v63  }
.LBB2_2:
0x77: {  	[tilespmem:s26], [sflag:$0x8] =	stream.linear.gather [hbm4b:s15+s4], $0x80, $0x38;
	[tilespmem:$0x1FF00] =	vst v63  }
0x78: {  	_ =	swait.ge [sflag:s31], $0x80  }
0x79: {  	[sflag:s31] =	ssyncset.done $0x0  }
0x7a: {  	[sflag:s31] =	ssyncadd.s32 $0xFFFFFF80  }
0x7b: {  	_ =	swait.ge [sflag:s31], $0x80  }
0x7c: {  	[sflag:s31] =	ssyncset.done $0x0  }
0x7d: {  	[sflag:s31] =	ssyncadd.s32 $0xFFFFFF80  }
0x7e: {  	_ =	swait.ge [sflag:s31], $0x80  }
0x7f: {  	[sflag:s31] =	ssyncset.done $0x0  }
0x80: {  	[sflag:s31] =	ssyncadd.s32 $0xFFFFFF80  }
0x81: {  	_ =	swait.ge [sflag:s0], $0x4000  }
0x82: {  	[sflag:s0] =	ssyncset.done $0x0  }
0x83: {  	s15 =	smov.u32 s14;
	[sflag:s0] =	ssyncadd.s32 $0xFFFFC000  }
0x84: {  	[spmem:s3] =	stream.indirect.scatter.add.f32 [tilespmem:s28], [sflag:$0x4], $0x80, s22, s23, $0xb8;
	[tilespmem:$0x1FF00] =	vst v63  }
0x85: {  	s7 =	sadd.s32 s15, s16  }
0x86: {  	[tilespmem:s4], [sflag:$0x7] =	stream.linear.gather [hbm4b:s7+s4], $0x80, $0x38;
	[tilespmem:$0x1FF00] =	vst v63  }
0x87: {  	_ =	swait.ge [sflag:s1], $0x4000  }
0x88: {  	[sflag:s1] =	ssyncset.done $0x0  }
0x89: {  	[sflag:s1] =	ssyncadd.s32 $0xFFFFC000  }
0x8a: {  	[spmem:s3] =	stream.indirect.scatter.add.f32 [tilespmem:s29], [sflag:$0x5], $0x80, s24, s23, $0xb8;
	[tilespmem:$0x1FF00] =	vst v63  }
0x8b: {  	s7 =	sadd.s32 s15, s20  }
0x8c: {  	[tilespmem:s23], [sflag:$0x7] =	stream.linear.gather [hbm4b:s7+s4], $0x80, $0x38;
	[tilespmem:$0x1FF00] =	vst v63  }
0x8d: {  	_ =	swait.ge [sflag:s5], $0x4000  }
0x8e: {  	[sflag:s5] =	ssyncset.done $0x0  }
0x8f: {  	[sflag:s5] =	ssyncadd.s32 $0xFFFFC000  }
0x90: {  	[spmem:s3] =	stream.indirect.scatter.add.f32 [tilespmem:s30], [sflag:$0x6], $0x80, s26, s23, $0xb8;
	[tilespmem:$0x1FF00] =	vst v63  }
0x91: {  	s7 =	sadd.s32 s15, s18  }
0x92: {  	[tilespmem:s25], [sflag:$0x7] =	stream.linear.gather [hbm4b:s7+s4], $0x80, $0x38;
	[tilespmem:$0x1FF00] =	vst v63  }
0x93: {  	_ =	swait.ge [sflag:s6], $0x80  }
0x94: {  	[sflag:s6] =	ssyncset.done $0x0  }
0x95: {  	[sflag:s6] =	ssyncadd.s32 $0xFFFFFF80  }
0x96: {  	_ =	swait.ge [sflag:s6], $0x80  }
0x97: {  	[sflag:s6] =	ssyncset.done $0x0  }
0x98: {  	[sflag:s6] =	ssyncadd.s32 $0xFFFFFF80  }
0x99: {  	_ =	swait.ge [sflag:s6], $0x80  }
0x9a: {  	[sflag:s6] =	ssyncset.done $0x0  }
0x9b: {  	[sflag:s6] =	ssyncadd.s32 $0xFFFFFF80  }
0x9c: {  	_ =	swait.ge [sflag:s9], $0x4000  }
0x9d: {  	[sflag:s9] =	ssyncset.done $0x0  }
0x9e: {  	s7 =	rddreg [dreg:$0x4];
	[sflag:s9] =	ssyncadd.s32 $0xFFFFC000  }
0x9f: {  	[tilespmem:s28], [sflag:$0x1] =	stream.indirect.gather [hbm4b:s2+s23], $0x80, s4, s23, $0xb8;
	[tilespmem:$0x1FF00] =	vst v63  }
0xa0: {  	s7 =	sadd.s32 s15, s7  }
0xa1: {  	[tilespmem:s22], [sflag:$0x8] =	stream.linear.gather [hbm4b:s7+s4], $0x80, $0x38;
	[tilespmem:$0x1FF00] =	vst v63  }
0xa2: {  	_ =	swait.ge [sflag:s10], $0x4000  }
0xa3: {  	[sflag:s10] =	ssyncset.done $0x0  }
0xa4: {  	[sflag:s10] =	ssyncadd.s32 $0xFFFFC000  }
0xa5: {  	[tilespmem:s29], [sflag:$0x2] =	stream.indirect.gather [hbm4b:s2+s23], $0x80, s23, s23, $0xb8;
	[tilespmem:$0x1FF00] =	vst v63  }
0xa6: {  	p0 =	sne.s32 s14, $0x9600;
	s7 =	sadd.s32 s15, s19  }
0xa7: {  	[tilespmem:s24], [sflag:$0x8] =	stream.linear.gather [hbm4b:s7+s4], $0x80, $0x38;
	[tilespmem:$0x1FF00] =	vst v63  }
.Ltmp0:
0xa8: {  	_ = 	snop;
	(pc) =	sbr.rel @p0 .LBB2_2-.Ltmp0, $4  }
0xa9: {  	_ =	swait.ge [sflag:s11], $0x4000  }
0xaa: {  	[sflag:s11] =	ssyncset.done $0x0  }
0xab: {  	s14 =	sadd.s32 $0x600, s14;
	s15 =	sadd.s32 s15, s17;
	[sflag:s11] =	ssyncadd.s32 $0xFFFFC000  }
0xac: {  	[tilespmem:s30], [sflag:$0x3] =	stream.indirect.gather [hbm4b:s2+s23], $0x80, s25, s23, $0xb8;
	[tilespmem:$0x1FF00] =	vst v63  }
0xad: {  	[tilespmem:s26], [sflag:$0x8] =	stream.linear.gather [hbm4b:s15+s4], $0x80, $0x38;
	[tilespmem:$0x1FF00] =	vst v63  }
0xae: {  	_ =	swait.ge [sflag:s31], $0x80  }
0xaf: {  	[sflag:s31] =	ssyncset.done $0x0  }
0xb0: {  	[sflag:s31] =	ssyncadd.s32 $0xFFFFFF80  }
0xb1: {  	_ =	swait.ge [sflag:s31], $0x80  }
0xb2: {  	[sflag:s31] =	ssyncset.done $0x0  }
0xb3: {  	[sflag:s31] =	ssyncadd.s32 $0xFFFFFF80  }
0xb4: {  	_ =	swait.ge [sflag:s31], $0x80  }
0xb5: {  	[sflag:s31] =	ssyncset.done $0x0  }
0xb6: {  	[sflag:s31] =	ssyncadd.s32 $0xFFFFFF80  }
0xb7: {  	_ =	swait.ge [sflag:s0], $0x4000  }
0xb8: {  	[sflag:s0] =	ssyncset.done $0x0  }
0xb9: {  	[sflag:s0] =	ssyncadd.s32 $0xFFFFC000  }
0xba: {  	[spmem:s3] =	stream.indirect.scatter.add.f32 [tilespmem:s28], [sflag:$0x4], $0x80, s22, s23, $0xb8;
	[tilespmem:$0x1FF00] =	vst v63  }
0xbb: {  	_ =	swait.ge [sflag:s1], $0x4000  }
0xbc: {  	[sflag:s1] =	ssyncset.done $0x0  }
0xbd: {  	[sflag:s1] =	ssyncadd.s32 $0xFFFFC000  }
0xbe: {  	[spmem:s3] =	stream.indirect.scatter.add.f32 [tilespmem:s29], [sflag:$0x5], $0x80, s24, s23, $0xb8;
	[tilespmem:$0x1FF00] =	vst v63  }
0xbf: {  	_ =	swait.ge [sflag:s5], $0x4000  }
0xc0: {  	[sflag:s5] =	ssyncset.done $0x0  }
0xc1: {  	[sflag:s5] =	ssyncadd.s32 $0xFFFFC000  }
0xc2: {  	[spmem:s3] =	stream.indirect.scatter.add.f32 [tilespmem:s30], [sflag:$0x6], $0x80, s26, s23, $0xb8;
	[tilespmem:$0x1FF00] =	vst v63  }
0xc3: {  	_ =	swait.ge [sflag:s9], $0x4000  }
0xc4: {  	[sflag:s9] =	ssyncset.done $0x0  }
0xc5: {  	[sflag:s9] =	ssyncadd.s32 $0xFFFFC000  }
0xc6: {  	_ =	swait.ge [sflag:s10], $0x4000  }
0xc7: {  	[sflag:s10] =	ssyncset.done $0x0  }
0xc8: {  	[sflag:s10] =	ssyncadd.s32 $0xFFFFC000  }
0xc9: {  	_ =	swait.ge [sflag:s11], $0x4000  }
0xca: {  	[sflag:s11] =	ssyncset.done $0x0  }
0xcb: {  	[sflag:s11] =	ssyncadd.s32 $0xFFFFC000  }
0xcc: {  	[bflag:$0x0] =	sbarrier.arrive $0xFFFF  }
0xcd: {  	_ =	sdelay $0x7ff  }
0xce: {  	_ =	sdelay $0x700  }
0xcf: {  	s7 =	rddreg [dreg:$0xd]  }
0xd0: {  	[hbm:s7], [sflag:s8] =	dma.local [spmem:s13], $0x2780  }
0xd1: {  	_ =	swait.ge [sflag:s21], $0x2780  }
0xd2: {  	s12 =	sadd.s32 $0x1, s12;
	s15 =	rddreg [dreg:$0xe]  }
0xd3: {  	p0 =	sne.s32 s12, s15  }
.Ltmp1:
0xd4: {  	_ = 	snop;
	(pc) =	sbr.rel @p0 .LBB2_1-.Ltmp1, $3  }
0xd5: {  	_ =	sdelay $0x1  }
0xd6: {  	[sflag:s21] =	ssyncset.done $0x0  }
0xd7: {  	[sflag:s21] =	ssyncadd.s32 $0xFFFFD880  }
0xd8: {  	_ =	sfence.sel $0x180000  }
0xd9: {  	[bflag:$0x0] =	sbarrier.arrive $0xFFFF  }
0xda: {  	_ =	strace $0x9000004A  }
0xdb: {  	s0 =	stileid.u32;
	[bflag:$0x2] =	sbarrier.arrive $0xFFFF  }
0xdc: {  	p0 =	sne.s32 s0, $0x0;
	s0 =	rddreg [dreg:$0x3]  }
0xdd: {  	s0 =	sadd.s32 @!p0 $0x100000, s0  }
0xde: {  	[sflag:s0] =	ssyncadd.tile.s32 @!p0 $0x1;
	_ =	shalt  }
.Lfunc_end2:
_tile_overlayer_lowered:
.L_overlay_start_2:
0xdf: {  	(tag) =	ssettag $0x2  }
0xe0: {  	s0 =	rddreg [dreg:$0x0];
	s2 =	stileid.u32  }
0xe1: {  	s1 =	rddreg [dreg:$0x1];
	p0 =	sne.s32 s2, $0x0  }
0xe2: {  	s3 =	rddreg [dreg:$0x2];
	[bflag:$0x3] =	sbarrier.arrive $0xFFFF;
	s2 =	simm.s32 @!p0 $0x1C09  }
0xe3: {  	[timem:s3], [sflag:s2] =	dma.local @!p0 [hbm:s0], s1  }
0xe4: {  	s0 =	simm.s32 @!p0 $0x9  }
0xe5: {  	_ =	swait.ge @!p0 [sflag:s0], s1  }
0xe6: {  	s1 =	ssub.s32 @!p0 $0x0, s1;
	[sflag:s0] =	ssyncset.done @!p0 $0x0  }
0xe7: {  	[sflag:s0] =	ssyncadd.s32 @!p0 s1  }
0xe8: {  	[bflag:$0x3] =	sbarrier.arrive $0xFFFF  }
0xe9: {  	_ =	shalt  }

</sc_bundles>
